<compile_context>
chip_gen: v7x
topology: tpu7x:2x2x1
jax: 0.10.2.dev20260603
libtpu: 0.0.44.dev20260713+nightly
codegen_flags: <defaults>
</compile_context>

<pallas_src>
import jax
import jax.numpy as jnp
from jax import lax
from jax.experimental import pallas as pl
from jax.experimental.pallas import tpu as pltpu
from jax.experimental.pallas import tpu_sc as plsc

N = 10000
E = 320000
D = 128

NC = 2
NS = 16
NW = NC * NS
CH = 128
CPW = 79
E_PAD = NW * CPW * CH
N_ACC = 10112
NCH_ACC = N_ACC // CH
ZCH = 5
BE = 4096

_mesh = lambda: plsc.VectorSubcoreMesh(core_axis_name="c", subcore_axis_name="s")


def _prep_body(h_ref, roh_ref, coh_ref, rel_ref, rolemb_ref, colemb_ref,
               we1_ref, be1_ref, wn1_ref, bn1_ref,
               src_ref, dst_ref, relb_ref, extra_ref):
    f32 = jnp.float32
    h = h_ref[...]
    iota8 = lax.broadcasted_iota(jnp.int32, (1, 8), 1)
    roh = (roh_ref[...] == iota8).astype(f32)
    coh = (coh_ref[...] == iota8).astype(f32)
    rolemb = rolemb_ref[...]
    colemb = colemb_ref[...]

    def dot(a, b):
        return jnp.dot(a, b, preferred_element_type=f32)

    src = dot(h, we1_ref[0:128, :])
    src += dot(roh, dot(rolemb, we1_ref[272:280, :]))
    src += dot(coh, dot(colemb, we1_ref[288:296, :]))
    dst = dot(h, we1_ref[128:256, :])
    dst += dot(roh, dot(rolemb, we1_ref[280:288, :]))
    dst += dot(coh, dot(colemb, we1_ref[296:304, :]))
    src_ref[...] = src
    dst_ref[...] = dst
    relb_ref[...] = dot(rel_ref[...], we1_ref[256:272, :]) + be1_ref[...]
    extra = dot(roh, dot(rolemb, wn1_ref[256:264, :]))
    extra += dot(coh, dot(colemb, wn1_ref[264:272, :]))
    extra_ref[...] = extra + bn1_ref[...]


def _prep(h, roh, coh, rel_emb, rolemb, colemb, We1, be1, Wn1, bn1):
    return pl.pallas_call(
        _prep_body,
        out_shape=(
            jax.ShapeDtypeStruct((N, D), jnp.float32),
            jax.ShapeDtypeStruct((N, D), jnp.float32),
            jax.ShapeDtypeStruct((8, D), jnp.float32),
            jax.ShapeDtypeStruct((N, D), jnp.float32),
        ),
    )(h, roh, coh, rel_emb, rolemb, colemb, We1, be1.reshape(1, D), Wn1,
      bn1.reshape(1, D))


def _make_gather_body(npc):
    def body(src_hbm, dst_hbm, srci_hbm, dsti_hbm, out_hbm,
             idxs, idxd, bufs, bufd, bufo,
             gs0, gs1, os0, os1):
        wid = lax.axis_index("s") * NC + lax.axis_index("c")
        base = wid * npc * CH
        pltpu.sync_copy(srci_hbm.at[wid], idxs)
        pltpu.sync_copy(dsti_hbm.at[wid], idxd)
        gsems = (gs0, gs1)
        osems = (os0, os1)

        def issue(j, b):
            pltpu.async_copy(src_hbm.at[idxs.at[j]], bufs.at[b], gsems[b])
            pltpu.async_copy(dst_hbm.at[idxd.at[j]], bufd.at[b], gsems[b])

        def wait_gather(j, b):
            pltpu.make_async_copy(
                src_hbm.at[idxs.at[j]], bufs.at[b], gsems[b]).wait()
            pltpu.make_async_copy(
                dst_hbm.at[idxd.at[j]], bufd.at[b], gsems[b]).wait()

        def add_rows(b):
            def row(r, _):
                for cc in range(D // 16):
                    sl = pl.ds(cc * 16, 16)
                    bufo[b, r, sl] = bufs[b, r, sl] + bufd[b, r, sl]
                return 0
            lax.fori_loop(0, CH, row, 0)

        def drain_out(b):
            pltpu.make_async_copy(
                bufo.at[b], out_hbm.at[pl.ds(base, CH), :], osems[b]).wait()

        issue(0, 0)
        issue(1, 1)

        def outer(i, _):
            j0 = i * 2
            for b in range(2):
                j = j0 + b
                wait_gather(j, b)

                @pl.when(j >= 2)
                def _():
                    drain_out(b)

                add_rows(b)

                @pl.when(j + 2 < npc)
                def _():
                    issue(j + 2, b)

                pltpu.async_copy(
                    bufo.at[b], out_hbm.at[pl.ds(base + j * CH, CH), :],
                    osems[b])
            return 0

        lax.fori_loop(0, (npc - 1) // 2, outer, 0)
        j = npc - 1
        wait_gather(j, 0)
        drain_out(0)
        add_rows(0)
        pltpu.async_copy(
            bufo.at[0], out_hbm.at[pl.ds(base + j * CH, CH), :], os0)
        drain_out(0)
        pltpu.make_async_copy(
            bufo.at[1], out_hbm.at[pl.ds(base, CH), :], os1).wait()

    return body


def _gather(src_tab, dst_tab, srci, dsti, npc):
    k = pl.kernel(
        _make_gather_body(npc),
        out_type=jax.ShapeDtypeStruct((npc * CH * NW, D), jnp.float32),
        mesh=_mesh(),
        scratch_types=[
            pltpu.VMEM((npc, CH), jnp.int32),
            pltpu.VMEM((npc, CH), jnp.int32),
            pltpu.VMEM((2, CH, D), jnp.float32),
            pltpu.VMEM((2, CH, D), jnp.float32),
            pltpu.VMEM((2, CH, D), jnp.float32),
            pltpu.SemaphoreType.DMA,
            pltpu.SemaphoreType.DMA,
            pltpu.SemaphoreType.DMA,
            pltpu.SemaphoreType.DMA,
        ],
    )
    return k(src_tab, dst_tab, srci, dsti)


def _edge_body(pre_ref, rel_ref, relb_ref, we2_ref, be2_ref, out_ref):
    f32 = jnp.float32
    rel = rel_ref[0, 0, :]
    oh = (rel[:, None] == lax.broadcasted_iota(jnp.int32, (1, 8), 1)).astype(f32)
    pre1 = pre_ref[...] + jnp.dot(oh, relb_ref[...],
                                  preferred_element_type=f32)
    hid = pre1 * jax.nn.sigmoid(pre1)
    m = jnp.dot(hid, we2_ref[...], preferred_element_type=f32) + be2_ref[0:1, :]
    out_ref[...] = m * jax.nn.sigmoid(m)


def _edge_mlp(pre, rel3d, relb, We2, be2, npc):
    return pl.pallas_call(
        _edge_body,
        grid=(npc,),
        in_specs=[
            pl.BlockSpec((BE, D), lambda i: (i, 0)),
            pl.BlockSpec((1, 1, BE), lambda i: (i, 0, 0)),
            pl.BlockSpec((8, D), lambda i: (0, 0)),
            pl.BlockSpec((D, D), lambda i: (0, 0)),
            pl.BlockSpec((8, D), lambda i: (0, 0)),
        ],
        out_specs=pl.BlockSpec((BE, D), lambda i: (i, 0)),
        out_shape=jax.ShapeDtypeStruct((npc * BE, D), jnp.float32),
    )(pre, rel3d, relb, We2, jnp.broadcast_to(be2.reshape(1, D), (8, D)))


def _make_scatter_body(npc):
    def body(m_hbm, dsti_hbm, zeros_hbm, out_hbm,
             agg_sp, idxd, bufm, s0, s1):
        core = lax.axis_index("c")
        sid = lax.axis_index("s")
        wid = sid * NC + core
        base = wid * npc * CH
        sems = (s0, s1)

        pltpu.sync_copy(zeros_hbm, bufm.at[0])
        for k in range(ZCH):
            cid = sid * ZCH + k

            @pl.when(cid < NCH_ACC)
            def _():
                pltpu.sync_copy(bufm.at[0], agg_sp.at[pl.ds(cid * CH, CH), :])

        pltpu.sync_copy(dsti_hbm.at[wid], idxd)
        plsc.subcore_barrier()

        def issue(j, b):
            pltpu.async_copy(
                m_hbm.at[pl.ds(base + j * CH, CH), :], bufm.at[b], sems[b])

        def wait_in(j, b):
            pltpu.make_async_copy(
                m_hbm.at[pl.ds(base + j * CH, CH), :], bufm.at[b],
                sems[b]).wait()

        issue(0, 0)
        issue(1, 1)

        def outer(i, _):
            j0 = i * 2
            for b in range(2):
                j = j0 + b
                wait_in(j, b)
                pltpu.sync_copy(bufm.at[b], agg_sp.at[idxd.at[j]], add=True)

                @pl.when(j + 2 < npc)
                def _():
                    issue(j + 2, b)
            return 0

        lax.fori_loop(0, (npc - 1) // 2, outer, 0)
        j = npc - 1
        wait_in(j, 0)
        pltpu.sync_copy(bufm.at[0], agg_sp.at[idxd.at[j]], add=True)

        plsc.subcore_barrier()
        for k in range(ZCH):
            cid = sid * ZCH + k

            @pl.when(cid < NCH_ACC)
            def _():
                pltpu.sync_copy(agg_sp.at[pl.ds(cid * CH, CH), :], bufm.at[0])
                pltpu.sync_copy(bufm.at[0],
                                out_hbm.at[core, pl.ds(cid * CH, CH), :])

    return body


def _scatter(m, dsti, zeros128, npc):
    k = pl.kernel(
        _make_scatter_body(npc),
        out_type=jax.ShapeDtypeStruct((NC, N_ACC, D), jnp.float32),
        mesh=_mesh(),
        scratch_types=[
            pltpu.VMEM_SHARED((N_ACC, D), jnp.float32),
            pltpu.VMEM((npc, CH), jnp.int32),
            pltpu.VMEM((2, CH, D), jnp.float32),
            pltpu.SemaphoreType.DMA,
            pltpu.SemaphoreType.DMA,
        ],
    )
    return k(m, dsti, zeros128)


def _node_body(h_ref, agg1_ref, extra_ref, wn1_ref, wn2_ref, bn2_ref,
               g_ref, b_ref, out_ref):
    f32 = jnp.float32
    h = h_ref[...]
    agg = agg1_ref[0, :N, :] + agg1_ref[1, :N, :]
    pre = jnp.dot(h, wn1_ref[0:128, :], preferred_element_type=f32)
    pre += jnp.dot(agg, wn1_ref[128:256, :], preferred_element_type=f32)
    pre += extra_ref[...]
    u = pre * jax.nn.sigmoid(pre)
    upd = jnp.dot(u, wn2_ref[...], preferred_element_type=f32) + bn2_ref[...]
    x = h + upd
    mu = jnp.mean(x, axis=-1, keepdims=True)
    xc = x - mu
    var = jnp.mean(xc * xc, axis=-1, keepdims=True)
    out_ref[...] = xc * lax.rsqrt(var + 1e-5) * g_ref[...] + b_ref[...]


def _node_mlp(h, agg1, extra, Wn1, Wn2, bn2, g, b):
    return pl.pallas_call(
        _node_body,
        out_shape=jax.ShapeDtypeStruct((N, D), jnp.float32),
    )(h, agg1, extra, Wn1, Wn2, bn2.reshape(1, D), g.reshape(1, D),
      b.reshape(1, D))


def kernel(h, edge_index, edge_relation, node_color_rep, node_role,
           rel_emb, role_emb, color_emb,
           We1, be1, We2, be2, Wn1, bn1, Wn2, bn2, ln_g, ln_b):
    i32 = jnp.int32
    f32 = jnp.float32
    src = edge_index[0].astype(i32)
    dst = edge_index[1].astype(i32)
    rel = edge_relation.astype(i32)
    pad = E_PAD - E
    srci = jnp.concatenate([src, jnp.zeros((pad,), i32)]).reshape(NW, CPW, CH)
    dsti = jnp.concatenate([dst, jnp.zeros((pad,), i32)]).reshape(NW, CPW, CH)
    dsts = jnp.concatenate([dst, jnp.full((pad,), N, i32)]).reshape(NW, CPW, CH)
    rel3d = jnp.concatenate([rel, jnp.zeros((pad,), i32)]).reshape(CPW, 1, BE)
    role_c = node_role.astype(i32).reshape(N, 1)
    color_c = node_color_rep.astype(i32).reshape(N, 1)
    rolemb = jnp.zeros((8, 8), f32).at[:4, :].set(role_emb.astype(f32))
    colemb = jnp.zeros((8, 8), f32).at[:3, :].set(color_emb.astype(f32))
    zeros128 = jnp.zeros((CH, D), f32)

    src_tab, dst_tab, relb, extra = _prep(
        h, role_c, color_c, rel_emb, rolemb, colemb, We1, be1, Wn1, bn1)
    pre1 = _gather(src_tab, dst_tab, srci, dsti, CPW)
    m = _edge_mlp(pre1, rel3d, relb, We2, be2, CPW)
    agg = _scatter(m, dsts, zeros128, CPW)
    return _node_mlp(h, agg, extra, Wn1, Wn2, bn2, ln_g, ln_b)

# --- scband reference (transcript-rebuilt; emitter-appended) ---
"""Pipeline reference for scband-color-flow-layer-47141561040938 (READ-ONLY COPY).

The authoritative reference and input builder live on the scoring server;
editing this copy changes nothing except your own understanding.
"""

import jax, jax.numpy as jnp
import numpy as np

N = 10000
E = 320000
D = 128
REL_DIM = 16
ROLE_DIM = 8
COLOR_DIM = 8
NUM_REL = 8
NUM_ROLE = 4
NUM_COLOR = 3
EDGE_IN = D * 2 + REL_DIM + 2 * ROLE_DIM + 2 * COLOR_DIM  # 304
NODE_IN = D * 2 + ROLE_DIM + COLOR_DIM  # 272


def silu(x):
    return x * jax.nn.sigmoid(x)


def layernorm(x, g, b, eps=1e-5):
    mu = jnp.mean(x, axis=-1, keepdims=True)
    var = jnp.var(x, axis=-1, keepdims=True)
    return (x - mu) / jnp.sqrt(var + eps) * g + b


def setup_inputs(seed: int = 0) -> dict:
    key = jax.random.key(seed)
    ks = jax.random.split(key, 20)
    h = jax.random.normal(ks[0], (N, D), dtype=jnp.float32)
    edge_index = jax.random.randint(ks[1], (2, E), 0, N)
    edge_relation = jax.random.randint(ks[2], (E,), 0, NUM_REL)
    node_color_rep = jax.random.randint(ks[3], (N,), 0, NUM_COLOR)
    node_role = jax.random.randint(ks[4], (N,), 0, NUM_ROLE)
    rel_emb = jax.random.normal(ks[5], (NUM_REL, REL_DIM), dtype=jnp.float32) * 0.02
    role_emb = jax.random.normal(ks[6], (NUM_ROLE, ROLE_DIM), dtype=jnp.float32) * 0.02
    color_emb = jax.random.normal(ks[7], (NUM_COLOR, COLOR_DIM), dtype=jnp.float32) * 0.02
    We1 = jax.random.normal(ks[8], (EDGE_IN, D), dtype=jnp.float32) * (1.0 / np.sqrt(EDGE_IN))
    be1 = jnp.zeros((D,), dtype=jnp.float32)
    We2 = jax.random.normal(ks[9], (D, D), dtype=jnp.float32) * (1.0 / np.sqrt(D))
    be2 = jnp.zeros((D,), dtype=jnp.float32)
    Wn1 = jax.random.normal(ks[10], (NODE_IN, D), dtype=jnp.float32) * (1.0 / np.sqrt(NODE_IN))
    bn1 = jnp.zeros((D,), dtype=jnp.float32)
    Wn2 = jax.random.normal(ks[11], (D, D), dtype=jnp.float32) * (1.0 / np.sqrt(D))
    bn2 = jnp.zeros((D,), dtype=jnp.float32)
    ln_g = jnp.ones((D,), dtype=jnp.float32)
    ln_b = jnp.zeros((D,), dtype=jnp.float32)
    return {
        'h': h, 'edge_index': edge_index, 'edge_relation': edge_relation,
        'node_color_rep': node_color_rep, 'node_role': node_role,
        'rel_emb': rel_emb, 'role_emb': role_emb, 'color_emb': color_emb,
        'We1': We1, 'be1': be1, 'We2': We2, 'be2': be2,
        'Wn1': Wn1, 'bn1': bn1, 'Wn2': Wn2, 'bn2': bn2,
        'ln_g': ln_g, 'ln_b': ln_b,
    }


def reference(h, edge_index, edge_relation, node_color_rep, node_role,
              rel_emb, role_emb, color_emb,
              We1, be1, We2, be2, Wn1, bn1, Wn2, bn2, ln_g, ln_b):
    src = edge_index[0]
    dst = edge_index[1]
    edge_input = jnp.concatenate([
        h[src], h[dst],
        rel_emb[edge_relation],
        role_emb[node_role[src]], role_emb[node_role[dst]],
        color_emb[node_color_rep[src]], color_emb[node_color_rep[dst]],
    ], axis=-1)
    m = silu(edge_input @ We1 + be1)
    m = silu(m @ We2 + be2)
    agg = jax.ops.segment_sum(m, dst, num_segments=h.shape[0])
    node_input = jnp.concatenate([
        h, agg, role_emb[node_role], color_emb[node_color_rep],
    ], axis=-1)
    update = silu(node_input @ Wn1 + bn1)
    update = update @ Wn2 + bn2
    return layernorm(h + update, ln_g, ln_b)

if __name__ == "__main__":
    import jax
    _d = setup_inputs()
    print(jax.jit(kernel)(*tuple(_d.values())))

</pallas_src>

<mosaic_0001>
#map = affine_map<(d0, d1) -> (0, 0)>
#map1 = affine_map<(d0, d1) -> (0, 0, 0)>
module attributes {stable_mosaic.version = 14 : i64} {
  func.func @body(%arg0: i32, %arg1: i32, %arg2: memref<10000x128xf32, #tpu.memory_space<hbm>>, %arg3: memref<10000x128xf32, #tpu.memory_space<hbm>>, %arg4: memref<32x79x128xi32, #tpu.memory_space<hbm>>, %arg5: memref<32x79x128xi32, #tpu.memory_space<hbm>>, %arg6: memref<323584x128xf32, #tpu.memory_space<hbm>>, %arg7: memref<79x128xi32, #tpu.memory_space<vmem>>, %arg8: memref<79x128xi32, #tpu.memory_space<vmem>>, %arg9: memref<2x128x128xf32, #tpu.memory_space<vmem>>, %arg10: memref<2x128x128xf32, #tpu.memory_space<vmem>>, %arg11: memref<2x128x128xf32, #tpu.memory_space<vmem>>, %arg12: memref<!tpu.dma_semaphore, #tpu.memory_space<semaphore_mem>>, %arg13: memref<!tpu.dma_semaphore, #tpu.memory_space<semaphore_mem>>, %arg14: memref<!tpu.dma_semaphore, #tpu.memory_space<semaphore_mem>>, %arg15: memref<!tpu.dma_semaphore, #tpu.memory_space<semaphore_mem>>) attributes {dimension_semantics = [#tpu.dimension_semantics<core_parallel>, #tpu.dimension_semantics<subcore_parallel>], iteration_bounds = array<i64: 2, 16>, scalar_prefetch = 0 : i64, scratch_operands = 9 : i64, tpu.core_type = #tpu.core_type<sc_vector_subcore>, window_params = [{transform_indices = #map}, {transform_indices = #map}, {transform_indices = #map1}, {transform_indices = #map1}, {transform_indices = #map}]} {
    %mul3A = arith.constant 2 : i32
    %mul3A_0 = arith.muli %arg1, %mul3A : i32
    %add3A = arith.addi %mul3A_0, %arg0 : i32
    %mul3A_1 = arith.constant 79 : i32
    %mul3A_2 = arith.muli %add3A, %mul3A_1 : i32
    %mul3A_3 = arith.constant 128 : i32
    %mul3A_4 = arith.muli %mul3A_2, %mul3A_3 : i32
    "tpu.region"() ({
      %run_scoped3A = tpu.sem_alloc : memref<!tpu.dma_semaphore, #tpu.memory_space<semaphore_mem>>
      %dma_start3A_142 = arith.constant 0 : i32
      %dma_start3A_143 = arith.constant 0 : i32
      %dma_start3A_144 = tpu.memref_slice %arg4[%add3A, %dma_start3A_142, %dma_start3A_143] : memref<32x79x128xi32, #tpu.memory_space<hbm>> -> memref<1x79x128xi32, #tpu.memory_space<hbm>>
      %dma_start3A_145 = tpu.memref_squeeze %dma_start3A_144 : memref<1x79x128xi32, #tpu.memory_space<hbm>> -> memref<79x128xi32, #tpu.memory_space<hbm>>
      %dma_start3A_146 = arith.constant 0 : i32
      %dma_start3A_147 = arith.constant 0 : i32
      %dma_start3A_148 = tpu.memref_slice %arg4[%add3A, %dma_start3A_146, %dma_start3A_147] : memref<32x79x128xi32, #tpu.memory_space<hbm>> -> memref<1x79x128xi32, #tpu.memory_space<hbm>>
      %dma_start3A_149 = tpu.memref_squeeze %dma_start3A_148 : memref<1x79x128xi32, #tpu.memory_space<hbm>> -> memref<79x128xi32, #tpu.memory_space<hbm>>
      tpu.enqueue_dma source(%dma_start3A_149 : memref<79x128xi32, #tpu.memory_space<hbm>>) target(%arg7 : memref<79x128xi32, #tpu.memory_space<vmem>>) target_semaphore(%run_scoped3A : memref<!tpu.dma_semaphore, #tpu.memory_space<semaphore_mem>>)
      %dma_wait3A_150 = arith.constant 0 : i32
      %dma_wait3A_151 = arith.constant 0 : i32
      %dma_wait3A_152 = tpu.memref_slice %arg4[%add3A, %dma_wait3A_150, %dma_wait3A_151] : memref<32x79x128xi32, #tpu.memory_space<hbm>> -> memref<1x79x128xi32, #tpu.memory_space<hbm>>
      %dma_wait3A_153 = tpu.memref_squeeze %dma_wait3A_152 : memref<1x79x128xi32, #tpu.memory_space<hbm>> -> memref<79x128xi32, #tpu.memory_space<hbm>>
      %dma_wait3A_154 = arith.constant 0 : i32
      %dma_wait3A_155 = arith.constant 0 : i32
      %dma_wait3A_156 = tpu.memref_slice %arg4[%add3A, %dma_wait3A_154, %dma_wait3A_155] : memref<32x79x128xi32, #tpu.memory_space<hbm>> -> memref<1x79x128xi32, #tpu.memory_space<hbm>>
      %dma_wait3A_157 = tpu.memref_squeeze %dma_wait3A_156 : memref<1x79x128xi32, #tpu.memory_space<hbm>> -> memref<79x128xi32, #tpu.memory_space<hbm>>
      tpu.wait_dma2 semaphore(%run_scoped3A : memref<!tpu.dma_semaphore, #tpu.memory_space<semaphore_mem>>) src(%dma_wait3A_157 : memref<79x128xi32, #tpu.memory_space<hbm>>) dst(%arg7 : memref<79x128xi32, #tpu.memory_space<vmem>>)
      tpu.yield
    }) : () -> ()
    "tpu.region"() ({
      %run_scoped3A = tpu.sem_alloc : memref<!tpu.dma_semaphore, #tpu.memory_space<semaphore_mem>>
      %dma_start3A_142 = arith.constant 0 : i32
      %dma_start3A_143 = arith.constant 0 : i32
      %dma_start3A_144 = tpu.memref_slice %arg5[%add3A, %dma_start3A_142, %dma_start3A_143] : memref<32x79x128xi32, #tpu.memory_space<hbm>> -> memref<1x79x128xi32, #tpu.memory_space<hbm>>
      %dma_start3A_145 = tpu.memref_squeeze %dma_start3A_144 : memref<1x79x128xi32, #tpu.memory_space<hbm>> -> memref<79x128xi32, #tpu.memory_space<hbm>>
      %dma_start3A_146 = arith.constant 0 : i32
      %dma_start3A_147 = arith.constant 0 : i32
      %dma_start3A_148 = tpu.memref_slice %arg5[%add3A, %dma_start3A_146, %dma_start3A_147] : memref<32x79x128xi32, #tpu.memory_space<hbm>> -> memref<1x79x128xi32, #tpu.memory_space<hbm>>
      %dma_start3A_149 = tpu.memref_squeeze %dma_start3A_148 : memref<1x79x128xi32, #tpu.memory_space<hbm>> -> memref<79x128xi32, #tpu.memory_space<hbm>>
      tpu.enqueue_dma source(%dma_start3A_149 : memref<79x128xi32, #tpu.memory_space<hbm>>) target(%arg8 : memref<79x128xi32, #tpu.memory_space<vmem>>) target_semaphore(%run_scoped3A : memref<!tpu.dma_semaphore, #tpu.memory_space<semaphore_mem>>)
      %dma_wait3A_150 = arith.constant 0 : i32
      %dma_wait3A_151 = arith.constant 0 : i32
      %dma_wait3A_152 = tpu.memref_slice %arg5[%add3A, %dma_wait3A_150, %dma_wait3A_151] : memref<32x79x128xi32, #tpu.memory_space<hbm>> -> memref<1x79x128xi32, #tpu.memory_space<hbm>>
      %dma_wait3A_153 = tpu.memref_squeeze %dma_wait3A_152 : memref<1x79x128xi32, #tpu.memory_space<hbm>> -> memref<79x128xi32, #tpu.memory_space<hbm>>
      %dma_wait3A_154 = arith.constant 0 : i32
      %dma_wait3A_155 = arith.constant 0 : i32
      %dma_wait3A_156 = tpu.memref_slice %arg5[%add3A, %dma_wait3A_154, %dma_wait3A_155] : memref<32x79x128xi32, #tpu.memory_space<hbm>> -> memref<1x79x128xi32, #tpu.memory_space<hbm>>
      %dma_wait3A_157 = tpu.memref_squeeze %dma_wait3A_156 : memref<1x79x128xi32, #tpu.memory_space<hbm>> -> memref<79x128xi32, #tpu.memory_space<hbm>>
      tpu.wait_dma2 semaphore(%run_scoped3A : memref<!tpu.dma_semaphore, #tpu.memory_space<semaphore_mem>>) src(%dma_wait3A_157 : memref<79x128xi32, #tpu.memory_space<hbm>>) dst(%arg8 : memref<79x128xi32, #tpu.memory_space<vmem>>)
      tpu.yield
    }) : () -> ()
    %dma_start3A = arith.constant 0 : i32
    %dma_start3A_5 = arith.constant 0 : i32
    %dma_start3A_6 = arith.constant 0 : i32
    %dma_start3A_7 = arith.constant 0 : i32
    %dma_start3A_8 = tpu.memref_slice %arg9[%dma_start3A_5, %dma_start3A_6, %dma_start3A_7] : memref<2x128x128xf32, #tpu.memory_space<vmem>> -> memref<1x128x128xf32, #tpu.memory_space<vmem>>
    %dma_start3A_9 = tpu.memref_squeeze %dma_start3A_8 : memref<1x128x128xf32, #tpu.memory_space<vmem>> -> memref<128x128xf32, #tpu.memory_space<vmem>>
    %dma_start3A_10 = arith.constant 0 : i32
    %dma_start3A_11 = tpu.memref_slice %arg7[%dma_start3A, %dma_start3A_10] : memref<79x128xi32, #tpu.memory_space<vmem>> -> memref<1x128xi32, #tpu.memory_space<vmem>>
    %dma_start3A_12 = tpu.memref_squeeze %dma_start3A_11 : memref<1x128xi32, #tpu.memory_space<vmem>> -> memref<128xi32, #tpu.memory_space<vmem>>
    %dma_start3A_13 = arith.constant 0 : i32
    %dma_start3A_14 = arith.constant 0 : i32
    %dma_start3A_15 = tpu.memref_slice %arg2[%dma_start3A_13, %dma_start3A_14] : memref<10000x128xf32, #tpu.memory_space<hbm>> -> memref<10000x128xf32, #tpu.memory_space<hbm>>
    tpu.enqueue_indirect_dma source(%dma_start3A_15 : memref<10000x128xf32, #tpu.memory_space<hbm>>) target(%dma_start3A_9 : memref<128x128xf32, #tpu.memory_space<vmem>>) offsets(%dma_start3A_12 : memref<128xi32, #tpu.memory_space<vmem>>) semaphore(%arg12 : memref<!tpu.dma_semaphore, #tpu.memory_space<semaphore_mem>>)
    %dma_start3A_16 = arith.constant 0 : i32
    %dma_start3A_17 = arith.constant 0 : i32
    %dma_start3A_18 = arith.constant 0 : i32
    %dma_start3A_19 = arith.constant 0 : i32
    %dma_start3A_20 = tpu.memref_slice %arg10[%dma_start3A_17, %dma_start3A_18, %dma_start3A_19] : memref<2x128x128xf32, #tpu.memory_space<vmem>> -> memref<1x128x128xf32, #tpu.memory_space<vmem>>
    %dma_start3A_21 = tpu.memref_squeeze %dma_start3A_20 : memref<1x128x128xf32, #tpu.memory_space<vmem>> -> memref<128x128xf32, #tpu.memory_space<vmem>>
    %dma_start3A_22 = arith.constant 0 : i32
    %dma_start3A_23 = tpu.memref_slice %arg8[%dma_start3A_16, %dma_start3A_22] : memref<79x128xi32, #tpu.memory_space<vmem>> -> memref<1x128xi32, #tpu.memory_space<vmem>>
    %dma_start3A_24 = tpu.memref_squeeze %dma_start3A_23 : memref<1x128xi32, #tpu.memory_space<vmem>> -> memref<128xi32, #tpu.memory_space<vmem>>
    %dma_start3A_25 = arith.constant 0 : i32
    %dma_start3A_26 = arith.constant 0 : i32
    %dma_start3A_27 = tpu.memref_slice %arg3[%dma_start3A_25, %dma_start3A_26] : memref<10000x128xf32, #tpu.memory_space<hbm>> -> memref<10000x128xf32, #tpu.memory_space<hbm>>
    tpu.enqueue_indirect_dma source(%dma_start3A_27 : memref<10000x128xf32, #tpu.memory_space<hbm>>) target(%dma_start3A_21 : memref<128x128xf32, #tpu.memory_space<vmem>>) offsets(%dma_start3A_24 : memref<128xi32, #tpu.memory_space<vmem>>) semaphore(%arg12 : memref<!tpu.dma_semaphore, #tpu.memory_space<semaphore_mem>>)
    %dma_start3A_28 = arith.constant 1 : i32
    %dma_start3A_29 = arith.constant 1 : i32
    %dma_start3A_30 = arith.constant 0 : i32
    %dma_start3A_31 = arith.constant 0 : i32
    %dma_start3A_32 = tpu.memref_slice %arg9[%dma_start3A_29, %dma_start3A_30, %dma_start3A_31] : memref<2x128x128xf32, #tpu.memory_space<vmem>> -> memref<1x128x128xf32, #tpu.memory_space<vmem>>
    %dma_start3A_33 = tpu.memref_squeeze %dma_start3A_32 : memref<1x128x128xf32, #tpu.memory_space<vmem>> -> memref<128x128xf32, #tpu.memory_space<vmem>>
    %dma_start3A_34 = arith.constant 0 : i32
    %dma_start3A_35 = tpu.memref_slice %arg7[%dma_start3A_28, %dma_start3A_34] : memref<79x128xi32, #tpu.memory_space<vmem>> -> memref<1x128xi32, #tpu.memory_space<vmem>>
    %dma_start3A_36 = tpu.memref_squeeze %dma_start3A_35 : memref<1x128xi32, #tpu.memory_space<vmem>> -> memref<128xi32, #tpu.memory_space<vmem>>
    %dma_start3A_37 = arith.constant 0 : i32
    %dma_start3A_38 = arith.constant 0 : i32
    %dma_start3A_39 = tpu.memref_slice %arg2[%dma_start3A_37, %dma_start3A_38] : memref<10000x128xf32, #tpu.memory_space<hbm>> -> memref<10000x128xf32, #tpu.memory_space<hbm>>
    tpu.enqueue_indirect_dma source(%dma_start3A_39 : memref<10000x128xf32, #tpu.memory_space<hbm>>) target(%dma_start3A_33 : memref<128x128xf32, #tpu.memory_space<vmem>>) offsets(%dma_start3A_36 : memref<128xi32, #tpu.memory_space<vmem>>) semaphore(%arg13 : memref<!tpu.dma_semaphore, #tpu.memory_space<semaphore_mem>>)
    %dma_start3A_40 = arith.constant 1 : i32
    %dma_start3A_41 = arith.constant 1 : i32
    %dma_start3A_42 = arith.constant 0 : i32
    %dma_start3A_43 = arith.constant 0 : i32
    %dma_start3A_44 = tpu.memref_slice %arg10[%dma_start3A_41, %dma_start3A_42, %dma_start3A_43] : memref<2x128x128xf32, #tpu.memory_space<vmem>> -> memref<1x128x128xf32, #tpu.memory_space<vmem>>
    %dma_start3A_45 = tpu.memref_squeeze %dma_start3A_44 : memref<1x128x128xf32, #tpu.memory_space<vmem>> -> memref<128x128xf32, #tpu.memory_space<vmem>>
    %dma_start3A_46 = arith.constant 0 : i32
    %dma_start3A_47 = tpu.memref_slice %arg8[%dma_start3A_40, %dma_start3A_46] : memref<79x128xi32, #tpu.memory_space<vmem>> -> memref<1x128xi32, #tpu.memory_space<vmem>>
    %dma_start3A_48 = tpu.memref_squeeze %dma_start3A_47 : memref<1x128xi32, #tpu.memory_space<vmem>> -> memref<128xi32, #tpu.memory_space<vmem>>
    %dma_start3A_49 = arith.constant 0 : i32
    %dma_start3A_50 = arith.constant 0 : i32
    %dma_start3A_51 = tpu.memref_slice %arg3[%dma_start3A_49, %dma_start3A_50] : memref<10000x128xf32, #tpu.memory_space<hbm>> -> memref<10000x128xf32, #tpu.memory_space<hbm>>
    tpu.enqueue_indirect_dma source(%dma_start3A_51 : memref<10000x128xf32, #tpu.memory_space<hbm>>) target(%dma_start3A_45 : memref<128x128xf32, #tpu.memory_space<vmem>>) offsets(%dma_start3A_48 : memref<128xi32, #tpu.memory_space<vmem>>) semaphore(%arg13 : memref<!tpu.dma_semaphore, #tpu.memory_space<semaphore_mem>>)
    %scan3A = arith.constant 0 : i32
    %scan3A_52 = arith.constant 0 : i32
    %scan3A_53 = arith.constant 39 : i32
    %scan3A_54 = arith.addi %scan3A_52, %scan3A_53 : i32
    %scan3A_55 = arith.constant 1 : i32
    %scan3A_56 = scf.for %scan3A_142 = %scan3A_52 to %scan3A_54 step %scan3A_55 iter_args(%scan3A_143 = %scan3A) -> (i32)  : i32 {
      %mul3A_144 = arith.constant 2 : i32
      %mul3A_145 = arith.muli %scan3A_142, %mul3A_144 : i32
      %add3A_146 = arith.constant 0 : i32
      %add3A_147 = arith.addi %mul3A_145, %add3A_146 : i32
      %dma_wait3A_148 = arith.constant 0 : i32
      %dma_wait3A_149 = arith.constant 0 : i32
      %dma_wait3A_150 = arith.constant 0 : i32
      %dma_wait3A_151 = tpu.memref_slice %arg9[%dma_wait3A_148, %dma_wait3A_149, %dma_wait3A_150] : memref<2x128x128xf32, #tpu.memory_space<vmem>> -> memref<1x128x128xf32, #tpu.memory_space<vmem>>
      %dma_wait3A_152 = tpu.memref_squeeze %dma_wait3A_151 : memref<1x128x128xf32, #tpu.memory_space<vmem>> -> memref<128x128xf32, #tpu.memory_space<vmem>>
      %dma_wait3A_153 = arith.constant 0 : i32
      %dma_wait3A_154 = tpu.memref_slice %arg7[%add3A_147, %dma_wait3A_153] : memref<79x128xi32, #tpu.memory_space<vmem>> -> memref<1x128xi32, #tpu.memory_space<vmem>>
      %dma_wait3A_155 = tpu.memref_squeeze %dma_wait3A_154 : memref<1x128xi32, #tpu.memory_space<vmem>> -> memref<128xi32, #tpu.memory_space<vmem>>
      %dma_wait3A_156 = arith.constant 0 : i32
      %dma_wait3A_157 = arith.constant 0 : i32
      %dma_wait3A_158 = tpu.memref_slice %arg2[%dma_wait3A_156, %dma_wait3A_157] : memref<10000x128xf32, #tpu.memory_space<hbm>> -> memref<10000x128xf32, #tpu.memory_space<hbm>>
      tpu.wait_indirect_dma semaphore(%arg12 : memref<!tpu.dma_semaphore, #tpu.memory_space<semaphore_mem>>) src(%dma_wait3A_158 : memref<10000x128xf32, #tpu.memory_space<hbm>>) dst(%dma_wait3A_152 : memref<128x128xf32, #tpu.memory_space<vmem>>)
      %dma_wait3A_159 = arith.constant 0 : i32
      %dma_wait3A_160 = arith.constant 0 : i32
      %dma_wait3A_161 = arith.constant 0 : i32
      %dma_wait3A_162 = tpu.memref_slice %arg10[%dma_wait3A_159, %dma_wait3A_160, %dma_wait3A_161] : memref<2x128x128xf32, #tpu.memory_space<vmem>> -> memref<1x128x128xf32, #tpu.memory_space<vmem>>
      %dma_wait3A_163 = tpu.memref_squeeze %dma_wait3A_162 : memref<1x128x128xf32, #tpu.memory_space<vmem>> -> memref<128x128xf32, #tpu.memory_space<vmem>>
      %dma_wait3A_164 = arith.constant 0 : i32
      %dma_wait3A_165 = tpu.memref_slice %arg8[%add3A_147, %dma_wait3A_164] : memref<79x128xi32, #tpu.memory_space<vmem>> -> memref<1x128xi32, #tpu.memory_space<vmem>>
      %dma_wait3A_166 = tpu.memref_squeeze %dma_wait3A_165 : memref<1x128xi32, #tpu.memory_space<vmem>> -> memref<128xi32, #tpu.memory_space<vmem>>
      %dma_wait3A_167 = arith.constant 0 : i32
      %dma_wait3A_168 = arith.constant 0 : i32
      %dma_wait3A_169 = tpu.memref_slice %arg3[%dma_wait3A_167, %dma_wait3A_168] : memref<10000x128xf32, #tpu.memory_space<hbm>> -> memref<10000x128xf32, #tpu.memory_space<hbm>>
      tpu.wait_indirect_dma semaphore(%arg12 : memref<!tpu.dma_semaphore, #tpu.memory_space<semaphore_mem>>) src(%dma_wait3A_169 : memref<10000x128xf32, #tpu.memory_space<hbm>>) dst(%dma_wait3A_163 : memref<128x128xf32, #tpu.memory_space<vmem>>)
      %ge3A = arith.constant 2 : i32
      %ge3A_170 = arith.cmpi sge, %add3A_147, %ge3A : i32
      %convert_element_type3A = arith.extui %ge3A_170 : i1 to i32
      %cond3A = arith.constant 0 : i32
      %cond3A_171 = arith.cmpi ne, %convert_element_type3A, %cond3A : i32
      scf.if %cond3A_171 {
        %dma_wait3A_261 = arith.constant 0 : i32
        %dma_wait3A_262 = arith.constant 0 : i32
        %dma_wait3A_263 = arith.constant 0 : i32
        %dma_wait3A_264 = tpu.memref_slice %arg11[%dma_wait3A_261, %dma_wait3A_262, %dma_wait3A_263] : memref<2x128x128xf32, #tpu.memory_space<vmem>> -> memref<1x128x128xf32, #tpu.memory_space<vmem>>
        %dma_wait3A_265 = tpu.memref_squeeze %dma_wait3A_264 : memref<1x128x128xf32, #tpu.memory_space<vmem>> -> memref<128x128xf32, #tpu.memory_space<vmem>>
        %dma_wait3A_266 = arith.constant 0 : i32
        %dma_wait3A_267 = tpu.memref_slice %arg6[%mul3A_4, %dma_wait3A_266] : memref<323584x128xf32, #tpu.memory_space<hbm>> -> memref<128x128xf32, #tpu.memory_space<hbm>>
        %dma_wait3A_268 = arith.constant 0 : i32
        %dma_wait3A_269 = tpu.memref_slice %arg6[%mul3A_4, %dma_wait3A_268] : memref<323584x128xf32, #tpu.memory_space<hbm>> -> memref<128x128xf32, #tpu.memory_space<hbm>>
        %dma_wait3A_270 = arith.constant 0 : i32
        %dma_wait3A_271 = arith.constant 0 : i32
        %dma_wait3A_272 = tpu.memref_slice %arg11[%dma_wait3A_261, %dma_wait3A_270, %dma_wait3A_271] : memref<2x128x128xf32, #tpu.memory_space<vmem>> -> memref<1x128x128xf32, #tpu.memory_space<vmem>>
        %dma_wait3A_273 = tpu.memref_squeeze %dma_wait3A_272 : memref<1x128x128xf32, #tpu.memory_space<vmem>> -> memref<128x128xf32, #tpu.memory_space<vmem>>
        tpu.wait_dma2 semaphore(%arg14 : memref<!tpu.dma_semaphore, #tpu.memory_space<semaphore_mem>>) src(%dma_wait3A_273 : memref<128x128xf32, #tpu.memory_space<vmem>>) dst(%dma_wait3A_269 : memref<128x128xf32, #tpu.memory_space<hbm>>)
      } else {
      }
      %scan3A_172 = arith.constant 0 : i32
      %scan3A_173 = arith.constant 0 : i32
      %scan3A_174 = arith.constant 128 : i32
      %scan3A_175 = arith.addi %scan3A_173, %scan3A_174 : i32
      %scan3A_176 = arith.constant 1 : i32
      %scan3A_177 = scf.for %scan3A_261 = %scan3A_173 to %scan3A_175 step %scan3A_176 iter_args(%scan3A_262 = %scan3A_172) -> (i32)  : i32 {
        %get3A = arith.constant 0 : i32
        %get3A_263 = arith.index_cast %get3A : i32 to index
        %get3A_264 = arith.index_cast %scan3A_261 : i32 to index
        %get3A_265 = arith.constant 0 : index
        %get3A_266 = tpu.vector_load %arg9[%get3A_263, %get3A_264, %get3A_265] {strides = array<i32>} : memref<2x128x128xf32, #tpu.memory_space<vmem>>, vector<1x1x16xf32>,
        %get3A_267 = vector.shape_cast %get3A_266 : vector<1x1x16xf32> to vector<16xf32>
        %get3A_268 = arith.constant 0 : i32
        %get3A_269 = arith.index_cast %get3A_268 : i32 to index
        %get3A_270 = arith.index_cast %scan3A_261 : i32 to index
        %get3A_271 = arith.constant 0 : index
        %get3A_272 = tpu.vector_load %arg10[%get3A_269, %get3A_270, %get3A_271] {strides = array<i32>} : memref<2x128x128xf32, #tpu.memory_space<vmem>>, vector<1x1x16xf32>,
        %get3A_273 = vector.shape_cast %get3A_272 : vector<1x1x16xf32> to vector<16xf32>
        %add3A_274 = arith.addf %get3A_267, %get3A_273 : vector<16xf32>
        %swap3A = arith.constant 0 : i32
        %swap3A_275 = arith.index_cast %swap3A : i32 to index
        %swap3A_276 = arith.index_cast %scan3A_261 : i32 to index
        %swap3A_277 = arith.constant 0 : index
        %swap3A_278 = tpu.vector_load %arg11[%swap3A_275, %swap3A_276, %swap3A_277] {strides = array<i32>} : memref<2x128x128xf32, #tpu.memory_space<vmem>>, vector<1x1x16xf32>,
        %swap3A_279 = vector.shape_cast %swap3A_278 : vector<1x1x16xf32> to vector<16xf32>
        %swap3A_280 = vector.shape_cast %add3A_274 : vector<16xf32> to vector<1x1x16xf32>
        tpu.vector_store %arg11[%swap3A_275, %swap3A_276, %swap3A_277], %swap3A_280 {strides = array<i32>} : memref<2x128x128xf32, #tpu.memory_space<vmem>>, vector<1x1x16xf32>,
        %get3A_281 = arith.constant 0 : i32
        %get3A_282 = arith.index_cast %get3A_281 : i32 to index
        %get3A_283 = arith.index_cast %scan3A_261 : i32 to index
        %get3A_284 = arith.constant 16 : index
        %get3A_285 = tpu.vector_load %arg9[%get3A_282, %get3A_283, %get3A_284] {strides = array<i32>} : memref<2x128x128xf32, #tpu.memory_space<vmem>>, vector<1x1x16xf32>,
        %get3A_286 = vector.shape_cast %get3A_285 : vector<1x1x16xf32> to vector<16xf32>
        %get3A_287 = arith.constant 0 : i32
        %get3A_288 = arith.index_cast %get3A_287 : i32 to index
        %get3A_289 = arith.index_cast %scan3A_261 : i32 to index
        %get3A_290 = arith.constant 16 : index
        %get3A_291 = tpu.vector_load %arg10[%get3A_288, %get3A_289, %get3A_290] {strides = array<i32>} : memref<2x128x128xf32, #tpu.memory_space<vmem>>, vector<1x1x16xf32>,
        %get3A_292 = vector.shape_cast %get3A_291 : vector<1x1x16xf32> to vector<16xf32>
        %add3A_293 = arith.addf %get3A_286, %get3A_292 : vector<16xf32>
        %swap3A_294 = arith.constant 0 : i32
        %swap3A_295 = arith.index_cast %swap3A_294 : i32 to index
        %swap3A_296 = arith.index_cast %scan3A_261 : i32 to index
        %swap3A_297 = arith.constant 16 : index
        %swap3A_298 = tpu.vector_load %arg11[%swap3A_295, %swap3A_296, %swap3A_297] {strides = array<i32>} : memref<2x128x128xf32, #tpu.memory_space<vmem>>, vector<1x1x16xf32>,
        %swap3A_299 = vector.shape_cast %swap3A_298 : vector<1x1x16xf32> to vector<16xf32>
        %swap3A_300 = vector.shape_cast %add3A_293 : vector<16xf32> to vector<1x1x16xf32>
        tpu.vector_store %arg11[%swap3A_295, %swap3A_296, %swap3A_297], %swap3A_300 {strides = array<i32>} : memref<2x128x128xf32, #tpu.memory_space<vmem>>, vector<1x1x16xf32>,
        %get3A_301 = arith.constant 0 : i32
        %get3A_302 = arith.index_cast %get3A_301 : i32 to index
        %get3A_303 = arith.index_cast %scan3A_261 : i32 to index
        %get3A_304 = arith.constant 32 : index
        %get3A_305 = tpu.vector_load %arg9[%get3A_302, %get3A_303, %get3A_304] {strides = array<i32>} : memref<2x128x128xf32, #tpu.memory_space<vmem>>, vector<1x1x16xf32>,
        %get3A_306 = vector.shape_cast %get3A_305 : vector<1x1x16xf32> to vector<16xf32>
        %get3A_307 = arith.constant 0 : i32
        %get3A_308 = arith.index_cast %get3A_307 : i32 to index
        %get3A_309 = arith.index_cast %scan3A_261 : i32 to index
        %get3A_310 = arith.constant 32 : index
        %get3A_311 = tpu.vector_load %arg10[%get3A_308, %get3A_309, %get3A_310] {strides = array<i32>} : memref<2x128x128xf32, #tpu.memory_space<vmem>>, vector<1x1x16xf32>,
        %get3A_312 = vector.shape_cast %get3A_311 : vector<1x1x16xf32> to vector<16xf32>
        %add3A_313 = arith.addf %get3A_306, %get3A_312 : vector<16xf32>
        %swap3A_314 = arith.constant 0 : i32
        %swap3A_315 = arith.index_cast %swap3A_314 : i32 to index
        %swap3A_316 = arith.index_cast %scan3A_261 : i32 to index
        %swap3A_317 = arith.constant 32 : index
        %swap3A_318 = tpu.vector_load %arg11[%swap3A_315, %swap3A_316, %swap3A_317] {strides = array<i32>} : memref<2x128x128xf32, #tpu.memory_space<vmem>>, vector<1x1x16xf32>,
        %swap3A_319 = vector.shape_cast %swap3A_318 : vector<1x1x16xf32> to vector<16xf32>
        %swap3A_320 = vector.shape_cast %add3A_313 : vector<16xf32> to vector<1x1x16xf32>
        tpu.vector_store %arg11[%swap3A_315, %swap3A_316, %swap3A_317], %swap3A_320 {strides = array<i32>} : memref<2x128x128xf32, #tpu.memory_space<vmem>>, vector<1x1x16xf32>,
        %get3A_321 = arith.constant 0 : i32
        %get3A_322 = arith.index_cast %get3A_321 : i32 to index
        %get3A_323 = arith.index_cast %scan3A_261 : i32 to index
        %get3A_324 = arith.constant 48 : index
        %get3A_325 = tpu.vector_load %arg9[%get3A_322, %get3A_323, %get3A_324] {strides = array<i32>} : memref<2x128x128xf32, #tpu.memory_space<vmem>>, vector<1x1x16xf32>,
        %get3A_326 = vector.shape_cast %get3A_325 : vector<1x1x16xf32> to vector<16xf32>
        %get3A_327 = arith.constant 0 : i32
        %get3A_328 = arith.index_cast %get3A_327 : i32 to index
        %get3A_329 = arith.index_cast %scan3A_261 : i32 to index
        %get3A_330 = arith.constant 48 : index
        %get3A_331 = tpu.vector_load %arg10[%get3A_328, %get3A_329, %get3A_330] {strides = array<i32>} : memref<2x128x128xf32, #tpu.memory_space<vmem>>, vector<1x1x16xf32>,
        %get3A_332 = vector.shape_cast %get3A_331 : vector<1x1x16xf32> to vector<16xf32>
        %add3A_333 = arith.addf %get3A_326, %get3A_332 : vector<16xf32>
        %swap3A_334 = arith.constant 0 : i32
        %swap3A_335 = arith.index_cast %swap3A_334 : i32 to index
        %swap3A_336 = arith.index_cast %scan3A_261 : i32 to index
        %swap3A_337 = arith.constant 48 : index
        %swap3A_338 = tpu.vector_load %arg11[%swap3A_335, %swap3A_336, %swap3A_337] {strides = array<i32>} : memref<2x128x128xf32, #tpu.memory_space<vmem>>, vector<1x1x16xf32>,
        %swap3A_339 = vector.shape_cast %swap3A_338 : vector<1x1x16xf32> to vector<16xf32>
        %swap3A_340 = vector.shape_cast %add3A_333 : vector<16xf32> to vector<1x1x16xf32>
        tpu.vector_store %arg11[%swap3A_335, %swap3A_336, %swap3A_337], %swap3A_340 {strides = array<i32>} : memref<2x128x128xf32, #tpu.memory_space<vmem>>, vector<1x1x16xf32>,
        %get3A_341 = arith.constant 0 : i32
        %get3A_342 = arith.index_cast %get3A_341 : i32 to index
        %get3A_343 = arith.index_cast %scan3A_261 : i32 to index
        %get3A_344 = arith.constant 64 : index
        %get3A_345 = tpu.vector_load %arg9[%get3A_342, %get3A_343, %get3A_344] {strides = array<i32>} : memref<2x128x128xf32, #tpu.memory_space<vmem>>, vector<1x1x16xf32>,
        %get3A_346 = vector.shape_cast %get3A_345 : vector<1x1x16xf32> to vector<16xf32>
        %get3A_347 = arith.constant 0 : i32
        %get3A_348 = arith.index_cast %get3A_347 : i32 to index
        %get3A_349 = arith.index_cast %scan3A_261 : i32 to index
        %get3A_350 = arith.constant 64 : index
        %get3A_351 = tpu.vector_load %arg10[%get3A_348, %get3A_349, %get3A_350] {strides = array<i32>} : memref<2x128x128xf32, #tpu.memory_space<vmem>>, vector<1x1x16xf32>,
        %get3A_352 = vector.shape_cast %get3A_351 : vector<1x1x16xf32> to vector<16xf32>
        %add3A_353 = arith.addf %get3A_346, %get3A_352 : vector<16xf32>
        %swap3A_354 = arith.constant 0 : i32
        %swap3A_355 = arith.index_cast %swap3A_354 : i32 to index
        %swap3A_356 = arith.index_cast %scan3A_261 : i32 to index
        %swap3A_357 = arith.constant 64 : index
        %swap3A_358 = tpu.vector_load %arg11[%swap3A_355, %swap3A_356, %swap3A_357] {strides = array<i32>} : memref<2x128x128xf32, #tpu.memory_space<vmem>>, vector<1x1x16xf32>,
        %swap3A_359 = vector.shape_cast %swap3A_358 : vector<1x1x16xf32> to vector<16xf32>
        %swap3A_360 = vector.shape_cast %add3A_353 : vector<16xf32> to vector<1x1x16xf32>
        tpu.vector_store %arg11[%swap3A_355, %swap3A_356, %swap3A_357], %swap3A_360 {strides = array<i32>} : memref<2x128x128xf32, #tpu.memory_space<vmem>>, vector<1x1x16xf32>,
        %get3A_361 = arith.constant 0 : i32
        %get3A_362 = arith.index_cast %get3A_361 : i32 to index
        %get3A_363 = arith.index_cast %scan3A_261 : i32 to index
        %get3A_364 = arith.constant 80 : index
        %get3A_365 = tpu.vector_load %arg9[%get3A_362, %get3A_363, %get3A_364] {strides = array<i32>} : memref<2x128x128xf32, #tpu.memory_space<vmem>>, vector<1x1x16xf32>,
        %get3A_366 = vector.shape_cast %get3A_365 : vector<1x1x16xf32> to vector<16xf32>
        %get3A_367 = arith.constant 0 : i32
        %get3A_368 = arith.index_cast %get3A_367 : i32 to index
        %get3A_369 = arith.index_cast %scan3A_261 : i32 to index
        %get3A_370 = arith.constant 80 : index
        %get3A_371 = tpu.vector_load %arg10[%get3A_368, %get3A_369, %get3A_370] {strides = array<i32>} : memref<2x128x128xf32, #tpu.memory_space<vmem>>, vector<1x1x16xf32>,
        %get3A_372 = vector.shape_cast %get3A_371 : vector<1x1x16xf32> to vector<16xf32>
        %add3A_373 = arith.addf %get3A_366, %get3A_372 : vector<16xf32>
        %swap3A_374 = arith.constant 0 : i32
        %swap3A_375 = arith.index_cast %swap3A_374 : i32 to index
        %swap3A_376 = arith.index_cast %scan3A_261 : i32 to index
        %swap3A_377 = arith.constant 80 : index
        %swap3A_378 = tpu.vector_load %arg11[%swap3A_375, %swap3A_376, %swap3A_377] {strides = array<i32>} : memref<2x128x128xf32, #tpu.memory_space<vmem>>, vector<1x1x16xf32>,
        %swap3A_379 = vector.shape_cast %swap3A_378 : vector<1x1x16xf32> to vector<16xf32>
        %swap3A_380 = vector.shape_cast %add3A_373 : vector<16xf32> to vector<1x1x16xf32>
        tpu.vector_store %arg11[%swap3A_375, %swap3A_376, %swap3A_377], %swap3A_380 {strides = array<i32>} : memref<2x128x128xf32, #tpu.memory_space<vmem>>, vector<1x1x16xf32>,
        %get3A_381 = arith.constant 0 : i32
        %get3A_382 = arith.index_cast %get3A_381 : i32 to index
        %get3A_383 = arith.index_cast %scan3A_261 : i32 to index
        %get3A_384 = arith.constant 96 : index
        %get3A_385 = tpu.vector_load %arg9[%get3A_382, %get3A_383, %get3A_384] {strides = array<i32>} : memref<2x128x128xf32, #tpu.memory_space<vmem>>, vector<1x1x16xf32>,
        %get3A_386 = vector.shape_cast %get3A_385 : vector<1x1x16xf32> to vector<16xf32>
        %get3A_387 = arith.constant 0 : i32
        %get3A_388 = arith.index_cast %get3A_387 : i32 to index
        %get3A_389 = arith.index_cast %scan3A_261 : i32 to index
        %get3A_390 = arith.constant 96 : index
        %get3A_391 = tpu.vector_load %arg10[%get3A_388, %get3A_389, %get3A_390] {strides = array<i32>} : memref<2x128x128xf32, #tpu.memory_space<vmem>>, vector<1x1x16xf32>,
        %get3A_392 = vector.shape_cast %get3A_391 : vector<1x1x16xf32> to vector<16xf32>
        %add3A_393 = arith.addf %get3A_386, %get3A_392 : vector<16xf32>
        %swap3A_394 = arith.constant 0 : i32
        %swap3A_395 = arith.index_cast %swap3A_394 : i32 to index
        %swap3A_396 = arith.index_cast %scan3A_261 : i32 to index
        %swap3A_397 = arith.constant 96 : index
        %swap3A_398 = tpu.vector_load %arg11[%swap3A_395, %swap3A_396, %swap3A_397] {strides = array<i32>} : memref<2x128x128xf32, #tpu.memory_space<vmem>>, vector<1x1x16xf32>,
        %swap3A_399 = vector.shape_cast %swap3A_398 : vector<1x1x16xf32> to vector<16xf32>
        %swap3A_400 = vector.shape_cast %add3A_393 : vector<16xf32> to vector<1x1x16xf32>
        tpu.vector_store %arg11[%swap3A_395, %swap3A_396, %swap3A_397], %swap3A_400 {strides = array<i32>} : memref<2x128x128xf32, #tpu.memory_space<vmem>>, vector<1x1x16xf32>,
        %get3A_401 = arith.constant 0 : i32
        %get3A_402 = arith.index_cast %get3A_401 : i32 to index
        %get3A_403 = arith.index_cast %scan3A_261 : i32 to index
        %get3A_404 = arith.constant 112 : index
        %get3A_405 = tpu.vector_load %arg9[%get3A_402, %get3A_403, %get3A_404] {strides = array<i32>} : memref<2x128x128xf32, #tpu.memory_space<vmem>>, vector<1x1x16xf32>,
        %get3A_406 = vector.shape_cast %get3A_405 : vector<1x1x16xf32> to vector<16xf32>
        %get3A_407 = arith.constant 0 : i32
        %get3A_408 = arith.index_cast %get3A_407 : i32 to index
        %get3A_409 = arith.index_cast %scan3A_261 : i32 to index
        %get3A_410 = arith.constant 112 : index
        %get3A_411 = tpu.vector_load %arg10[%get3A_408, %get3A_409, %get3A_410] {strides = array<i32>} : memref<2x128x128xf32, #tpu.memory_space<vmem>>, vector<1x1x16xf32>,
        %get3A_412 = vector.shape_cast %get3A_411 : vector<1x1x16xf32> to vector<16xf32>
        %add3A_413 = arith.addf %get3A_406, %get3A_412 : vector<16xf32>
        %swap3A_414 = arith.constant 0 : i32
        %swap3A_415 = arith.index_cast %swap3A_414 : i32 to index
        %swap3A_416 = arith.index_cast %scan3A_261 : i32 to index
        %swap3A_417 = arith.constant 112 : index
        %swap3A_418 = tpu.vector_load %arg11[%swap3A_415, %swap3A_416, %swap3A_417] {strides = array<i32>} : memref<2x128x128xf32, #tpu.memory_space<vmem>>, vector<1x1x16xf32>,
        %swap3A_419 = vector.shape_cast %swap3A_418 : vector<1x1x16xf32> to vector<16xf32>
        %swap3A_420 = vector.shape_cast %add3A_413 : vector<16xf32> to vector<1x1x16xf32>
        tpu.vector_store %arg11[%swap3A_415, %swap3A_416, %swap3A_417], %swap3A_420 {strides = array<i32>} : memref<2x128x128xf32, #tpu.memory_space<vmem>>, vector<1x1x16xf32>,
        %scan3A_421 = arith.constant 0 : i32
        scf.yield %scan3A_421 : i32
      }
      %scan3A_178 = arith.constant 128 : i32
      %add3A_179 = arith.constant 2 : i32
      %add3A_180 = arith.addi %add3A_147, %add3A_179 : i32
      %lt3A = arith.constant 79 : i32
      %lt3A_181 = arith.cmpi slt, %add3A_180, %lt3A : i32
      %convert_element_type3A_182 = arith.extui %lt3A_181 : i1 to i32
      %cond3A_183 = arith.constant 0 : i32
      %cond3A_184 = arith.cmpi ne, %convert_element_type3A_182, %cond3A_183 : i32
      scf.if %cond3A_184 {
        %add3A_261 = arith.constant 2 : i32
        %add3A_262 = arith.addi %add3A_147, %add3A_261 : i32
        %dma_start3A_263 = arith.constant 0 : i32
        %dma_start3A_264 = arith.constant 0 : i32
        %dma_start3A_265 = arith.constant 0 : i32
        %dma_start3A_266 = tpu.memref_slice %arg9[%dma_start3A_263, %dma_start3A_264, %dma_start3A_265] : memref<2x128x128xf32, #tpu.memory_space<vmem>> -> memref<1x128x128xf32, #tpu.memory_space<vmem>>
        %dma_start3A_267 = tpu.memref_squeeze %dma_start3A_266 : memref<1x128x128xf32, #tpu.memory_space<vmem>> -> memref<128x128xf32, #tpu.memory_space<vmem>>
        %dma_start3A_268 = arith.constant 0 : i32
        %dma_start3A_269 = tpu.memref_slice %arg7[%add3A_262, %dma_start3A_268] : memref<79x128xi32, #tpu.memory_space<vmem>> -> memref<1x128xi32, #tpu.memory_space<vmem>>
        %dma_start3A_270 = tpu.memref_squeeze %dma_start3A_269 : memref<1x128xi32, #tpu.memory_space<vmem>> -> memref<128xi32, #tpu.memory_space<vmem>>
        %dma_start3A_271 = arith.constant 0 : i32
        %dma_start3A_272 = arith.constant 0 : i32
        %dma_start3A_273 = tpu.memref_slice %arg2[%dma_start3A_271, %dma_start3A_272] : memref<10000x128xf32, #tpu.memory_space<hbm>> -> memref<10000x128xf32, #tpu.memory_space<hbm>>
        tpu.enqueue_indirect_dma source(%dma_start3A_273 : memref<10000x128xf32, #tpu.memory_space<hbm>>) target(%dma_start3A_267 : memref<128x128xf32, #tpu.memory_space<vmem>>) offsets(%dma_start3A_270 : memref<128xi32, #tpu.memory_space<vmem>>) semaphore(%arg12 : memref<!tpu.dma_semaphore, #tpu.memory_space<semaphore_mem>>)
        %dma_start3A_274 = arith.constant 0 : i32
        %dma_start3A_275 = arith.constant 0 : i32
        %dma_start3A_276 = arith.constant 0 : i32
        %dma_start3A_277 = tpu.memref_slice %arg10[%dma_start3A_274, %dma_start3A_275, %dma_start3A_276] : memref<2x128x128xf32, #tpu.memory_space<vmem>> -> memref<1x128x128xf32, #tpu.memory_space<vmem>>
        %dma_start3A_278 = tpu.memref_squeeze %dma_start3A_277 : memref<1x128x128xf32, #tpu.memory_space<vmem>> -> memref<128x128xf32, #tpu.memory_space<vmem>>
        %dma_start3A_279 = arith.constant 0 : i32
        %dma_start3A_280 = tpu.memref_slice %arg8[%add3A_262, %dma_start3A_279] : memref<79x128xi32, #tpu.memory_space<vmem>> -> memref<1x128xi32, #tpu.memory_space<vmem>>
        %dma_start3A_281 = tpu.memref_squeeze %dma_start3A_280 : memref<1x128xi32, #tpu.memory_space<vmem>> -> memref<128xi32, #tpu.memory_space<vmem>>
        %dma_start3A_282 = arith.constant 0 : i32
        %dma_start3A_283 = arith.constant 0 : i32
        %dma_start3A_284 = tpu.memref_slice %arg3[%dma_start3A_282, %dma_start3A_283] : memref<10000x128xf32, #tpu.memory_space<hbm>> -> memref<10000x128xf32, #tpu.memory_space<hbm>>
        tpu.enqueue_indirect_dma source(%dma_start3A_284 : memref<10000x128xf32, #tpu.memory_space<hbm>>) target(%dma_start3A_278 : memref<128x128xf32, #tpu.memory_space<vmem>>) offsets(%dma_start3A_281 : memref<128xi32, #tpu.memory_space<vmem>>) semaphore(%arg12 : memref<!tpu.dma_semaphore, #tpu.memory_space<semaphore_mem>>)
      } else {
      }
      %mul3A_185 = arith.constant 128 : i32
      %mul3A_186 = arith.muli %add3A_147, %mul3A_185 : i32
      %add3A_187 = arith.addi %mul3A_4, %mul3A_186 : i32
      %dma_start3A_188 = arith.constant 0 : i32
      %dma_start3A_189 = arith.constant 0 : i32
      %dma_start3A_190 = arith.constant 0 : i32
      %dma_start3A_191 = tpu.memref_slice %arg11[%dma_start3A_188, %dma_start3A_189, %dma_start3A_190] : memref<2x128x128xf32, #tpu.memory_space<vmem>> -> memref<1x128x128xf32, #tpu.memory_space<vmem>>
      %dma_start3A_192 = tpu.memref_squeeze %dma_start3A_191 : memref<1x128x128xf32, #tpu.memory_space<vmem>> -> memref<128x128xf32, #tpu.memory_space<vmem>>
      %dma_start3A_193 = arith.constant 0 : i32
      %dma_start3A_194 = tpu.memref_slice %arg6[%add3A_187, %dma_start3A_193] : memref<323584x128xf32, #tpu.memory_space<hbm>> -> memref<128x128xf32, #tpu.memory_space<hbm>>
      %dma_start3A_195 = arith.constant 0 : i32
      %dma_start3A_196 = tpu.memref_slice %arg6[%add3A_187, %dma_start3A_195] : memref<323584x128xf32, #tpu.memory_space<hbm>> -> memref<128x128xf32, #tpu.memory_space<hbm>>
      %dma_start3A_197 = arith.constant 0 : i32
      %dma_start3A_198 = arith.constant 0 : i32
      %dma_start3A_199 = tpu.memref_slice %arg11[%dma_start3A_188, %dma_start3A_197, %dma_start3A_198] : memref<2x128x128xf32, #tpu.memory_space<vmem>> -> memref<1x128x128xf32, #tpu.memory_space<vmem>>
      %dma_start3A_200 = tpu.memref_squeeze %dma_start3A_199 : memref<1x128x128xf32, #tpu.memory_space<vmem>> -> memref<128x128xf32, #tpu.memory_space<vmem>>
      tpu.enqueue_dma source(%dma_start3A_200 : memref<128x128xf32, #tpu.memory_space<vmem>>) target(%dma_start3A_196 : memref<128x128xf32, #tpu.memory_space<hbm>>) target_semaphore(%arg14 : memref<!tpu.dma_semaphore, #tpu.memory_space<semaphore_mem>>)
      %add3A_201 = arith.constant 1 : i32
      %add3A_202 = arith.addi %mul3A_145, %add3A_201 : i32
      %dma_wait3A_203 = arith.constant 1 : i32
      %dma_wait3A_204 = arith.constant 0 : i32
      %dma_wait3A_205 = arith.constant 0 : i32
      %dma_wait3A_206 = tpu.memref_slice %arg9[%dma_wait3A_203, %dma_wait3A_204, %dma_wait3A_205] : memref<2x128x128xf32, #tpu.memory_space<vmem>> -> memref<1x128x128xf32, #tpu.memory_space<vmem>>
      %dma_wait3A_207 = tpu.memref_squeeze %dma_wait3A_206 : memref<1x128x128xf32, #tpu.memory_space<vmem>> -> memref<128x128xf32, #tpu.memory_space<vmem>>
      %dma_wait3A_208 = arith.constant 0 : i32
      %dma_wait3A_209 = tpu.memref_slice %arg7[%add3A_202, %dma_wait3A_208] : memref<79x128xi32, #tpu.memory_space<vmem>> -> memref<1x128xi32, #tpu.memory_space<vmem>>
      %dma_wait3A_210 = tpu.memref_squeeze %dma_wait3A_209 : memref<1x128xi32, #tpu.memory_space<vmem>> -> memref<128xi32, #tpu.memory_space<vmem>>
      %dma_wait3A_211 = arith.constant 0 : i32
      %dma_wait3A_212 = arith.constant 0 : i32
      %dma_wait3A_213 = tpu.memref_slice %arg2[%dma_wait3A_211, %dma_wait3A_212] : memref<10000x128xf32, #tpu.memory_space<hbm>> -> memref<10000x128xf32, #tpu.memory_space<hbm>>
      tpu.wait_indirect_dma semaphore(%arg13 : memref<!tpu.dma_semaphore, #tpu.memory_space<semaphore_mem>>) src(%dma_wait3A_213 : memref<10000x128xf32, #tpu.memory_space<hbm>>) dst(%dma_wait3A_207 : memref<128x128xf32, #tpu.memory_space<vmem>>)
      %dma_wait3A_214 = arith.constant 1 : i32
      %dma_wait3A_215 = arith.constant 0 : i32
      %dma_wait3A_216 = arith.constant 0 : i32
      %dma_wait3A_217 = tpu.memref_slice %arg10[%dma_wait3A_214, %dma_wait3A_215, %dma_wait3A_216] : memref<2x128x128xf32, #tpu.memory_space<vmem>> -> memref<1x128x128xf32, #tpu.memory_space<vmem>>
      %dma_wait3A_218 = tpu.memref_squeeze %dma_wait3A_217 : memref<1x128x128xf32, #tpu.memory_space<vmem>> -> memref<128x128xf32, #tpu.memory_space<vmem>>
      %dma_wait3A_219 = arith.constant 0 : i32
      %dma_wait3A_220 = tpu.memref_slice %arg8[%add3A_202, %dma_wait3A_219] : memref<79x128xi32, #tpu.memory_space<vmem>> -> memref<1x128xi32, #tpu.memory_space<vmem>>
      %dma_wait3A_221 = tpu.memref_squeeze %dma_wait3A_220 : memref<1x128xi32, #tpu.memory_space<vmem>> -> memref<128xi32, #tpu.memory_space<vmem>>
      %dma_wait3A_222 = arith.constant 0 : i32
      %dma_wait3A_223 = arith.constant 0 : i32
      %dma_wait3A_224 = tpu.memref_slice %arg3[%dma_wait3A_222, %dma_wait3A_223] : memref<10000x128xf32, #tpu.memory_space<hbm>> -> memref<10000x128xf32, #tpu.memory_space<hbm>>
      tpu.wait_indirect_dma semaphore(%arg13 : memref<!tpu.dma_semaphore, #tpu.memory_space<semaphore_mem>>) src(%dma_wait3A_224 : memref<10000x128xf32, #tpu.memory_space<hbm>>) dst(%dma_wait3A_218 : memref<128x128xf32, #tpu.memory_space<vmem>>)
      %ge3A_225 = arith.constant 2 : i32
      %ge3A_226 = arith.cmpi sge, %add3A_202, %ge3A_225 : i32
      %convert_element_type3A_227 = arith.extui %ge3A_226 : i1 to i32
      %cond3A_228 = arith.constant 0 : i32
      %cond3A_229 = arith.cmpi ne, %convert_element_type3A_227, %cond3A_228 : i32
      scf.if %cond3A_229 {
        %dma_wait3A_261 = arith.constant 1 : i32
        %dma_wait3A_262 = arith.constant 0 : i32
        %dma_wait3A_263 = arith.constant 0 : i32
        %dma_wait3A_264 = tpu.memref_slice %arg11[%dma_wait3A_261, %dma_wait3A_262, %dma_wait3A_263] : memref<2x128x128xf32, #tpu.memory_space<vmem>> -> memref<1x128x128xf32, #tpu.memory_space<vmem>>
        %dma_wait3A_265 = tpu.memref_squeeze %dma_wait3A_264 : memref<1x128x128xf32, #tpu.memory_space<vmem>> -> memref<128x128xf32, #tpu.memory_space<vmem>>
        %dma_wait3A_266 = arith.constant 0 : i32
        %dma_wait3A_267 = tpu.memref_slice %arg6[%mul3A_4, %dma_wait3A_266] : memref<323584x128xf32, #tpu.memory_space<hbm>> -> memref<128x128xf32, #tpu.memory_space<hbm>>
        %dma_wait3A_268 = arith.constant 0 : i32
        %dma_wait3A_269 = tpu.memref_slice %arg6[%mul3A_4, %dma_wait3A_268] : memref<323584x128xf32, #tpu.memory_space<hbm>> -> memref<128x128xf32, #tpu.memory_space<hbm>>
        %dma_wait3A_270 = arith.constant 0 : i32
        %dma_wait3A_271 = arith.constant 0 : i32
        %dma_wait3A_272 = tpu.memref_slice %arg11[%dma_wait3A_261, %dma_wait3A_270, %dma_wait3A_271] : memref<2x128x128xf32, #tpu.memory_space<vmem>> -> memref<1x128x128xf32, #tpu.memory_space<vmem>>
        %dma_wait3A_273 = tpu.memref_squeeze %dma_wait3A_272 : memref<1x128x128xf32, #tpu.memory_space<vmem>> -> memref<128x128xf32, #tpu.memory_space<vmem>>
        tpu.wait_dma2 semaphore(%arg15 : memref<!tpu.dma_semaphore, #tpu.memory_space<semaphore_mem>>) src(%dma_wait3A_273 : memref<128x128xf32, #tpu.memory_space<vmem>>) dst(%dma_wait3A_269 : memref<128x128xf32, #tpu.memory_space<hbm>>)
      } else {
      }
      %scan3A_230 = arith.constant 0 : i32
      %scan3A_231 = arith.constant 0 : i32
      %scan3A_232 = arith.constant 128 : i32
      %scan3A_233 = arith.addi %scan3A_231, %scan3A_232 : i32
      %scan3A_234 = arith.constant 1 : i32
      %scan3A_235 = scf.for %scan3A_261 = %scan3A_231 to %scan3A_233 step %scan3A_234 iter_args(%scan3A_262 = %scan3A_230) -> (i32)  : i32 {
        %get3A = arith.constant 1 : i32
        %get3A_263 = arith.index_cast %get3A : i32 to index
        %get3A_264 = arith.index_cast %scan3A_261 : i32 to index
        %get3A_265 = arith.constant 0 : index
        %get3A_266 = tpu.vector_load %arg9[%get3A_263, %get3A_264, %get3A_265] {strides = array<i32>} : memref<2x128x128xf32, #tpu.memory_space<vmem>>, vector<1x1x16xf32>,
        %get3A_267 = vector.shape_cast %get3A_266 : vector<1x1x16xf32> to vector<16xf32>
        %get3A_268 = arith.constant 1 : i32
        %get3A_269 = arith.index_cast %get3A_268 : i32 to index
        %get3A_270 = arith.index_cast %scan3A_261 : i32 to index
        %get3A_271 = arith.constant 0 : index
        %get3A_272 = tpu.vector_load %arg10[%get3A_269, %get3A_270, %get3A_271] {strides = array<i32>} : memref<2x128x128xf32, #tpu.memory_space<vmem>>, vector<1x1x16xf32>,
        %get3A_273 = vector.shape_cast %get3A_272 : vector<1x1x16xf32> to vector<16xf32>
        %add3A_274 = arith.addf %get3A_267, %get3A_273 : vector<16xf32>
        %swap3A = arith.constant 1 : i32
        %swap3A_275 = arith.index_cast %swap3A : i32 to index
        %swap3A_276 = arith.index_cast %scan3A_261 : i32 to index
        %swap3A_277 = arith.constant 0 : index
        %swap3A_278 = tpu.vector_load %arg11[%swap3A_275, %swap3A_276, %swap3A_277] {strides = array<i32>} : memref<2x128x128xf32, #tpu.memory_space<vmem>>, vector<1x1x16xf32>,
        %swap3A_279 = vector.shape_cast %swap3A_278 : vector<1x1x16xf32> to vector<16xf32>
        %swap3A_280 = vector.shape_cast %add3A_274 : vector<16xf32> to vector<1x1x16xf32>
        tpu.vector_store %arg11[%swap3A_275, %swap3A_276, %swap3A_277], %swap3A_280 {strides = array<i32>} : memref<2x128x128xf32, #tpu.memory_space<vmem>>, vector<1x1x16xf32>,
        %get3A_281 = arith.constant 1 : i32
        %get3A_282 = arith.index_cast %get3A_281 : i32 to index
        %get3A_283 = arith.index_cast %scan3A_261 : i32 to index
        %get3A_284 = arith.constant 16 : index
        %get3A_285 = tpu.vector_load %arg9[%get3A_282, %get3A_283, %get3A_284] {strides = array<i32>} : memref<2x128x128xf32, #tpu.memory_space<vmem>>, vector<1x1x16xf32>,
        %get3A_286 = vector.shape_cast %get3A_285 : vector<1x1x16xf32> to vector<16xf32>
        %get3A_287 = arith.constant 1 : i32
        %get3A_288 = arith.index_cast %get3A_287 : i32 to index
        %get3A_289 = arith.index_cast %scan3A_261 : i32 to index
        %get3A_290 = arith.constant 16 : index
        %get3A_291 = tpu.vector_load %arg10[%get3A_288, %get3A_289, %get3A_290] {strides = array<i32>} : memref<2x128x128xf32, #tpu.memory_space<vmem>>, vector<1x1x16xf32>,
        %get3A_292 = vector.shape_cast %get3A_291 : vector<1x1x16xf32> to vector<16xf32>
        %add3A_293 = arith.addf %get3A_286, %get3A_292 : vector<16xf32>
        %swap3A_294 = arith.constant 1 : i32
        %swap3A_295 = arith.index_cast %swap3A_294 : i32 to index
        %swap3A_296 = arith.index_cast %scan3A_261 : i32 to index
        %swap3A_297 = arith.constant 16 : index
        %swap3A_298 = tpu.vector_load %arg11[%swap3A_295, %swap3A_296, %swap3A_297] {strides = array<i32>} : memref<2x128x128xf32, #tpu.memory_space<vmem>>, vector<1x1x16xf32>,
        %swap3A_299 = vector.shape_cast %swap3A_298 : vector<1x1x16xf32> to vector<16xf32>
        %swap3A_300 = vector.shape_cast %add3A_293 : vector<16xf32> to vector<1x1x16xf32>
        tpu.vector_store %arg11[%swap3A_295, %swap3A_296, %swap3A_297], %swap3A_300 {strides = array<i32>} : memref<2x128x128xf32, #tpu.memory_space<vmem>>, vector<1x1x16xf32>,
        %get3A_301 = arith.constant 1 : i32
        %get3A_302 = arith.index_cast %get3A_301 : i32 to index
        %get3A_303 = arith.index_cast %scan3A_261 : i32 to index
        %get3A_304 = arith.constant 32 : index
        %get3A_305 = tpu.vector_load %arg9[%get3A_302, %get3A_303, %get3A_304] {strides = array<i32>} : memref<2x128x128xf32, #tpu.memory_space<vmem>>, vector<1x1x16xf32>,
        %get3A_306 = vector.shape_cast %get3A_305 : vector<1x1x16xf32> to vector<16xf32>
        %get3A_307 = arith.constant 1 : i32
        %get3A_308 = arith.index_cast %get3A_307 : i32 to index
        %get3A_309 = arith.index_cast %scan3A_261 : i32 to index
        %get3A_310 = arith.constant 32 : index
        %get3A_311 = tpu.vector_load %arg10[%get3A_308, %get3A_309, %get3A_310] {strides = array<i32>} : memref<2x128x128xf32, #tpu.memory_space<vmem>>, vector<1x1x16xf32>,
        %get3A_312 = vector.shape_cast %get3A_311 : vector<1x1x16xf32> to vector<16xf32>
        %add3A_313 = arith.addf %get3A_306, %get3A_312 : vector<16xf32>
        %swap3A_314 = arith.constant 1 : i32
        %swap3A_315 = arith.index_cast %swap3A_314 : i32 to index
        %swap3A_316 = arith.index_cast %scan3A_261 : i32 to index
        %swap3A_317 = arith.constant 32 : index
        %swap3A_318 = tpu.vector_load %arg11[%swap3A_315, %swap3A_316, %swap3A_317] {strides = array<i32>} : memref<2x128x128xf32, #tpu.memory_space<vmem>>, vector<1x1x16xf32>,
        %swap3A_319 = vector.shape_cast %swap3A_318 : vector<1x1x16xf32> to vector<16xf32>
        %swap3A_320 = vector.shape_cast %add3A_313 : vector<16xf32> to vector<1x1x16xf32>
        tpu.vector_store %arg11[%swap3A_315, %swap3A_316, %swap3A_317], %swap3A_320 {strides = array<i32>} : memref<2x128x128xf32, #tpu.memory_space<vmem>>, vector<1x1x16xf32>,
        %get3A_321 = arith.constant 1 : i32
        %get3A_322 = arith.index_cast %get3A_321 : i32 to index
        %get3A_323 = arith.index_cast %scan3A_261 : i32 to index
        %get3A_324 = arith.constant 48 : index
        %get3A_325 = tpu.vector_load %arg9[%get3A_322, %get3A_323, %get3A_324] {strides = array<i32>} : memref<2x128x128xf32, #tpu.memory_space<vmem>>, vector<1x1x16xf32>,
        %get3A_326 = vector.shape_cast %get3A_325 : vector<1x1x16xf32> to vector<16xf32>
        %get3A_327 = arith.constant 1 : i32
        %get3A_328 = arith.index_cast %get3A_327 : i32 to index
        %get3A_329 = arith.index_cast %scan3A_261 : i32 to index
        %get3A_330 = arith.constant 48 : index
        %get3A_331 = tpu.vector_load %arg10[%get3A_328, %get3A_329, %get3A_330] {strides = array<i32>} : memref<2x128x128xf32, #tpu.memory_space<vmem>>, vector<1x1x16xf32>,
        %get3A_332 = vector.shape_cast %get3A_331 : vector<1x1x16xf32> to vector<16xf32>
        %add3A_333 = arith.addf %get3A_326, %get3A_332 : vector<16xf32>
        %swap3A_334 = arith.constant 1 : i32
        %swap3A_335 = arith.index_cast %swap3A_334 : i32 to index
        %swap3A_336 = arith.index_cast %scan3A_261 : i32 to index
        %swap3A_337 = arith.constant 48 : index
        %swap3A_338 = tpu.vector_load %arg11[%swap3A_335, %swap3A_336, %swap3A_337] {strides = array<i32>} : memref<2x128x128xf32, #tpu.memory_space<vmem>>, vector<1x1x16xf32>,
        %swap3A_339 = vector.shape_cast %swap3A_338 : vector<1x1x16xf32> to vector<16xf32>
        %swap3A_340 = vector.shape_cast %add3A_333 : vector<16xf32> to vector<1x1x16xf32>
        tpu.vector_store %arg11[%swap3A_335, %swap3A_336, %swap3A_337], %swap3A_340 {strides = array<i32>} : memref<2x128x128xf32, #tpu.memory_space<vmem>>, vector<1x1x16xf32>,
        %get3A_341 = arith.constant 1 : i32
        %get3A_342 = arith.index_cast %get3A_341 : i32 to index
        %get3A_343 = arith.index_cast %scan3A_261 : i32 to index
        %get3A_344 = arith.constant 64 : index
        %get3A_345 = tpu.vector_load %arg9[%get3A_342, %get3A_343, %get3A_344] {strides = array<i32>} : memref<2x128x128xf32, #tpu.memory_space<vmem>>, vector<1x1x16xf32>,
        %get3A_346 = vector.shape_cast %get3A_345 : vector<1x1x16xf32> to vector<16xf32>
        %get3A_347 = arith.constant 1 : i32
        %get3A_348 = arith.index_cast %get3A_347 : i32 to index
        %get3A_349 = arith.index_cast %scan3A_261 : i32 to index
        %get3A_350 = arith.constant 64 : index
        %get3A_351 = tpu.vector_load %arg10[%get3A_348, %get3A_349, %get3A_350] {strides = array<i32>} : memref<2x128x128xf32, #tpu.memory_space<vmem>>, vector<1x1x16xf32>,
        %get3A_352 = vector.shape_cast %get3A_351 : vector<1x1x16xf32> to vector<16xf32>
        %add3A_353 = arith.addf %get3A_346, %get3A_352 : vector<16xf32>
        %swap3A_354 = arith.constant 1 : i32
        %swap3A_355 = arith.index_cast %swap3A_354 : i32 to index
        %swap3A_356 = arith.index_cast %scan3A_261 : i32 to index
        %swap3A_357 = arith.constant 64 : index
        %swap3A_358 = tpu.vector_load %arg11[%swap3A_355, %swap3A_356, %swap3A_357] {strides = array<i32>} : memref<2x128x128xf32, #tpu.memory_space<vmem>>, vector<1x1x16xf32>,
        %swap3A_359 = vector.shape_cast %swap3A_358 : vector<1x1x16xf32> to vector<16xf32>
        %swap3A_360 = vector.shape_cast %add3A_353 : vector<16xf32> to vector<1x1x16xf32>
        tpu.vector_store %arg11[%swap3A_355, %swap3A_356, %swap3A_357], %swap3A_360 {strides = array<i32>} : memref<2x128x128xf32, #tpu.memory_space<vmem>>, vector<1x1x16xf32>,
        %get3A_361 = arith.constant 1 : i32
        %get3A_362 = arith.index_cast %get3A_361 : i32 to index
        %get3A_363 = arith.index_cast %scan3A_261 : i32 to index
        %get3A_364 = arith.constant 80 : index
        %get3A_365 = tpu.vector_load %arg9[%get3A_362, %get3A_363, %get3A_364] {strides = array<i32>} : memref<2x128x128xf32, #tpu.memory_space<vmem>>, vector<1x1x16xf32>,
        %get3A_366 = vector.shape_cast %get3A_365 : vector<1x1x16xf32> to vector<16xf32>
        %get3A_367 = arith.constant 1 : i32
        %get3A_368 = arith.index_cast %get3A_367 : i32 to index
        %get3A_369 = arith.index_cast %scan3A_261 : i32 to index
        %get3A_370 = arith.constant 80 : index
        %get3A_371 = tpu.vector_load %arg10[%get3A_368, %get3A_369, %get3A_370] {strides = array<i32>} : memref<2x128x128xf32, #tpu.memory_space<vmem>>, vector<1x1x16xf32>,
        %get3A_372 = vector.shape_cast %get3A_371 : vector<1x1x16xf32> to vector<16xf32>
        %add3A_373 = arith.addf %get3A_366, %get3A_372 : vector<16xf32>
        %swap3A_374 = arith.constant 1 : i32
        %swap3A_375 = arith.index_cast %swap3A_374 : i32 to index
        %swap3A_376 = arith.index_cast %scan3A_261 : i32 to index
        %swap3A_377 = arith.constant 80 : index
        %swap3A_378 = tpu.vector_load %arg11[%swap3A_375, %swap3A_376, %swap3A_377] {strides = array<i32>} : memref<2x128x128xf32, #tpu.memory_space<vmem>>, vector<1x1x16xf32>,
        %swap3A_379 = vector.shape_cast %swap3A_378 : vector<1x1x16xf32> to vector<16xf32>
        %swap3A_380 = vector.shape_cast %add3A_373 : vector<16xf32> to vector<1x1x16xf32>
        tpu.vector_store %arg11[%swap3A_375, %swap3A_376, %swap3A_377], %swap3A_380 {strides = array<i32>} : memref<2x128x128xf32, #tpu.memory_space<vmem>>, vector<1x1x16xf32>,
        %get3A_381 = arith.constant 1 : i32
        %get3A_382 = arith.index_cast %get3A_381 : i32 to index
        %get3A_383 = arith.index_cast %scan3A_261 : i32 to index
        %get3A_384 = arith.constant 96 : index
        %get3A_385 = tpu.vector_load %arg9[%get3A_382, %get3A_383, %get3A_384] {strides = array<i32>} : memref<2x128x128xf32, #tpu.memory_space<vmem>>, vector<1x1x16xf32>,
        %get3A_386 = vector.shape_cast %get3A_385 : vector<1x1x16xf32> to vector<16xf32>
        %get3A_387 = arith.constant 1 : i32
        %get3A_388 = arith.index_cast %get3A_387 : i32 to index
        %get3A_389 = arith.index_cast %scan3A_261 : i32 to index
        %get3A_390 = arith.constant 96 : index
        %get3A_391 = tpu.vector_load %arg10[%get3A_388, %get3A_389, %get3A_390] {strides = array<i32>} : memref<2x128x128xf32, #tpu.memory_space<vmem>>, vector<1x1x16xf32>,
        %get3A_392 = vector.shape_cast %get3A_391 : vector<1x1x16xf32> to vector<16xf32>
        %add3A_393 = arith.addf %get3A_386, %get3A_392 : vector<16xf32>
        %swap3A_394 = arith.constant 1 : i32
        %swap3A_395 = arith.index_cast %swap3A_394 : i32 to index
        %swap3A_396 = arith.index_cast %scan3A_261 : i32 to index
        %swap3A_397 = arith.constant 96 : index
        %swap3A_398 = tpu.vector_load %arg11[%swap3A_395, %swap3A_396, %swap3A_397] {strides = array<i32>} : memref<2x128x128xf32, #tpu.memory_space<vmem>>, vector<1x1x16xf32>,
        %swap3A_399 = vector.shape_cast %swap3A_398 : vector<1x1x16xf32> to vector<16xf32>
        %swap3A_400 = vector.shape_cast %add3A_393 : vector<16xf32> to vector<1x1x16xf32>
        tpu.vector_store %arg11[%swap3A_395, %swap3A_396, %swap3A_397], %swap3A_400 {strides = array<i32>} : memref<2x128x128xf32, #tpu.memory_space<vmem>>, vector<1x1x16xf32>,
        %get3A_401 = arith.constant 1 : i32
        %get3A_402 = arith.index_cast %get3A_401 : i32 to index
        %get3A_403 = arith.index_cast %scan3A_261 : i32 to index
        %get3A_404 = arith.constant 112 : index
        %get3A_405 = tpu.vector_load %arg9[%get3A_402, %get3A_403, %get3A_404] {strides = array<i32>} : memref<2x128x128xf32, #tpu.memory_space<vmem>>, vector<1x1x16xf32>,
        %get3A_406 = vector.shape_cast %get3A_405 : vector<1x1x16xf32> to vector<16xf32>
        %get3A_407 = arith.constant 1 : i32
        %get3A_408 = arith.index_cast %get3A_407 : i32 to index
        %get3A_409 = arith.index_cast %scan3A_261 : i32 to index
        %get3A_410 = arith.constant 112 : index
        %get3A_411 = tpu.vector_load %arg10[%get3A_408, %get3A_409, %get3A_410] {strides = array<i32>} : memref<2x128x128xf32, #tpu.memory_space<vmem>>, vector<1x1x16xf32>,
        %get3A_412 = vector.shape_cast %get3A_411 : vector<1x1x16xf32> to vector<16xf32>
        %add3A_413 = arith.addf %get3A_406, %get3A_412 : vector<16xf32>
        %swap3A_414 = arith.constant 1 : i32
        %swap3A_415 = arith.index_cast %swap3A_414 : i32 to index
        %swap3A_416 = arith.index_cast %scan3A_261 : i32 to index
        %swap3A_417 = arith.constant 112 : index
        %swap3A_418 = tpu.vector_load %arg11[%swap3A_415, %swap3A_416, %swap3A_417] {strides = array<i32>} : memref<2x128x128xf32, #tpu.memory_space<vmem>>, vector<1x1x16xf32>,
        %swap3A_419 = vector.shape_cast %swap3A_418 : vector<1x1x16xf32> to vector<16xf32>
        %swap3A_420 = vector.shape_cast %add3A_413 : vector<16xf32> to vector<1x1x16xf32>
        tpu.vector_store %arg11[%swap3A_415, %swap3A_416, %swap3A_417], %swap3A_420 {strides = array<i32>} : memref<2x128x128xf32, #tpu.memory_space<vmem>>, vector<1x1x16xf32>,
        %scan3A_421 = arith.constant 0 : i32
        scf.yield %scan3A_421 : i32
      }
      %scan3A_236 = arith.constant 128 : i32
      %add3A_237 = arith.constant 2 : i32
      %add3A_238 = arith.addi %add3A_202, %add3A_237 : i32
      %lt3A_239 = arith.constant 79 : i32
      %lt3A_240 = arith.cmpi slt, %add3A_238, %lt3A_239 : i32
      %convert_element_type3A_241 = arith.extui %lt3A_240 : i1 to i32
      %cond3A_242 = arith.constant 0 : i32
      %cond3A_243 = arith.cmpi ne, %convert_element_type3A_241, %cond3A_242 : i32
      scf.if %cond3A_243 {
        %add3A_261 = arith.constant 2 : i32
        %add3A_262 = arith.addi %add3A_202, %add3A_261 : i32
        %dma_start3A_263 = arith.constant 1 : i32
        %dma_start3A_264 = arith.constant 0 : i32
        %dma_start3A_265 = arith.constant 0 : i32
        %dma_start3A_266 = tpu.memref_slice %arg9[%dma_start3A_263, %dma_start3A_264, %dma_start3A_265] : memref<2x128x128xf32, #tpu.memory_space<vmem>> -> memref<1x128x128xf32, #tpu.memory_space<vmem>>
        %dma_start3A_267 = tpu.memref_squeeze %dma_start3A_266 : memref<1x128x128xf32, #tpu.memory_space<vmem>> -> memref<128x128xf32, #tpu.memory_space<vmem>>
        %dma_start3A_268 = arith.constant 0 : i32
        %dma_start3A_269 = tpu.memref_slice %arg7[%add3A_262, %dma_start3A_268] : memref<79x128xi32, #tpu.memory_space<vmem>> -> memref<1x128xi32, #tpu.memory_space<vmem>>
        %dma_start3A_270 = tpu.memref_squeeze %dma_start3A_269 : memref<1x128xi32, #tpu.memory_space<vmem>> -> memref<128xi32, #tpu.memory_space<vmem>>
        %dma_start3A_271 = arith.constant 0 : i32
        %dma_start3A_272 = arith.constant 0 : i32
        %dma_start3A_273 = tpu.memref_slice %arg2[%dma_start3A_271, %dma_start3A_272] : memref<10000x128xf32, #tpu.memory_space<hbm>> -> memref<10000x128xf32, #tpu.memory_space<hbm>>
        tpu.enqueue_indirect_dma source(%dma_start3A_273 : memref<10000x128xf32, #tpu.memory_space<hbm>>) target(%dma_start3A_267 : memref<128x128xf32, #tpu.memory_space<vmem>>) offsets(%dma_start3A_270 : memref<128xi32, #tpu.memory_space<vmem>>) semaphore(%arg13 : memref<!tpu.dma_semaphore, #tpu.memory_space<semaphore_mem>>)
        %dma_start3A_274 = arith.constant 1 : i32
        %dma_start3A_275 = arith.constant 0 : i32
        %dma_start3A_276 = arith.constant 0 : i32
        %dma_start3A_277 = tpu.memref_slice %arg10[%dma_start3A_274, %dma_start3A_275, %dma_start3A_276] : memref<2x128x128xf32, #tpu.memory_space<vmem>> -> memref<1x128x128xf32, #tpu.memory_space<vmem>>
        %dma_start3A_278 = tpu.memref_squeeze %dma_start3A_277 : memref<1x128x128xf32, #tpu.memory_space<vmem>> -> memref<128x128xf32, #tpu.memory_space<vmem>>
        %dma_start3A_279 = arith.constant 0 : i32
        %dma_start3A_280 = tpu.memref_slice %arg8[%add3A_262, %dma_start3A_279] : memref<79x128xi32, #tpu.memory_space<vmem>> -> memref<1x128xi32, #tpu.memory_space<vmem>>
        %dma_start3A_281 = tpu.memref_squeeze %dma_start3A_280 : memref<1x128xi32, #tpu.memory_space<vmem>> -> memref<128xi32, #tpu.memory_space<vmem>>
        %dma_start3A_282 = arith.constant 0 : i32
        %dma_start3A_283 = arith.constant 0 : i32
        %dma_start3A_284 = tpu.memref_slice %arg3[%dma_start3A_282, %dma_start3A_283] : memref<10000x128xf32, #tpu.memory_space<hbm>> -> memref<10000x128xf32, #tpu.memory_space<hbm>>
        tpu.enqueue_indirect_dma source(%dma_start3A_284 : memref<10000x128xf32, #tpu.memory_space<hbm>>) target(%dma_start3A_278 : memref<128x128xf32, #tpu.memory_space<vmem>>) offsets(%dma_start3A_281 : memref<128xi32, #tpu.memory_space<vmem>>) semaphore(%arg13 : memref<!tpu.dma_semaphore, #tpu.memory_space<semaphore_mem>>)
      } else {
      }
      %mul3A_244 = arith.constant 128 : i32
      %mul3A_245 = arith.muli %add3A_202, %mul3A_244 : i32
      %add3A_246 = arith.addi %mul3A_4, %mul3A_245 : i32
      %dma_start3A_247 = arith.constant 1 : i32
      %dma_start3A_248 = arith.constant 0 : i32
      %dma_start3A_249 = arith.constant 0 : i32
      %dma_start3A_250 = tpu.memref_slice %arg11[%dma_start3A_247, %dma_start3A_248, %dma_start3A_249] : memref<2x128x128xf32, #tpu.memory_space<vmem>> -> memref<1x128x128xf32, #tpu.memory_space<vmem>>
      %dma_start3A_251 = tpu.memref_squeeze %dma_start3A_250 : memref<1x128x128xf32, #tpu.memory_space<vmem>> -> memref<128x128xf32, #tpu.memory_space<vmem>>
      %dma_start3A_252 = arith.constant 0 : i32
      %dma_start3A_253 = tpu.memref_slice %arg6[%add3A_246, %dma_start3A_252] : memref<323584x128xf32, #tpu.memory_space<hbm>> -> memref<128x128xf32, #tpu.memory_space<hbm>>
      %dma_start3A_254 = arith.constant 0 : i32
      %dma_start3A_255 = tpu.memref_slice %arg6[%add3A_246, %dma_start3A_254] : memref<323584x128xf32, #tpu.memory_space<hbm>> -> memref<128x128xf32, #tpu.memory_space<hbm>>
      %dma_start3A_256 = arith.constant 0 : i32
      %dma_start3A_257 = arith.constant 0 : i32
      %dma_start3A_258 = tpu.memref_slice %arg11[%dma_start3A_247, %dma_start3A_256, %dma_start3A_257] : memref<2x128x128xf32, #tpu.memory_space<vmem>> -> memref<1x128x128xf32, #tpu.memory_space<vmem>>
      %dma_start3A_259 = tpu.memref_squeeze %dma_start3A_258 : memref<1x128x128xf32, #tpu.memory_space<vmem>> -> memref<128x128xf32, #tpu.memory_space<vmem>>
      tpu.enqueue_dma source(%dma_start3A_259 : memref<128x128xf32, #tpu.memory_space<vmem>>) target(%dma_start3A_255 : memref<128x128xf32, #tpu.memory_space<hbm>>) target_semaphore(%arg15 : memref<!tpu.dma_semaphore, #tpu.memory_space<semaphore_mem>>)
      %scan3A_260 = arith.constant 0 : i32
      scf.yield %scan3A_260 : i32
    }
    %scan3A_57 = arith.constant 39 : i32
    %dma_wait3A = arith.constant 78 : i32
    %dma_wait3A_58 = arith.constant 0 : i32
    %dma_wait3A_59 = arith.constant 0 : i32
    %dma_wait3A_60 = arith.constant 0 : i32
    %dma_wait3A_61 = tpu.memref_slice %arg9[%dma_wait3A_58, %dma_wait3A_59, %dma_wait3A_60] : memref<2x128x128xf32, #tpu.memory_space<vmem>> -> memref<1x128x128xf32, #tpu.memory_space<vmem>>
    %dma_wait3A_62 = tpu.memref_squeeze %dma_wait3A_61 : memref<1x128x128xf32, #tpu.memory_space<vmem>> -> memref<128x128xf32, #tpu.memory_space<vmem>>
    %dma_wait3A_63 = arith.constant 0 : i32
    %dma_wait3A_64 = tpu.memref_slice %arg7[%dma_wait3A, %dma_wait3A_63] : memref<79x128xi32, #tpu.memory_space<vmem>> -> memref<1x128xi32, #tpu.memory_space<vmem>>
    %dma_wait3A_65 = tpu.memref_squeeze %dma_wait3A_64 : memref<1x128xi32, #tpu.memory_space<vmem>> -> memref<128xi32, #tpu.memory_space<vmem>>
    %dma_wait3A_66 = arith.constant 0 : i32
    %dma_wait3A_67 = arith.constant 0 : i32
    %dma_wait3A_68 = tpu.memref_slice %arg2[%dma_wait3A_66, %dma_wait3A_67] : memref<10000x128xf32, #tpu.memory_space<hbm>> -> memref<10000x128xf32, #tpu.memory_space<hbm>>
    tpu.wait_indirect_dma semaphore(%arg12 : memref<!tpu.dma_semaphore, #tpu.memory_space<semaphore_mem>>) src(%dma_wait3A_68 : memref<10000x128xf32, #tpu.memory_space<hbm>>) dst(%dma_wait3A_62 : memref<128x128xf32, #tpu.memory_space<vmem>>)
    %dma_wait3A_69 = arith.constant 78 : i32
    %dma_wait3A_70 = arith.constant 0 : i32
    %dma_wait3A_71 = arith.constant 0 : i32
    %dma_wait3A_72 = arith.constant 0 : i32
    %dma_wait3A_73 = tpu.memref_slice %arg10[%dma_wait3A_70, %dma_wait3A_71, %dma_wait3A_72] : memref<2x128x128xf32, #tpu.memory_space<vmem>> -> memref<1x128x128xf32, #tpu.memory_space<vmem>>
    %dma_wait3A_74 = tpu.memref_squeeze %dma_wait3A_73 : memref<1x128x128xf32, #tpu.memory_space<vmem>> -> memref<128x128xf32, #tpu.memory_space<vmem>>
    %dma_wait3A_75 = arith.constant 0 : i32
    %dma_wait3A_76 = tpu.memref_slice %arg8[%dma_wait3A_69, %dma_wait3A_75] : memref<79x128xi32, #tpu.memory_space<vmem>> -> memref<1x128xi32, #tpu.memory_space<vmem>>
    %dma_wait3A_77 = tpu.memref_squeeze %dma_wait3A_76 : memref<1x128xi32, #tpu.memory_space<vmem>> -> memref<128xi32, #tpu.memory_space<vmem>>
    %dma_wait3A_78 = arith.constant 0 : i32
    %dma_wait3A_79 = arith.constant 0 : i32
    %dma_wait3A_80 = tpu.memref_slice %arg3[%dma_wait3A_78, %dma_wait3A_79] : memref<10000x128xf32, #tpu.memory_space<hbm>> -> memref<10000x128xf32, #tpu.memory_space<hbm>>
    tpu.wait_indirect_dma semaphore(%arg12 : memref<!tpu.dma_semaphore, #tpu.memory_space<semaphore_mem>>) src(%dma_wait3A_80 : memref<10000x128xf32, #tpu.memory_space<hbm>>) dst(%dma_wait3A_74 : memref<128x128xf32, #tpu.memory_space<vmem>>)
    %dma_wait3A_81 = arith.constant 0 : i32
    %dma_wait3A_82 = arith.constant 0 : i32
    %dma_wait3A_83 = arith.constant 0 : i32
    %dma_wait3A_84 = tpu.memref_slice %arg11[%dma_wait3A_81, %dma_wait3A_82, %dma_wait3A_83] : memref<2x128x128xf32, #tpu.memory_space<vmem>> -> memref<1x128x128xf32, #tpu.memory_space<vmem>>
    %dma_wait3A_85 = tpu.memref_squeeze %dma_wait3A_84 : memref<1x128x128xf32, #tpu.memory_space<vmem>> -> memref<128x128xf32, #tpu.memory_space<vmem>>
    %dma_wait3A_86 = arith.constant 0 : i32
    %dma_wait3A_87 = tpu.memref_slice %arg6[%mul3A_4, %dma_wait3A_86] : memref<323584x128xf32, #tpu.memory_space<hbm>> -> memref<128x128xf32, #tpu.memory_space<hbm>>
    %dma_wait3A_88 = arith.constant 0 : i32
    %dma_wait3A_89 = tpu.memref_slice %arg6[%mul3A_4, %dma_wait3A_88] : memref<323584x128xf32, #tpu.memory_space<hbm>> -> memref<128x128xf32, #tpu.memory_space<hbm>>
    %dma_wait3A_90 = arith.constant 0 : i32
    %dma_wait3A_91 = arith.constant 0 : i32
    %dma_wait3A_92 = tpu.memref_slice %arg11[%dma_wait3A_81, %dma_wait3A_90, %dma_wait3A_91] : memref<2x128x128xf32, #tpu.memory_space<vmem>> -> memref<1x128x128xf32, #tpu.memory_space<vmem>>
    %dma_wait3A_93 = tpu.memref_squeeze %dma_wait3A_92 : memref<1x128x128xf32, #tpu.memory_space<vmem>> -> memref<128x128xf32, #tpu.memory_space<vmem>>
    tpu.wait_dma2 semaphore(%arg14 : memref<!tpu.dma_semaphore, #tpu.memory_space<semaphore_mem>>) src(%dma_wait3A_93 : memref<128x128xf32, #tpu.memory_space<vmem>>) dst(%dma_wait3A_89 : memref<128x128xf32, #tpu.memory_space<hbm>>)
    %scan3A_94 = arith.constant 0 : i32
    %scan3A_95 = arith.constant 0 : i32
    %scan3A_96 = arith.constant 128 : i32
    %scan3A_97 = arith.addi %scan3A_95, %scan3A_96 : i32
    %scan3A_98 = arith.constant 1 : i32
    %scan3A_99 = scf.for %scan3A_142 = %scan3A_95 to %scan3A_97 step %scan3A_98 iter_args(%scan3A_143 = %scan3A_94) -> (i32)  : i32 {
      %get3A = arith.constant 0 : i32
      %get3A_144 = arith.index_cast %get3A : i32 to index
      %get3A_145 = arith.index_cast %scan3A_142 : i32 to index
      %get3A_146 = arith.constant 0 : index
      %get3A_147 = tpu.vector_load %arg9[%get3A_144, %get3A_145, %get3A_146] {strides = array<i32>} : memref<2x128x128xf32, #tpu.memory_space<vmem>>, vector<1x1x16xf32>,
      %get3A_148 = vector.shape_cast %get3A_147 : vector<1x1x16xf32> to vector<16xf32>
      %get3A_149 = arith.constant 0 : i32
      %get3A_150 = arith.index_cast %get3A_149 : i32 to index
      %get3A_151 = arith.index_cast %scan3A_142 : i32 to index
      %get3A_152 = arith.constant 0 : index
      %get3A_153 = tpu.vector_load %arg10[%get3A_150, %get3A_151, %get3A_152] {strides = array<i32>} : memref<2x128x128xf32, #tpu.memory_space<vmem>>, vector<1x1x16xf32>,
      %get3A_154 = vector.shape_cast %get3A_153 : vector<1x1x16xf32> to vector<16xf32>
      %add3A_155 = arith.addf %get3A_148, %get3A_154 : vector<16xf32>
      %swap3A = arith.constant 0 : i32
      %swap3A_156 = arith.index_cast %swap3A : i32 to index
      %swap3A_157 = arith.index_cast %scan3A_142 : i32 to index
      %swap3A_158 = arith.constant 0 : index
      %swap3A_159 = tpu.vector_load %arg11[%swap3A_156, %swap3A_157, %swap3A_158] {strides = array<i32>} : memref<2x128x128xf32, #tpu.memory_space<vmem>>, vector<1x1x16xf32>,
      %swap3A_160 = vector.shape_cast %swap3A_159 : vector<1x1x16xf32> to vector<16xf32>
      %swap3A_161 = vector.shape_cast %add3A_155 : vector<16xf32> to vector<1x1x16xf32>
      tpu.vector_store %arg11[%swap3A_156, %swap3A_157, %swap3A_158], %swap3A_161 {strides = array<i32>} : memref<2x128x128xf32, #tpu.memory_space<vmem>>, vector<1x1x16xf32>,
      %get3A_162 = arith.constant 0 : i32
      %get3A_163 = arith.index_cast %get3A_162 : i32 to index
      %get3A_164 = arith.index_cast %scan3A_142 : i32 to index
      %get3A_165 = arith.constant 16 : index
      %get3A_166 = tpu.vector_load %arg9[%get3A_163, %get3A_164, %get3A_165] {strides = array<i32>} : memref<2x128x128xf32, #tpu.memory_space<vmem>>, vector<1x1x16xf32>,
      %get3A_167 = vector.shape_cast %get3A_166 : vector<1x1x16xf32> to vector<16xf32>
      %get3A_168 = arith.constant 0 : i32
      %get3A_169 = arith.index_cast %get3A_168 : i32 to index
      %get3A_170 = arith.index_cast %scan3A_142 : i32 to index
      %get3A_171 = arith.constant 16 : index
      %get3A_172 = tpu.vector_load %arg10[%get3A_169, %get3A_170, %get3A_171] {strides = array<i32>} : memref<2x128x128xf32, #tpu.memory_space<vmem>>, vector<1x1x16xf32>,
      %get3A_173 = vector.shape_cast %get3A_172 : vector<1x1x16xf32> to vector<16xf32>
      %add3A_174 = arith.addf %get3A_167, %get3A_173 : vector<16xf32>
      %swap3A_175 = arith.constant 0 : i32
      %swap3A_176 = arith.index_cast %swap3A_175 : i32 to index
      %swap3A_177 = arith.index_cast %scan3A_142 : i32 to index
      %swap3A_178 = arith.constant 16 : index
      %swap3A_179 = tpu.vector_load %arg11[%swap3A_176, %swap3A_177, %swap3A_178] {strides = array<i32>} : memref<2x128x128xf32, #tpu.memory_space<vmem>>, vector<1x1x16xf32>,
      %swap3A_180 = vector.shape_cast %swap3A_179 : vector<1x1x16xf32> to vector<16xf32>
      %swap3A_181 = vector.shape_cast %add3A_174 : vector<16xf32> to vector<1x1x16xf32>
      tpu.vector_store %arg11[%swap3A_176, %swap3A_177, %swap3A_178], %swap3A_181 {strides = array<i32>} : memref<2x128x128xf32, #tpu.memory_space<vmem>>, vector<1x1x16xf32>,
      %get3A_182 = arith.constant 0 : i32
      %get3A_183 = arith.index_cast %get3A_182 : i32 to index
      %get3A_184 = arith.index_cast %scan3A_142 : i32 to index
      %get3A_185 = arith.constant 32 : index
      %get3A_186 = tpu.vector_load %arg9[%get3A_183, %get3A_184, %get3A_185] {strides = array<i32>} : memref<2x128x128xf32, #tpu.memory_space<vmem>>, vector<1x1x16xf32>,
      %get3A_187 = vector.shape_cast %get3A_186 : vector<1x1x16xf32> to vector<16xf32>
      %get3A_188 = arith.constant 0 : i32
      %get3A_189 = arith.index_cast %get3A_188 : i32 to index
      %get3A_190 = arith.index_cast %scan3A_142 : i32 to index
      %get3A_191 = arith.constant 32 : index
      %get3A_192 = tpu.vector_load %arg10[%get3A_189, %get3A_190, %get3A_191] {strides = array<i32>} : memref<2x128x128xf32, #tpu.memory_space<vmem>>, vector<1x1x16xf32>,
      %get3A_193 = vector.shape_cast %get3A_192 : vector<1x1x16xf32> to vector<16xf32>
      %add3A_194 = arith.addf %get3A_187, %get3A_193 : vector<16xf32>
      %swap3A_195 = arith.constant 0 : i32
      %swap3A_196 = arith.index_cast %swap3A_195 : i32 to index
      %swap3A_197 = arith.index_cast %scan3A_142 : i32 to index
      %swap3A_198 = arith.constant 32 : index
      %swap3A_199 = tpu.vector_load %arg11[%swap3A_196, %swap3A_197, %swap3A_198] {strides = array<i32>} : memref<2x128x128xf32, #tpu.memory_space<vmem>>, vector<1x1x16xf32>,
      %swap3A_200 = vector.shape_cast %swap3A_199 : vector<1x1x16xf32> to vector<16xf32>
      %swap3A_201 = vector.shape_cast %add3A_194 : vector<16xf32> to vector<1x1x16xf32>
      tpu.vector_store %arg11[%swap3A_196, %swap3A_197, %swap3A_198], %swap3A_201 {strides = array<i32>} : memref<2x128x128xf32, #tpu.memory_space<vmem>>, vector<1x1x16xf32>,
      %get3A_202 = arith.constant 0 : i32
      %get3A_203 = arith.index_cast %get3A_202 : i32 to index
      %get3A_204 = arith.index_cast %scan3A_142 : i32 to index
      %get3A_205 = arith.constant 48 : index
      %get3A_206 = tpu.vector_load %arg9[%get3A_203, %get3A_204, %get3A_205] {strides = array<i32>} : memref<2x128x128xf32, #tpu.memory_space<vmem>>, vector<1x1x16xf32>,
      %get3A_207 = vector.shape_cast %get3A_206 : vector<1x1x16xf32> to vector<16xf32>
      %get3A_208 = arith.constant 0 : i32
      %get3A_209 = arith.index_cast %get3A_208 : i32 to index
      %get3A_210 = arith.index_cast %scan3A_142 : i32 to index
      %get3A_211 = arith.constant 48 : index
      %get3A_212 = tpu.vector_load %arg10[%get3A_209, %get3A_210, %get3A_211] {strides = array<i32>} : memref<2x128x128xf32, #tpu.memory_space<vmem>>, vector<1x1x16xf32>,
      %get3A_213 = vector.shape_cast %get3A_212 : vector<1x1x16xf32> to vector<16xf32>
      %add3A_214 = arith.addf %get3A_207, %get3A_213 : vector<16xf32>
      %swap3A_215 = arith.constant 0 : i32
      %swap3A_216 = arith.index_cast %swap3A_215 : i32 to index
      %swap3A_217 = arith.index_cast %scan3A_142 : i32 to index
      %swap3A_218 = arith.constant 48 : index
      %swap3A_219 = tpu.vector_load %arg11[%swap3A_216, %swap3A_217, %swap3A_218] {strides = array<i32>} : memref<2x128x128xf32, #tpu.memory_space<vmem>>, vector<1x1x16xf32>,
      %swap3A_220 = vector.shape_cast %swap3A_219 : vector<1x1x16xf32> to vector<16xf32>
      %swap3A_221 = vector.shape_cast %add3A_214 : vector<16xf32> to vector<1x1x16xf32>
      tpu.vector_store %arg11[%swap3A_216, %swap3A_217, %swap3A_218], %swap3A_221 {strides = array<i32>} : memref<2x128x128xf32, #tpu.memory_space<vmem>>, vector<1x1x16xf32>,
      %get3A_222 = arith.constant 0 : i32
      %get3A_223 = arith.index_cast %get3A_222 : i32 to index
      %get3A_224 = arith.index_cast %scan3A_142 : i32 to index
      %get3A_225 = arith.constant 64 : index
      %get3A_226 = tpu.vector_load %arg9[%get3A_223, %get3A_224, %get3A_225] {strides = array<i32>} : memref<2x128x128xf32, #tpu.memory_space<vmem>>, vector<1x1x16xf32>,
      %get3A_227 = vector.shape_cast %get3A_226 : vector<1x1x16xf32> to vector<16xf32>
      %get3A_228 = arith.constant 0 : i32
      %get3A_229 = arith.index_cast %get3A_228 : i32 to index
      %get3A_230 = arith.index_cast %scan3A_142 : i32 to index
      %get3A_231 = arith.constant 64 : index
      %get3A_232 = tpu.vector_load %arg10[%get3A_229, %get3A_230, %get3A_231] {strides = array<i32>} : memref<2x128x128xf32, #tpu.memory_space<vmem>>, vector<1x1x16xf32>,
      %get3A_233 = vector.shape_cast %get3A_232 : vector<1x1x16xf32> to vector<16xf32>
      %add3A_234 = arith.addf %get3A_227, %get3A_233 : vector<16xf32>
      %swap3A_235 = arith.constant 0 : i32
      %swap3A_236 = arith.index_cast %swap3A_235 : i32 to index
      %swap3A_237 = arith.index_cast %scan3A_142 : i32 to index
      %swap3A_238 = arith.constant 64 : index
      %swap3A_239 = tpu.vector_load %arg11[%swap3A_236, %swap3A_237, %swap3A_238] {strides = array<i32>} : memref<2x128x128xf32, #tpu.memory_space<vmem>>, vector<1x1x16xf32>,
      %swap3A_240 = vector.shape_cast %swap3A_239 : vector<1x1x16xf32> to vector<16xf32>
      %swap3A_241 = vector.shape_cast %add3A_234 : vector<16xf32> to vector<1x1x16xf32>
      tpu.vector_store %arg11[%swap3A_236, %swap3A_237, %swap3A_238], %swap3A_241 {strides = array<i32>} : memref<2x128x128xf32, #tpu.memory_space<vmem>>, vector<1x1x16xf32>,
      %get3A_242 = arith.constant 0 : i32
      %get3A_243 = arith.index_cast %get3A_242 : i32 to index
      %get3A_244 = arith.index_cast %scan3A_142 : i32 to index
      %get3A_245 = arith.constant 80 : index
      %get3A_246 = tpu.vector_load %arg9[%get3A_243, %get3A_244, %get3A_245] {strides = array<i32>} : memref<2x128x128xf32, #tpu.memory_space<vmem>>, vector<1x1x16xf32>,
      %get3A_247 = vector.shape_cast %get3A_246 : vector<1x1x16xf32> to vector<16xf32>
      %get3A_248 = arith.constant 0 : i32
      %get3A_249 = arith.index_cast %get3A_248 : i32 to index
      %get3A_250 = arith.index_cast %scan3A_142 : i32 to index
      %get3A_251 = arith.constant 80 : index
      %get3A_252 = tpu.vector_load %arg10[%get3A_249, %get3A_250, %get3A_251] {strides = array<i32>} : memref<2x128x128xf32, #tpu.memory_space<vmem>>, vector<1x1x16xf32>,
      %get3A_253 = vector.shape_cast %get3A_252 : vector<1x1x16xf32> to vector<16xf32>
      %add3A_254 = arith.addf %get3A_247, %get3A_253 : vector<16xf32>
      %swap3A_255 = arith.constant 0 : i32
      %swap3A_256 = arith.index_cast %swap3A_255 : i32 to index
      %swap3A_257 = arith.index_cast %scan3A_142 : i32 to index
      %swap3A_258 = arith.constant 80 : index
      %swap3A_259 = tpu.vector_load %arg11[%swap3A_256, %swap3A_257, %swap3A_258] {strides = array<i32>} : memref<2x128x128xf32, #tpu.memory_space<vmem>>, vector<1x1x16xf32>,
      %swap3A_260 = vector.shape_cast %swap3A_259 : vector<1x1x16xf32> to vector<16xf32>
      %swap3A_261 = vector.shape_cast %add3A_254 : vector<16xf32> to vector<1x1x16xf32>
      tpu.vector_store %arg11[%swap3A_256, %swap3A_257, %swap3A_258], %swap3A_261 {strides = array<i32>} : memref<2x128x128xf32, #tpu.memory_space<vmem>>, vector<1x1x16xf32>,
      %get3A_262 = arith.constant 0 : i32
      %get3A_263 = arith.index_cast %get3A_262 : i32 to index
      %get3A_264 = arith.index_cast %scan3A_142 : i32 to index
      %get3A_265 = arith.constant 96 : index
      %get3A_266 = tpu.vector_load %arg9[%get3A_263, %get3A_264, %get3A_265] {strides = array<i32>} : memref<2x128x128xf32, #tpu.memory_space<vmem>>, vector<1x1x16xf32>,
      %get3A_267 = vector.shape_cast %get3A_266 : vector<1x1x16xf32> to vector<16xf32>
      %get3A_268 = arith.constant 0 : i32
      %get3A_269 = arith.index_cast %get3A_268 : i32 to index
      %get3A_270 = arith.index_cast %scan3A_142 : i32 to index
      %get3A_271 = arith.constant 96 : index
      %get3A_272 = tpu.vector_load %arg10[%get3A_269, %get3A_270, %get3A_271] {strides = array<i32>} : memref<2x128x128xf32, #tpu.memory_space<vmem>>, vector<1x1x16xf32>,
      %get3A_273 = vector.shape_cast %get3A_272 : vector<1x1x16xf32> to vector<16xf32>
      %add3A_274 = arith.addf %get3A_267, %get3A_273 : vector<16xf32>
      %swap3A_275 = arith.constant 0 : i32
      %swap3A_276 = arith.index_cast %swap3A_275 : i32 to index
      %swap3A_277 = arith.index_cast %scan3A_142 : i32 to index
      %swap3A_278 = arith.constant 96 : index
      %swap3A_279 = tpu.vector_load %arg11[%swap3A_276, %swap3A_277, %swap3A_278] {strides = array<i32>} : memref<2x128x128xf32, #tpu.memory_space<vmem>>, vector<1x1x16xf32>,
      %swap3A_280 = vector.shape_cast %swap3A_279 : vector<1x1x16xf32> to vector<16xf32>
      %swap3A_281 = vector.shape_cast %add3A_274 : vector<16xf32> to vector<1x1x16xf32>
      tpu.vector_store %arg11[%swap3A_276, %swap3A_277, %swap3A_278], %swap3A_281 {strides = array<i32>} : memref<2x128x128xf32, #tpu.memory_space<vmem>>, vector<1x1x16xf32>,
      %get3A_282 = arith.constant 0 : i32
      %get3A_283 = arith.index_cast %get3A_282 : i32 to index
      %get3A_284 = arith.index_cast %scan3A_142 : i32 to index
      %get3A_285 = arith.constant 112 : index
      %get3A_286 = tpu.vector_load %arg9[%get3A_283, %get3A_284, %get3A_285] {strides = array<i32>} : memref<2x128x128xf32, #tpu.memory_space<vmem>>, vector<1x1x16xf32>,
      %get3A_287 = vector.shape_cast %get3A_286 : vector<1x1x16xf32> to vector<16xf32>
      %get3A_288 = arith.constant 0 : i32
      %get3A_289 = arith.index_cast %get3A_288 : i32 to index
      %get3A_290 = arith.index_cast %scan3A_142 : i32 to index
      %get3A_291 = arith.constant 112 : index
      %get3A_292 = tpu.vector_load %arg10[%get3A_289, %get3A_290, %get3A_291] {strides = array<i32>} : memref<2x128x128xf32, #tpu.memory_space<vmem>>, vector<1x1x16xf32>,
      %get3A_293 = vector.shape_cast %get3A_292 : vector<1x1x16xf32> to vector<16xf32>
      %add3A_294 = arith.addf %get3A_287, %get3A_293 : vector<16xf32>
      %swap3A_295 = arith.constant 0 : i32
      %swap3A_296 = arith.index_cast %swap3A_295 : i32 to index
      %swap3A_297 = arith.index_cast %scan3A_142 : i32 to index
      %swap3A_298 = arith.constant 112 : index
      %swap3A_299 = tpu.vector_load %arg11[%swap3A_296, %swap3A_297, %swap3A_298] {strides = array<i32>} : memref<2x128x128xf32, #tpu.memory_space<vmem>>, vector<1x1x16xf32>,
      %swap3A_300 = vector.shape_cast %swap3A_299 : vector<1x1x16xf32> to vector<16xf32>
      %swap3A_301 = vector.shape_cast %add3A_294 : vector<16xf32> to vector<1x1x16xf32>
      tpu.vector_store %arg11[%swap3A_296, %swap3A_297, %swap3A_298], %swap3A_301 {strides = array<i32>} : memref<2x128x128xf32, #tpu.memory_space<vmem>>, vector<1x1x16xf32>,
      %scan3A_302 = arith.constant 0 : i32
      scf.yield %scan3A_302 : i32
    }
    %scan3A_100 = arith.constant 128 : i32
    %add3A_101 = arith.constant 9984 : i32
    %add3A_102 = arith.addi %mul3A_4, %add3A_101 : i32
    %dma_start3A_103 = arith.constant 0 : i32
    %dma_start3A_104 = arith.constant 0 : i32
    %dma_start3A_105 = arith.constant 0 : i32
    %dma_start3A_106 = tpu.memref_slice %arg11[%dma_start3A_103, %dma_start3A_104, %dma_start3A_105] : memref<2x128x128xf32, #tpu.memory_space<vmem>> -> memref<1x128x128xf32, #tpu.memory_space<vmem>>
    %dma_start3A_107 = tpu.memref_squeeze %dma_start3A_106 : memref<1x128x128xf32, #tpu.memory_space<vmem>> -> memref<128x128xf32, #tpu.memory_space<vmem>>
    %dma_start3A_108 = arith.constant 0 : i32
    %dma_start3A_109 = tpu.memref_slice %arg6[%add3A_102, %dma_start3A_108] : memref<323584x128xf32, #tpu.memory_space<hbm>> -> memref<128x128xf32, #tpu.memory_space<hbm>>
    %dma_start3A_110 = arith.constant 0 : i32
    %dma_start3A_111 = tpu.memref_slice %arg6[%add3A_102, %dma_start3A_110] : memref<323584x128xf32, #tpu.memory_space<hbm>> -> memref<128x128xf32, #tpu.memory_space<hbm>>
    %dma_start3A_112 = arith.constant 0 : i32
    %dma_start3A_113 = arith.constant 0 : i32
    %dma_start3A_114 = tpu.memref_slice %arg11[%dma_start3A_103, %dma_start3A_112, %dma_start3A_113] : memref<2x128x128xf32, #tpu.memory_space<vmem>> -> memref<1x128x128xf32, #tpu.memory_space<vmem>>
    %dma_start3A_115 = tpu.memref_squeeze %dma_start3A_114 : memref<1x128x128xf32, #tpu.memory_space<vmem>> -> memref<128x128xf32, #tpu.memory_space<vmem>>
    tpu.enqueue_dma source(%dma_start3A_115 : memref<128x128xf32, #tpu.memory_space<vmem>>) target(%dma_start3A_111 : memref<128x128xf32, #tpu.memory_space<hbm>>) target_semaphore(%arg14 : memref<!tpu.dma_semaphore, #tpu.memory_space<semaphore_mem>>)
    %dma_wait3A_116 = arith.constant 0 : i32
    %dma_wait3A_117 = arith.constant 0 : i32
    %dma_wait3A_118 = arith.constant 0 : i32
    %dma_wait3A_119 = tpu.memref_slice %arg11[%dma_wait3A_116, %dma_wait3A_117, %dma_wait3A_118] : memref<2x128x128xf32, #tpu.memory_space<vmem>> -> memref<1x128x128xf32, #tpu.memory_space<vmem>>
    %dma_wait3A_120 = tpu.memref_squeeze %dma_wait3A_119 : memref<1x128x128xf32, #tpu.memory_space<vmem>> -> memref<128x128xf32, #tpu.memory_space<vmem>>
    %dma_wait3A_121 = arith.constant 0 : i32
    %dma_wait3A_122 = tpu.memref_slice %arg6[%mul3A_4, %dma_wait3A_121] : memref<323584x128xf32, #tpu.memory_space<hbm>> -> memref<128x128xf32, #tpu.memory_space<hbm>>
    %dma_wait3A_123 = arith.constant 0 : i32
    %dma_wait3A_124 = tpu.memref_slice %arg6[%mul3A_4, %dma_wait3A_123] : memref<323584x128xf32, #tpu.memory_space<hbm>> -> memref<128x128xf32, #tpu.memory_space<hbm>>
    %dma_wait3A_125 = arith.constant 0 : i32
    %dma_wait3A_126 = arith.constant 0 : i32
    %dma_wait3A_127 = tpu.memref_slice %arg11[%dma_wait3A_116, %dma_wait3A_125, %dma_wait3A_126] : memref<2x128x128xf32, #tpu.memory_space<vmem>> -> memref<1x128x128xf32, #tpu.memory_space<vmem>>
    %dma_wait3A_128 = tpu.memref_squeeze %dma_wait3A_127 : memref<1x128x128xf32, #tpu.memory_space<vmem>> -> memref<128x128xf32, #tpu.memory_space<vmem>>
    tpu.wait_dma2 semaphore(%arg14 : memref<!tpu.dma_semaphore, #tpu.memory_space<semaphore_mem>>) src(%dma_wait3A_128 : memref<128x128xf32, #tpu.memory_space<vmem>>) dst(%dma_wait3A_124 : memref<128x128xf32, #tpu.memory_space<hbm>>)
    %dma_wait3A_129 = arith.constant 1 : i32
    %dma_wait3A_130 = arith.constant 0 : i32
    %dma_wait3A_131 = arith.constant 0 : i32
    %dma_wait3A_132 = tpu.memref_slice %arg11[%dma_wait3A_129, %dma_wait3A_130, %dma_wait3A_131] : memref<2x128x128xf32, #tpu.memory_space<vmem>> -> memref<1x128x128xf32, #tpu.memory_space<vmem>>
    %dma_wait3A_133 = tpu.memref_squeeze %dma_wait3A_132 : memref<1x128x128xf32, #tpu.memory_space<vmem>> -> memref<128x128xf32, #tpu.memory_space<vmem>>
    %dma_wait3A_134 = arith.constant 0 : i32
    %dma_wait3A_135 = tpu.memref_slice %arg6[%mul3A_4, %dma_wait3A_134] : memref<323584x128xf32, #tpu.memory_space<hbm>> -> memref<128x128xf32, #tpu.memory_space<hbm>>
    %dma_wait3A_136 = arith.constant 0 : i32
    %dma_wait3A_137 = tpu.memref_slice %arg6[%mul3A_4, %dma_wait3A_136] : memref<323584x128xf32, #tpu.memory_space<hbm>> -> memref<128x128xf32, #tpu.memory_space<hbm>>
    %dma_wait3A_138 = arith.constant 0 : i32
    %dma_wait3A_139 = arith.constant 0 : i32
    %dma_wait3A_140 = tpu.memref_slice %arg11[%dma_wait3A_129, %dma_wait3A_138, %dma_wait3A_139] : memref<2x128x128xf32, #tpu.memory_space<vmem>> -> memref<1x128x128xf32, #tpu.memory_space<vmem>>
    %dma_wait3A_141 = tpu.memref_squeeze %dma_wait3A_140 : memref<1x128x128xf32, #tpu.memory_space<vmem>> -> memref<128x128xf32, #tpu.memory_space<vmem>>
    tpu.wait_dma2 semaphore(%arg15 : memref<!tpu.dma_semaphore, #tpu.memory_space<semaphore_mem>>) src(%dma_wait3A_141 : memref<128x128xf32, #tpu.memory_space<vmem>>) dst(%dma_wait3A_137 : memref<128x128xf32, #tpu.memory_space<hbm>>)
    return
  }
}

#map = affine_map<(d0, d1) -> (0, 0)>
#map1 = affine_map<(d0, d1) -> (0, 0, 0)>
module attributes {stable_mosaic.version = 14 : i64} {
  func.func @body(%arg0: i32, %arg1: i32, %arg2: memref<323584x128xf32, #tpu.memory_space<hbm>>, %arg3: memref<32x79x128xi32, #tpu.memory_space<hbm>>, %arg4: memref<128x128xf32, #tpu.memory_space<hbm>>, %arg5: memref<2x10112x128xf32, #tpu.memory_space<hbm>>, %arg6: memref<10112x128xf32, #tpu.memory_space<vmem_shared>>, %arg7: memref<79x128xi32, #tpu.memory_space<vmem>>, %arg8: memref<2x128x128xf32, #tpu.memory_space<vmem>>, %arg9: memref<!tpu.dma_semaphore, #tpu.memory_space<semaphore_mem>>, %arg10: memref<!tpu.dma_semaphore, #tpu.memory_space<semaphore_mem>>) attributes {dimension_semantics = [#tpu.dimension_semantics<core_parallel>, #tpu.dimension_semantics<subcore_parallel>], iteration_bounds = array<i64: 2, 16>, scalar_prefetch = 0 : i64, scratch_operands = 5 : i64, tpu.core_type = #tpu.core_type<sc_vector_subcore>, window_params = [{transform_indices = #map}, {transform_indices = #map1}, {transform_indices = #map}, {transform_indices = #map1}]} {
    %mul3A = arith.constant 2 : i32
    %mul3A_0 = arith.muli %arg1, %mul3A : i32
    %add3A = arith.addi %mul3A_0, %arg0 : i32
    %mul3A_1 = arith.constant 79 : i32
    %mul3A_2 = arith.muli %add3A, %mul3A_1 : i32
    %mul3A_3 = arith.constant 128 : i32
    %mul3A_4 = arith.muli %mul3A_2, %mul3A_3 : i32
    %run_scoped3A = arith.constant 0 : i32
    "tpu.region"() ({
      %run_scoped3A_144 = tpu.sem_alloc : memref<!tpu.dma_semaphore, #tpu.memory_space<semaphore_mem>>
      %dma_start3A_145 = arith.constant 0 : i32
      %dma_start3A_146 = arith.constant 0 : i32
      %dma_start3A_147 = tpu.memref_slice %arg8[%run_scoped3A, %dma_start3A_145, %dma_start3A_146] : memref<2x128x128xf32, #tpu.memory_space<vmem>> -> memref<1x128x128xf32, #tpu.memory_space<vmem>>
      %dma_start3A_148 = tpu.memref_squeeze %dma_start3A_147 : memref<1x128x128xf32, #tpu.memory_space<vmem>> -> memref<128x128xf32, #tpu.memory_space<vmem>>
      %dma_start3A_149 = arith.constant 0 : i32
      %dma_start3A_150 = arith.constant 0 : i32
      %dma_start3A_151 = tpu.memref_slice %arg8[%run_scoped3A, %dma_start3A_149, %dma_start3A_150] : memref<2x128x128xf32, #tpu.memory_space<vmem>> -> memref<1x128x128xf32, #tpu.memory_space<vmem>>
      %dma_start3A_152 = tpu.memref_squeeze %dma_start3A_151 : memref<1x128x128xf32, #tpu.memory_space<vmem>> -> memref<128x128xf32, #tpu.memory_space<vmem>>
      tpu.enqueue_dma source(%arg4 : memref<128x128xf32, #tpu.memory_space<hbm>>) target(%dma_start3A_152 : memref<128x128xf32, #tpu.memory_space<vmem>>) target_semaphore(%run_scoped3A_144 : memref<!tpu.dma_semaphore, #tpu.memory_space<semaphore_mem>>)
      %dma_wait3A_153 = arith.constant 0 : i32
      %dma_wait3A_154 = arith.constant 0 : i32
      %dma_wait3A_155 = tpu.memref_slice %arg8[%run_scoped3A, %dma_wait3A_153, %dma_wait3A_154] : memref<2x128x128xf32, #tpu.memory_space<vmem>> -> memref<1x128x128xf32, #tpu.memory_space<vmem>>
      %dma_wait3A_156 = tpu.memref_squeeze %dma_wait3A_155 : memref<1x128x128xf32, #tpu.memory_space<vmem>> -> memref<128x128xf32, #tpu.memory_space<vmem>>
      %dma_wait3A_157 = arith.constant 0 : i32
      %dma_wait3A_158 = arith.constant 0 : i32
      %dma_wait3A_159 = tpu.memref_slice %arg8[%run_scoped3A, %dma_wait3A_157, %dma_wait3A_158] : memref<2x128x128xf32, #tpu.memory_space<vmem>> -> memref<1x128x128xf32, #tpu.memory_space<vmem>>
      %dma_wait3A_160 = tpu.memref_squeeze %dma_wait3A_159 : memref<1x128x128xf32, #tpu.memory_space<vmem>> -> memref<128x128xf32, #tpu.memory_space<vmem>>
      tpu.wait_dma2 semaphore(%run_scoped3A_144 : memref<!tpu.dma_semaphore, #tpu.memory_space<semaphore_mem>>) src(%arg4 : memref<128x128xf32, #tpu.memory_space<hbm>>) dst(%dma_wait3A_160 : memref<128x128xf32, #tpu.memory_space<vmem>>)
      tpu.yield
    }) : () -> ()
    %mul3A_5 = arith.constant 5 : i32
    %mul3A_6 = arith.muli %arg1, %mul3A_5 : i32
    %add3A_7 = arith.constant 0 : i32
    %add3A_8 = arith.addi %mul3A_6, %add3A_7 : i32
    %lt3A = arith.constant 79 : i32
    %lt3A_9 = arith.cmpi slt, %add3A_8, %lt3A : i32
    %convert_element_type3A = arith.extui %lt3A_9 : i1 to i32
    %cond3A = arith.constant 0 : i32
    %cond3A_10 = arith.cmpi ne, %convert_element_type3A, %cond3A : i32
    scf.if %cond3A_10 {
      %mul3A_144 = arith.constant 128 : i32
      %mul3A_145 = arith.muli %add3A_8, %mul3A_144 : i32
      %run_scoped3A_146 = arith.constant 0 : i32
      "tpu.region"() ({
        %run_scoped3A_147 = tpu.sem_alloc : memref<!tpu.dma_semaphore, #tpu.memory_space<semaphore_mem>>
        %dma_start3A_148 = arith.constant 0 : i32
        %dma_start3A_149 = arith.constant 0 : i32
        %dma_start3A_150 = tpu.memref_slice %arg8[%run_scoped3A_146, %dma_start3A_148, %dma_start3A_149] : memref<2x128x128xf32, #tpu.memory_space<vmem>> -> memref<1x128x128xf32, #tpu.memory_space<vmem>>
        %dma_start3A_151 = tpu.memref_squeeze %dma_start3A_150 : memref<1x128x128xf32, #tpu.memory_space<vmem>> -> memref<128x128xf32, #tpu.memory_space<vmem>>
        %dma_start3A_152 = arith.constant 0 : i32
        %dma_start3A_153 = tpu.memref_slice %arg6[%mul3A_145, %dma_start3A_152] : memref<10112x128xf32, #tpu.memory_space<vmem_shared>> -> memref<128x128xf32, #tpu.memory_space<vmem_shared>>
        %dma_start3A_154 = arith.constant 0 : i32
        %dma_start3A_155 = tpu.memref_slice %arg6[%mul3A_145, %dma_start3A_154] : memref<10112x128xf32, #tpu.memory_space<vmem_shared>> -> memref<128x128xf32, #tpu.memory_space<vmem_shared>>
        %dma_start3A_156 = arith.constant 0 : i32
        %dma_start3A_157 = arith.constant 0 : i32
        %dma_start3A_158 = tpu.memref_slice %arg8[%run_scoped3A_146, %dma_start3A_156, %dma_start3A_157] : memref<2x128x128xf32, #tpu.memory_space<vmem>> -> memref<1x128x128xf32, #tpu.memory_space<vmem>>
        %dma_start3A_159 = tpu.memref_squeeze %dma_start3A_158 : memref<1x128x128xf32, #tpu.memory_space<vmem>> -> memref<128x128xf32, #tpu.memory_space<vmem>>
        tpu.enqueue_dma source(%dma_start3A_159 : memref<128x128xf32, #tpu.memory_space<vmem>>) target(%dma_start3A_155 : memref<128x128xf32, #tpu.memory_space<vmem_shared>>) target_semaphore(%run_scoped3A_147 : memref<!tpu.dma_semaphore, #tpu.memory_space<semaphore_mem>>)
        %dma_wait3A_160 = arith.constant 0 : i32
        %dma_wait3A_161 = arith.constant 0 : i32
        %dma_wait3A_162 = tpu.memref_slice %arg8[%run_scoped3A_146, %dma_wait3A_160, %dma_wait3A_161] : memref<2x128x128xf32, #tpu.memory_space<vmem>> -> memref<1x128x128xf32, #tpu.memory_space<vmem>>
        %dma_wait3A_163 = tpu.memref_squeeze %dma_wait3A_162 : memref<1x128x128xf32, #tpu.memory_space<vmem>> -> memref<128x128xf32, #tpu.memory_space<vmem>>
        %dma_wait3A_164 = arith.constant 0 : i32
        %dma_wait3A_165 = tpu.memref_slice %arg6[%mul3A_145, %dma_wait3A_164] : memref<10112x128xf32, #tpu.memory_space<vmem_shared>> -> memref<128x128xf32, #tpu.memory_space<vmem_shared>>
        %dma_wait3A_166 = arith.constant 0 : i32
        %dma_wait3A_167 = tpu.memref_slice %arg6[%mul3A_145, %dma_wait3A_166] : memref<10112x128xf32, #tpu.memory_space<vmem_shared>> -> memref<128x128xf32, #tpu.memory_space<vmem_shared>>
        %dma_wait3A_168 = arith.constant 0 : i32
        %dma_wait3A_169 = arith.constant 0 : i32
        %dma_wait3A_170 = tpu.memref_slice %arg8[%run_scoped3A_146, %dma_wait3A_168, %dma_wait3A_169] : memref<2x128x128xf32, #tpu.memory_space<vmem>> -> memref<1x128x128xf32, #tpu.memory_space<vmem>>
        %dma_wait3A_171 = tpu.memref_squeeze %dma_wait3A_170 : memref<1x128x128xf32, #tpu.memory_space<vmem>> -> memref<128x128xf32, #tpu.memory_space<vmem>>
        tpu.wait_dma2 semaphore(%run_scoped3A_147 : memref<!tpu.dma_semaphore, #tpu.memory_space<semaphore_mem>>) src(%dma_wait3A_171 : memref<128x128xf32, #tpu.memory_space<vmem>>) dst(%dma_wait3A_167 : memref<128x128xf32, #tpu.memory_space<vmem_shared>>)
        tpu.yield
      }) : () -> ()
    } else {
    }
    %mul3A_11 = arith.constant 5 : i32
    %mul3A_12 = arith.muli %arg1, %mul3A_11 : i32
    %add3A_13 = arith.constant 1 : i32
    %add3A_14 = arith.addi %mul3A_12, %add3A_13 : i32
    %lt3A_15 = arith.constant 79 : i32
    %lt3A_16 = arith.cmpi slt, %add3A_14, %lt3A_15 : i32
    %convert_element_type3A_17 = arith.extui %lt3A_16 : i1 to i32
    %cond3A_18 = arith.constant 0 : i32
    %cond3A_19 = arith.cmpi ne, %convert_element_type3A_17, %cond3A_18 : i32
    scf.if %cond3A_19 {
      %mul3A_144 = arith.constant 128 : i32
      %mul3A_145 = arith.muli %add3A_14, %mul3A_144 : i32
      %run_scoped3A_146 = arith.constant 0 : i32
      "tpu.region"() ({
        %run_scoped3A_147 = tpu.sem_alloc : memref<!tpu.dma_semaphore, #tpu.memory_space<semaphore_mem>>
        %dma_start3A_148 = arith.constant 0 : i32
        %dma_start3A_149 = arith.constant 0 : i32
        %dma_start3A_150 = tpu.memref_slice %arg8[%run_scoped3A_146, %dma_start3A_148, %dma_start3A_149] : memref<2x128x128xf32, #tpu.memory_space<vmem>> -> memref<1x128x128xf32, #tpu.memory_space<vmem>>
        %dma_start3A_151 = tpu.memref_squeeze %dma_start3A_150 : memref<1x128x128xf32, #tpu.memory_space<vmem>> -> memref<128x128xf32, #tpu.memory_space<vmem>>
        %dma_start3A_152 = arith.constant 0 : i32
        %dma_start3A_153 = tpu.memref_slice %arg6[%mul3A_145, %dma_start3A_152] : memref<10112x128xf32, #tpu.memory_space<vmem_shared>> -> memref<128x128xf32, #tpu.memory_space<vmem_shared>>
        %dma_start3A_154 = arith.constant 0 : i32
        %dma_start3A_155 = tpu.memref_slice %arg6[%mul3A_145, %dma_start3A_154] : memref<10112x128xf32, #tpu.memory_space<vmem_shared>> -> memref<128x128xf32, #tpu.memory_space<vmem_shared>>
        %dma_start3A_156 = arith.constant 0 : i32
        %dma_start3A_157 = arith.constant 0 : i32
        %dma_start3A_158 = tpu.memref_slice %arg8[%run_scoped3A_146, %dma_start3A_156, %dma_start3A_157] : memref<2x128x128xf32, #tpu.memory_space<vmem>> -> memref<1x128x128xf32, #tpu.memory_space<vmem>>
        %dma_start3A_159 = tpu.memref_squeeze %dma_start3A_158 : memref<1x128x128xf32, #tpu.memory_space<vmem>> -> memref<128x128xf32, #tpu.memory_space<vmem>>
        tpu.enqueue_dma source(%dma_start3A_159 : memref<128x128xf32, #tpu.memory_space<vmem>>) target(%dma_start3A_155 : memref<128x128xf32, #tpu.memory_space<vmem_shared>>) target_semaphore(%run_scoped3A_147 : memref<!tpu.dma_semaphore, #tpu.memory_space<semaphore_mem>>)
        %dma_wait3A_160 = arith.constant 0 : i32
        %dma_wait3A_161 = arith.constant 0 : i32
        %dma_wait3A_162 = tpu.memref_slice %arg8[%run_scoped3A_146, %dma_wait3A_160, %dma_wait3A_161] : memref<2x128x128xf32, #tpu.memory_space<vmem>> -> memref<1x128x128xf32, #tpu.memory_space<vmem>>
        %dma_wait3A_163 = tpu.memref_squeeze %dma_wait3A_162 : memref<1x128x128xf32, #tpu.memory_space<vmem>> -> memref<128x128xf32, #tpu.memory_space<vmem>>
        %dma_wait3A_164 = arith.constant 0 : i32
        %dma_wait3A_165 = tpu.memref_slice %arg6[%mul3A_145, %dma_wait3A_164] : memref<10112x128xf32, #tpu.memory_space<vmem_shared>> -> memref<128x128xf32, #tpu.memory_space<vmem_shared>>
        %dma_wait3A_166 = arith.constant 0 : i32
        %dma_wait3A_167 = tpu.memref_slice %arg6[%mul3A_145, %dma_wait3A_166] : memref<10112x128xf32, #tpu.memory_space<vmem_shared>> -> memref<128x128xf32, #tpu.memory_space<vmem_shared>>
        %dma_wait3A_168 = arith.constant 0 : i32
        %dma_wait3A_169 = arith.constant 0 : i32
        %dma_wait3A_170 = tpu.memref_slice %arg8[%run_scoped3A_146, %dma_wait3A_168, %dma_wait3A_169] : memref<2x128x128xf32, #tpu.memory_space<vmem>> -> memref<1x128x128xf32, #tpu.memory_space<vmem>>
        %dma_wait3A_171 = tpu.memref_squeeze %dma_wait3A_170 : memref<1x128x128xf32, #tpu.memory_space<vmem>> -> memref<128x128xf32, #tpu.memory_space<vmem>>
        tpu.wait_dma2 semaphore(%run_scoped3A_147 : memref<!tpu.dma_semaphore, #tpu.memory_space<semaphore_mem>>) src(%dma_wait3A_171 : memref<128x128xf32, #tpu.memory_space<vmem>>) dst(%dma_wait3A_167 : memref<128x128xf32, #tpu.memory_space<vmem_shared>>)
        tpu.yield
      }) : () -> ()
    } else {
    }
    %mul3A_20 = arith.constant 5 : i32
    %mul3A_21 = arith.muli %arg1, %mul3A_20 : i32
    %add3A_22 = arith.constant 2 : i32
    %add3A_23 = arith.addi %mul3A_21, %add3A_22 : i32
    %lt3A_24 = arith.constant 79 : i32
    %lt3A_25 = arith.cmpi slt, %add3A_23, %lt3A_24 : i32
    %convert_element_type3A_26 = arith.extui %lt3A_25 : i1 to i32
    %cond3A_27 = arith.constant 0 : i32
    %cond3A_28 = arith.cmpi ne, %convert_element_type3A_26, %cond3A_27 : i32
    scf.if %cond3A_28 {
      %mul3A_144 = arith.constant 128 : i32
      %mul3A_145 = arith.muli %add3A_23, %mul3A_144 : i32
      %run_scoped3A_146 = arith.constant 0 : i32
      "tpu.region"() ({
        %run_scoped3A_147 = tpu.sem_alloc : memref<!tpu.dma_semaphore, #tpu.memory_space<semaphore_mem>>
        %dma_start3A_148 = arith.constant 0 : i32
        %dma_start3A_149 = arith.constant 0 : i32
        %dma_start3A_150 = tpu.memref_slice %arg8[%run_scoped3A_146, %dma_start3A_148, %dma_start3A_149] : memref<2x128x128xf32, #tpu.memory_space<vmem>> -> memref<1x128x128xf32, #tpu.memory_space<vmem>>
        %dma_start3A_151 = tpu.memref_squeeze %dma_start3A_150 : memref<1x128x128xf32, #tpu.memory_space<vmem>> -> memref<128x128xf32, #tpu.memory_space<vmem>>
        %dma_start3A_152 = arith.constant 0 : i32
        %dma_start3A_153 = tpu.memref_slice %arg6[%mul3A_145, %dma_start3A_152] : memref<10112x128xf32, #tpu.memory_space<vmem_shared>> -> memref<128x128xf32, #tpu.memory_space<vmem_shared>>
        %dma_start3A_154 = arith.constant 0 : i32
        %dma_start3A_155 = tpu.memref_slice %arg6[%mul3A_145, %dma_start3A_154] : memref<10112x128xf32, #tpu.memory_space<vmem_shared>> -> memref<128x128xf32, #tpu.memory_space<vmem_shared>>
        %dma_start3A_156 = arith.constant 0 : i32
        %dma_start3A_157 = arith.constant 0 : i32
        %dma_start3A_158 = tpu.memref_slice %arg8[%run_scoped3A_146, %dma_start3A_156, %dma_start3A_157] : memref<2x128x128xf32, #tpu.memory_space<vmem>> -> memref<1x128x128xf32, #tpu.memory_space<vmem>>
        %dma_start3A_159 = tpu.memref_squeeze %dma_start3A_158 : memref<1x128x128xf32, #tpu.memory_space<vmem>> -> memref<128x128xf32, #tpu.memory_space<vmem>>
        tpu.enqueue_dma source(%dma_start3A_159 : memref<128x128xf32, #tpu.memory_space<vmem>>) target(%dma_start3A_155 : memref<128x128xf32, #tpu.memory_space<vmem_shared>>) target_semaphore(%run_scoped3A_147 : memref<!tpu.dma_semaphore, #tpu.memory_space<semaphore_mem>>)
        %dma_wait3A_160 = arith.constant 0 : i32
        %dma_wait3A_161 = arith.constant 0 : i32
        %dma_wait3A_162 = tpu.memref_slice %arg8[%run_scoped3A_146, %dma_wait3A_160, %dma_wait3A_161] : memref<2x128x128xf32, #tpu.memory_space<vmem>> -> memref<1x128x128xf32, #tpu.memory_space<vmem>>
        %dma_wait3A_163 = tpu.memref_squeeze %dma_wait3A_162 : memref<1x128x128xf32, #tpu.memory_space<vmem>> -> memref<128x128xf32, #tpu.memory_space<vmem>>
        %dma_wait3A_164 = arith.constant 0 : i32
        %dma_wait3A_165 = tpu.memref_slice %arg6[%mul3A_145, %dma_wait3A_164] : memref<10112x128xf32, #tpu.memory_space<vmem_shared>> -> memref<128x128xf32, #tpu.memory_space<vmem_shared>>
        %dma_wait3A_166 = arith.constant 0 : i32
        %dma_wait3A_167 = tpu.memref_slice %arg6[%mul3A_145, %dma_wait3A_166] : memref<10112x128xf32, #tpu.memory_space<vmem_shared>> -> memref<128x128xf32, #tpu.memory_space<vmem_shared>>
        %dma_wait3A_168 = arith.constant 0 : i32
        %dma_wait3A_169 = arith.constant 0 : i32
        %dma_wait3A_170 = tpu.memref_slice %arg8[%run_scoped3A_146, %dma_wait3A_168, %dma_wait3A_169] : memref<2x128x128xf32, #tpu.memory_space<vmem>> -> memref<1x128x128xf32, #tpu.memory_space<vmem>>
        %dma_wait3A_171 = tpu.memref_squeeze %dma_wait3A_170 : memref<1x128x128xf32, #tpu.memory_space<vmem>> -> memref<128x128xf32, #tpu.memory_space<vmem>>
        tpu.wait_dma2 semaphore(%run_scoped3A_147 : memref<!tpu.dma_semaphore, #tpu.memory_space<semaphore_mem>>) src(%dma_wait3A_171 : memref<128x128xf32, #tpu.memory_space<vmem>>) dst(%dma_wait3A_167 : memref<128x128xf32, #tpu.memory_space<vmem_shared>>)
        tpu.yield
      }) : () -> ()
    } else {
    }
    %mul3A_29 = arith.constant 5 : i32
    %mul3A_30 = arith.muli %arg1, %mul3A_29 : i32
    %add3A_31 = arith.constant 3 : i32
    %add3A_32 = arith.addi %mul3A_30, %add3A_31 : i32
    %lt3A_33 = arith.constant 79 : i32
    %lt3A_34 = arith.cmpi slt, %add3A_32, %lt3A_33 : i32
    %convert_element_type3A_35 = arith.extui %lt3A_34 : i1 to i32
    %cond3A_36 = arith.constant 0 : i32
    %cond3A_37 = arith.cmpi ne, %convert_element_type3A_35, %cond3A_36 : i32
    scf.if %cond3A_37 {
      %mul3A_144 = arith.constant 128 : i32
      %mul3A_145 = arith.muli %add3A_32, %mul3A_144 : i32
      %run_scoped3A_146 = arith.constant 0 : i32
      "tpu.region"() ({
        %run_scoped3A_147 = tpu.sem_alloc : memref<!tpu.dma_semaphore, #tpu.memory_space<semaphore_mem>>
        %dma_start3A_148 = arith.constant 0 : i32
        %dma_start3A_149 = arith.constant 0 : i32
        %dma_start3A_150 = tpu.memref_slice %arg8[%run_scoped3A_146, %dma_start3A_148, %dma_start3A_149] : memref<2x128x128xf32, #tpu.memory_space<vmem>> -> memref<1x128x128xf32, #tpu.memory_space<vmem>>
        %dma_start3A_151 = tpu.memref_squeeze %dma_start3A_150 : memref<1x128x128xf32, #tpu.memory_space<vmem>> -> memref<128x128xf32, #tpu.memory_space<vmem>>
        %dma_start3A_152 = arith.constant 0 : i32
        %dma_start3A_153 = tpu.memref_slice %arg6[%mul3A_145, %dma_start3A_152] : memref<10112x128xf32, #tpu.memory_space<vmem_shared>> -> memref<128x128xf32, #tpu.memory_space<vmem_shared>>
        %dma_start3A_154 = arith.constant 0 : i32
        %dma_start3A_155 = tpu.memref_slice %arg6[%mul3A_145, %dma_start3A_154] : memref<10112x128xf32, #tpu.memory_space<vmem_shared>> -> memref<128x128xf32, #tpu.memory_space<vmem_shared>>
        %dma_start3A_156 = arith.constant 0 : i32
        %dma_start3A_157 = arith.constant 0 : i32
        %dma_start3A_158 = tpu.memref_slice %arg8[%run_scoped3A_146, %dma_start3A_156, %dma_start3A_157] : memref<2x128x128xf32, #tpu.memory_space<vmem>> -> memref<1x128x128xf32, #tpu.memory_space<vmem>>
        %dma_start3A_159 = tpu.memref_squeeze %dma_start3A_158 : memref<1x128x128xf32, #tpu.memory_space<vmem>> -> memref<128x128xf32, #tpu.memory_space<vmem>>
        tpu.enqueue_dma source(%dma_start3A_159 : memref<128x128xf32, #tpu.memory_space<vmem>>) target(%dma_start3A_155 : memref<128x128xf32, #tpu.memory_space<vmem_shared>>) target_semaphore(%run_scoped3A_147 : memref<!tpu.dma_semaphore, #tpu.memory_space<semaphore_mem>>)
        %dma_wait3A_160 = arith.constant 0 : i32
        %dma_wait3A_161 = arith.constant 0 : i32
        %dma_wait3A_162 = tpu.memref_slice %arg8[%run_scoped3A_146, %dma_wait3A_160, %dma_wait3A_161] : memref<2x128x128xf32, #tpu.memory_space<vmem>> -> memref<1x128x128xf32, #tpu.memory_space<vmem>>
        %dma_wait3A_163 = tpu.memref_squeeze %dma_wait3A_162 : memref<1x128x128xf32, #tpu.memory_space<vmem>> -> memref<128x128xf32, #tpu.memory_space<vmem>>
        %dma_wait3A_164 = arith.constant 0 : i32
        %dma_wait3A_165 = tpu.memref_slice %arg6[%mul3A_145, %dma_wait3A_164] : memref<10112x128xf32, #tpu.memory_space<vmem_shared>> -> memref<128x128xf32, #tpu.memory_space<vmem_shared>>
        %dma_wait3A_166 = arith.constant 0 : i32
        %dma_wait3A_167 = tpu.memref_slice %arg6[%mul3A_145, %dma_wait3A_166] : memref<10112x128xf32, #tpu.memory_space<vmem_shared>> -> memref<128x128xf32, #tpu.memory_space<vmem_shared>>
        %dma_wait3A_168 = arith.constant 0 : i32
        %dma_wait3A_169 = arith.constant 0 : i32
        %dma_wait3A_170 = tpu.memref_slice %arg8[%run_scoped3A_146, %dma_wait3A_168, %dma_wait3A_169] : memref<2x128x128xf32, #tpu.memory_space<vmem>> -> memref<1x128x128xf32, #tpu.memory_space<vmem>>
        %dma_wait3A_171 = tpu.memref_squeeze %dma_wait3A_170 : memref<1x128x128xf32, #tpu.memory_space<vmem>> -> memref<128x128xf32, #tpu.memory_space<vmem>>
        tpu.wait_dma2 semaphore(%run_scoped3A_147 : memref<!tpu.dma_semaphore, #tpu.memory_space<semaphore_mem>>) src(%dma_wait3A_171 : memref<128x128xf32, #tpu.memory_space<vmem>>) dst(%dma_wait3A_167 : memref<128x128xf32, #tpu.memory_space<vmem_shared>>)
        tpu.yield
      }) : () -> ()
    } else {
    }
    %mul3A_38 = arith.constant 5 : i32
    %mul3A_39 = arith.muli %arg1, %mul3A_38 : i32
    %add3A_40 = arith.constant 4 : i32
    %add3A_41 = arith.addi %mul3A_39, %add3A_40 : i32
    %lt3A_42 = arith.constant 79 : i32
    %lt3A_43 = arith.cmpi slt, %add3A_41, %lt3A_42 : i32
    %convert_element_type3A_44 = arith.extui %lt3A_43 : i1 to i32
    %cond3A_45 = arith.constant 0 : i32
    %cond3A_46 = arith.cmpi ne, %convert_element_type3A_44, %cond3A_45 : i32
    scf.if %cond3A_46 {
      %mul3A_144 = arith.constant 128 : i32
      %mul3A_145 = arith.muli %add3A_41, %mul3A_144 : i32
      %run_scoped3A_146 = arith.constant 0 : i32
      "tpu.region"() ({
        %run_scoped3A_147 = tpu.sem_alloc : memref<!tpu.dma_semaphore, #tpu.memory_space<semaphore_mem>>
        %dma_start3A_148 = arith.constant 0 : i32
        %dma_start3A_149 = arith.constant 0 : i32
        %dma_start3A_150 = tpu.memref_slice %arg8[%run_scoped3A_146, %dma_start3A_148, %dma_start3A_149] : memref<2x128x128xf32, #tpu.memory_space<vmem>> -> memref<1x128x128xf32, #tpu.memory_space<vmem>>
        %dma_start3A_151 = tpu.memref_squeeze %dma_start3A_150 : memref<1x128x128xf32, #tpu.memory_space<vmem>> -> memref<128x128xf32, #tpu.memory_space<vmem>>
        %dma_start3A_152 = arith.constant 0 : i32
        %dma_start3A_153 = tpu.memref_slice %arg6[%mul3A_145, %dma_start3A_152] : memref<10112x128xf32, #tpu.memory_space<vmem_shared>> -> memref<128x128xf32, #tpu.memory_space<vmem_shared>>
        %dma_start3A_154 = arith.constant 0 : i32
        %dma_start3A_155 = tpu.memref_slice %arg6[%mul3A_145, %dma_start3A_154] : memref<10112x128xf32, #tpu.memory_space<vmem_shared>> -> memref<128x128xf32, #tpu.memory_space<vmem_shared>>
        %dma_start3A_156 = arith.constant 0 : i32
        %dma_start3A_157 = arith.constant 0 : i32
        %dma_start3A_158 = tpu.memref_slice %arg8[%run_scoped3A_146, %dma_start3A_156, %dma_start3A_157] : memref<2x128x128xf32, #tpu.memory_space<vmem>> -> memref<1x128x128xf32, #tpu.memory_space<vmem>>
        %dma_start3A_159 = tpu.memref_squeeze %dma_start3A_158 : memref<1x128x128xf32, #tpu.memory_space<vmem>> -> memref<128x128xf32, #tpu.memory_space<vmem>>
        tpu.enqueue_dma source(%dma_start3A_159 : memref<128x128xf32, #tpu.memory_space<vmem>>) target(%dma_start3A_155 : memref<128x128xf32, #tpu.memory_space<vmem_shared>>) target_semaphore(%run_scoped3A_147 : memref<!tpu.dma_semaphore, #tpu.memory_space<semaphore_mem>>)
        %dma_wait3A_160 = arith.constant 0 : i32
        %dma_wait3A_161 = arith.constant 0 : i32
        %dma_wait3A_162 = tpu.memref_slice %arg8[%run_scoped3A_146, %dma_wait3A_160, %dma_wait3A_161] : memref<2x128x128xf32, #tpu.memory_space<vmem>> -> memref<1x128x128xf32, #tpu.memory_space<vmem>>
        %dma_wait3A_163 = tpu.memref_squeeze %dma_wait3A_162 : memref<1x128x128xf32, #tpu.memory_space<vmem>> -> memref<128x128xf32, #tpu.memory_space<vmem>>
        %dma_wait3A_164 = arith.constant 0 : i32
        %dma_wait3A_165 = tpu.memref_slice %arg6[%mul3A_145, %dma_wait3A_164] : memref<10112x128xf32, #tpu.memory_space<vmem_shared>> -> memref<128x128xf32, #tpu.memory_space<vmem_shared>>
        %dma_wait3A_166 = arith.constant 0 : i32
        %dma_wait3A_167 = tpu.memref_slice %arg6[%mul3A_145, %dma_wait3A_166] : memref<10112x128xf32, #tpu.memory_space<vmem_shared>> -> memref<128x128xf32, #tpu.memory_space<vmem_shared>>
        %dma_wait3A_168 = arith.constant 0 : i32
        %dma_wait3A_169 = arith.constant 0 : i32
        %dma_wait3A_170 = tpu.memref_slice %arg8[%run_scoped3A_146, %dma_wait3A_168, %dma_wait3A_169] : memref<2x128x128xf32, #tpu.memory_space<vmem>> -> memref<1x128x128xf32, #tpu.memory_space<vmem>>
        %dma_wait3A_171 = tpu.memref_squeeze %dma_wait3A_170 : memref<1x128x128xf32, #tpu.memory_space<vmem>> -> memref<128x128xf32, #tpu.memory_space<vmem>>
        tpu.wait_dma2 semaphore(%run_scoped3A_147 : memref<!tpu.dma_semaphore, #tpu.memory_space<semaphore_mem>>) src(%dma_wait3A_171 : memref<128x128xf32, #tpu.memory_space<vmem>>) dst(%dma_wait3A_167 : memref<128x128xf32, #tpu.memory_space<vmem_shared>>)
        tpu.yield
      }) : () -> ()
    } else {
    }
    "tpu.region"() ({
      %run_scoped3A_144 = tpu.sem_alloc : memref<!tpu.dma_semaphore, #tpu.memory_space<semaphore_mem>>
      %dma_start3A_145 = arith.constant 0 : i32
      %dma_start3A_146 = arith.constant 0 : i32
      %dma_start3A_147 = tpu.memref_slice %arg3[%add3A, %dma_start3A_145, %dma_start3A_146] : memref<32x79x128xi32, #tpu.memory_space<hbm>> -> memref<1x79x128xi32, #tpu.memory_space<hbm>>
      %dma_start3A_148 = tpu.memref_squeeze %dma_start3A_147 : memref<1x79x128xi32, #tpu.memory_space<hbm>> -> memref<79x128xi32, #tpu.memory_space<hbm>>
      %dma_start3A_149 = arith.constant 0 : i32
      %dma_start3A_150 = arith.constant 0 : i32
      %dma_start3A_151 = tpu.memref_slice %arg3[%add3A, %dma_start3A_149, %dma_start3A_150] : memref<32x79x128xi32, #tpu.memory_space<hbm>> -> memref<1x79x128xi32, #tpu.memory_space<hbm>>
      %dma_start3A_152 = tpu.memref_squeeze %dma_start3A_151 : memref<1x79x128xi32, #tpu.memory_space<hbm>> -> memref<79x128xi32, #tpu.memory_space<hbm>>
      tpu.enqueue_dma source(%dma_start3A_152 : memref<79x128xi32, #tpu.memory_space<hbm>>) target(%arg7 : memref<79x128xi32, #tpu.memory_space<vmem>>) target_semaphore(%run_scoped3A_144 : memref<!tpu.dma_semaphore, #tpu.memory_space<semaphore_mem>>)
      %dma_wait3A_153 = arith.constant 0 : i32
      %dma_wait3A_154 = arith.constant 0 : i32
      %dma_wait3A_155 = tpu.memref_slice %arg3[%add3A, %dma_wait3A_153, %dma_wait3A_154] : memref<32x79x128xi32, #tpu.memory_space<hbm>> -> memref<1x79x128xi32, #tpu.memory_space<hbm>>
      %dma_wait3A_156 = tpu.memref_squeeze %dma_wait3A_155 : memref<1x79x128xi32, #tpu.memory_space<hbm>> -> memref<79x128xi32, #tpu.memory_space<hbm>>
      %dma_wait3A_157 = arith.constant 0 : i32
      %dma_wait3A_158 = arith.constant 0 : i32
      %dma_wait3A_159 = tpu.memref_slice %arg3[%add3A, %dma_wait3A_157, %dma_wait3A_158] : memref<32x79x128xi32, #tpu.memory_space<hbm>> -> memref<1x79x128xi32, #tpu.memory_space<hbm>>
      %dma_wait3A_160 = tpu.memref_squeeze %dma_wait3A_159 : memref<1x79x128xi32, #tpu.memory_space<hbm>> -> memref<79x128xi32, #tpu.memory_space<hbm>>
      tpu.wait_dma2 semaphore(%run_scoped3A_144 : memref<!tpu.dma_semaphore, #tpu.memory_space<semaphore_mem>>) src(%dma_wait3A_160 : memref<79x128xi32, #tpu.memory_space<hbm>>) dst(%arg7 : memref<79x128xi32, #tpu.memory_space<vmem>>)
      tpu.yield
    }) : () -> ()
    %barrier3A = arith.constant 0 : index
    tpu.barrier barrier_id(%barrier3A)
    %add3A_47 = arith.constant 0 : i32
    %add3A_48 = arith.addi %mul3A_4, %add3A_47 : i32
    %dma_start3A = arith.constant 0 : i32
    %dma_start3A_49 = arith.constant 0 : i32
    %dma_start3A_50 = arith.constant 0 : i32
    %dma_start3A_51 = tpu.memref_slice %arg8[%dma_start3A, %dma_start3A_49, %dma_start3A_50] : memref<2x128x128xf32, #tpu.memory_space<vmem>> -> memref<1x128x128xf32, #tpu.memory_space<vmem>>
    %dma_start3A_52 = tpu.memref_squeeze %dma_start3A_51 : memref<1x128x128xf32, #tpu.memory_space<vmem>> -> memref<128x128xf32, #tpu.memory_space<vmem>>
    %dma_start3A_53 = arith.constant 0 : i32
    %dma_start3A_54 = tpu.memref_slice %arg2[%add3A_48, %dma_start3A_53] : memref<323584x128xf32, #tpu.memory_space<hbm>> -> memref<128x128xf32, #tpu.memory_space<hbm>>
    %dma_start3A_55 = arith.constant 0 : i32
    %dma_start3A_56 = arith.constant 0 : i32
    %dma_start3A_57 = tpu.memref_slice %arg8[%dma_start3A, %dma_start3A_55, %dma_start3A_56] : memref<2x128x128xf32, #tpu.memory_space<vmem>> -> memref<1x128x128xf32, #tpu.memory_space<vmem>>
    %dma_start3A_58 = tpu.memref_squeeze %dma_start3A_57 : memref<1x128x128xf32, #tpu.memory_space<vmem>> -> memref<128x128xf32, #tpu.memory_space<vmem>>
    %dma_start3A_59 = arith.constant 0 : i32
    %dma_start3A_60 = tpu.memref_slice %arg2[%add3A_48, %dma_start3A_59] : memref<323584x128xf32, #tpu.memory_space<hbm>> -> memref<128x128xf32, #tpu.memory_space<hbm>>
    tpu.enqueue_dma source(%dma_start3A_60 : memref<128x128xf32, #tpu.memory_space<hbm>>) target(%dma_start3A_58 : memref<128x128xf32, #tpu.memory_space<vmem>>) target_semaphore(%arg9 : memref<!tpu.dma_semaphore, #tpu.memory_space<semaphore_mem>>)
    %add3A_61 = arith.constant 128 : i32
    %add3A_62 = arith.addi %mul3A_4, %add3A_61 : i32
    %dma_start3A_63 = arith.constant 1 : i32
    %dma_start3A_64 = arith.constant 0 : i32
    %dma_start3A_65 = arith.constant 0 : i32
    %dma_start3A_66 = tpu.memref_slice %arg8[%dma_start3A_63, %dma_start3A_64, %dma_start3A_65] : memref<2x128x128xf32, #tpu.memory_space<vmem>> -> memref<1x128x128xf32, #tpu.memory_space<vmem>>
    %dma_start3A_67 = tpu.memref_squeeze %dma_start3A_66 : memref<1x128x128xf32, #tpu.memory_space<vmem>> -> memref<128x128xf32, #tpu.memory_space<vmem>>
    %dma_start3A_68 = arith.constant 0 : i32
    %dma_start3A_69 = tpu.memref_slice %arg2[%add3A_62, %dma_start3A_68] : memref<323584x128xf32, #tpu.memory_space<hbm>> -> memref<128x128xf32, #tpu.memory_space<hbm>>
    %dma_start3A_70 = arith.constant 0 : i32
    %dma_start3A_71 = arith.constant 0 : i32
    %dma_start3A_72 = tpu.memref_slice %arg8[%dma_start3A_63, %dma_start3A_70, %dma_start3A_71] : memref<2x128x128xf32, #tpu.memory_space<vmem>> -> memref<1x128x128xf32, #tpu.memory_space<vmem>>
    %dma_start3A_73 = tpu.memref_squeeze %dma_start3A_72 : memref<1x128x128xf32, #tpu.memory_space<vmem>> -> memref<128x128xf32, #tpu.memory_space<vmem>>
    %dma_start3A_74 = arith.constant 0 : i32
    %dma_start3A_75 = tpu.memref_slice %arg2[%add3A_62, %dma_start3A_74] : memref<323584x128xf32, #tpu.memory_space<hbm>> -> memref<128x128xf32, #tpu.memory_space<hbm>>
    tpu.enqueue_dma source(%dma_start3A_75 : memref<128x128xf32, #tpu.memory_space<hbm>>) target(%dma_start3A_73 : memref<128x128xf32, #tpu.memory_space<vmem>>) target_semaphore(%arg10 : memref<!tpu.dma_semaphore, #tpu.memory_space<semaphore_mem>>)
    %scan3A = arith.constant 0 : i32
    %scan3A_76 = arith.constant 0 : i32
    %scan3A_77 = arith.constant 39 : i32
    %scan3A_78 = arith.addi %scan3A_76, %scan3A_77 : i32
    %scan3A_79 = arith.constant 1 : i32
    %scan3A_80 = scf.for %scan3A_144 = %scan3A_76 to %scan3A_78 step %scan3A_79 iter_args(%scan3A_145 = %scan3A) -> (i32)  : i32 {
      %mul3A_146 = arith.constant 2 : i32
      %mul3A_147 = arith.muli %scan3A_144, %mul3A_146 : i32
      %add3A_148 = arith.constant 0 : i32
      %add3A_149 = arith.addi %mul3A_147, %add3A_148 : i32
      %mul3A_150 = arith.constant 128 : i32
      %mul3A_151 = arith.muli %add3A_149, %mul3A_150 : i32
      %add3A_152 = arith.addi %mul3A_4, %mul3A_151 : i32
      %dma_wait3A_153 = arith.constant 0 : i32
      %dma_wait3A_154 = arith.constant 0 : i32
      %dma_wait3A_155 = arith.constant 0 : i32
      %dma_wait3A_156 = tpu.memref_slice %arg8[%dma_wait3A_153, %dma_wait3A_154, %dma_wait3A_155] : memref<2x128x128xf32, #tpu.memory_space<vmem>> -> memref<1x128x128xf32, #tpu.memory_space<vmem>>
      %dma_wait3A_157 = tpu.memref_squeeze %dma_wait3A_156 : memref<1x128x128xf32, #tpu.memory_space<vmem>> -> memref<128x128xf32, #tpu.memory_space<vmem>>
      %dma_wait3A_158 = arith.constant 0 : i32
      %dma_wait3A_159 = tpu.memref_slice %arg2[%add3A_152, %dma_wait3A_158] : memref<323584x128xf32, #tpu.memory_space<hbm>> -> memref<128x128xf32, #tpu.memory_space<hbm>>
      %dma_wait3A_160 = arith.constant 0 : i32
      %dma_wait3A_161 = arith.constant 0 : i32
      %dma_wait3A_162 = tpu.memref_slice %arg8[%dma_wait3A_153, %dma_wait3A_160, %dma_wait3A_161] : memref<2x128x128xf32, #tpu.memory_space<vmem>> -> memref<1x128x128xf32, #tpu.memory_space<vmem>>
      %dma_wait3A_163 = tpu.memref_squeeze %dma_wait3A_162 : memref<1x128x128xf32, #tpu.memory_space<vmem>> -> memref<128x128xf32, #tpu.memory_space<vmem>>
      %dma_wait3A_164 = arith.constant 0 : i32
      %dma_wait3A_165 = tpu.memref_slice %arg2[%add3A_152, %dma_wait3A_164] : memref<323584x128xf32, #tpu.memory_space<hbm>> -> memref<128x128xf32, #tpu.memory_space<hbm>>
      tpu.wait_dma2 semaphore(%arg9 : memref<!tpu.dma_semaphore, #tpu.memory_space<semaphore_mem>>) src(%dma_wait3A_165 : memref<128x128xf32, #tpu.memory_space<hbm>>) dst(%dma_wait3A_163 : memref<128x128xf32, #tpu.memory_space<vmem>>)
      %run_scoped3A_166 = arith.constant 0 : i32
      "tpu.region"() ({
        %run_scoped3A_201 = tpu.sem_alloc : memref<!tpu.dma_semaphore, #tpu.memory_space<semaphore_mem>>
        %dma_start3A_202 = arith.constant 0 : i32
        %dma_start3A_203 = arith.constant 0 : i32
        %dma_start3A_204 = tpu.memref_slice %arg8[%run_scoped3A_166, %dma_start3A_202, %dma_start3A_203] : memref<2x128x128xf32, #tpu.memory_space<vmem>> -> memref<1x128x128xf32, #tpu.memory_space<vmem>>
        %dma_start3A_205 = tpu.memref_squeeze %dma_start3A_204 : memref<1x128x128xf32, #tpu.memory_space<vmem>> -> memref<128x128xf32, #tpu.memory_space<vmem>>
        %dma_start3A_206 = arith.constant 0 : i32
        %dma_start3A_207 = tpu.memref_slice %arg7[%add3A_149, %dma_start3A_206] : memref<79x128xi32, #tpu.memory_space<vmem>> -> memref<1x128xi32, #tpu.memory_space<vmem>>
        %dma_start3A_208 = tpu.memref_squeeze %dma_start3A_207 : memref<1x128xi32, #tpu.memory_space<vmem>> -> memref<128xi32, #tpu.memory_space<vmem>>
        %dma_start3A_209 = arith.constant 0 : i32
        %dma_start3A_210 = arith.constant 0 : i32
        %dma_start3A_211 = tpu.memref_slice %arg6[%dma_start3A_209, %dma_start3A_210] : memref<10112x128xf32, #tpu.memory_space<vmem_shared>> -> memref<10112x128xf32, #tpu.memory_space<vmem_shared>>
        tpu.enqueue_indirect_dma source(%dma_start3A_205 : memref<128x128xf32, #tpu.memory_space<vmem>>) target(%dma_start3A_211 : memref<10112x128xf32, #tpu.memory_space<vmem_shared>>) offsets(%dma_start3A_208 : memref<128xi32, #tpu.memory_space<vmem>>) semaphore(%run_scoped3A_201 : memref<!tpu.dma_semaphore, #tpu.memory_space<semaphore_mem>>) {add = true}
        %dma_wait3A_212 = arith.constant 0 : i32
        %dma_wait3A_213 = arith.constant 0 : i32
        %dma_wait3A_214 = tpu.memref_slice %arg8[%run_scoped3A_166, %dma_wait3A_212, %dma_wait3A_213] : memref<2x128x128xf32, #tpu.memory_space<vmem>> -> memref<1x128x128xf32, #tpu.memory_space<vmem>>
        %dma_wait3A_215 = tpu.memref_squeeze %dma_wait3A_214 : memref<1x128x128xf32, #tpu.memory_space<vmem>> -> memref<128x128xf32, #tpu.memory_space<vmem>>
        %dma_wait3A_216 = arith.constant 0 : i32
        %dma_wait3A_217 = tpu.memref_slice %arg7[%add3A_149, %dma_wait3A_216] : memref<79x128xi32, #tpu.memory_space<vmem>> -> memref<1x128xi32, #tpu.memory_space<vmem>>
        %dma_wait3A_218 = tpu.memref_squeeze %dma_wait3A_217 : memref<1x128xi32, #tpu.memory_space<vmem>> -> memref<128xi32, #tpu.memory_space<vmem>>
        %dma_wait3A_219 = arith.constant 0 : i32
        %dma_wait3A_220 = arith.constant 0 : i32
        %dma_wait3A_221 = tpu.memref_slice %arg6[%dma_wait3A_219, %dma_wait3A_220] : memref<10112x128xf32, #tpu.memory_space<vmem_shared>> -> memref<10112x128xf32, #tpu.memory_space<vmem_shared>>
        tpu.wait_indirect_dma semaphore(%run_scoped3A_201 : memref<!tpu.dma_semaphore, #tpu.memory_space<semaphore_mem>>) src(%dma_wait3A_215 : memref<128x128xf32, #tpu.memory_space<vmem>>) dst(%dma_wait3A_221 : memref<10112x128xf32, #tpu.memory_space<vmem_shared>>)
        tpu.yield
      }) : () -> ()
      %add3A_167 = arith.constant 2 : i32
      %add3A_168 = arith.addi %add3A_149, %add3A_167 : i32
      %lt3A_169 = arith.constant 79 : i32
      %lt3A_170 = arith.cmpi slt, %add3A_168, %lt3A_169 : i32
      %convert_element_type3A_171 = arith.extui %lt3A_170 : i1 to i32
      %cond3A_172 = arith.constant 0 : i32
      %cond3A_173 = arith.cmpi ne, %convert_element_type3A_171, %cond3A_172 : i32
      scf.if %cond3A_173 {
        %add3A_201 = arith.constant 2 : i32
        %add3A_202 = arith.addi %add3A_149, %add3A_201 : i32
        %mul3A_203 = arith.constant 128 : i32
        %mul3A_204 = arith.muli %add3A_202, %mul3A_203 : i32
        %add3A_205 = arith.addi %mul3A_4, %mul3A_204 : i32
        %dma_start3A_206 = arith.constant 0 : i32
        %dma_start3A_207 = arith.constant 0 : i32
        %dma_start3A_208 = arith.constant 0 : i32
        %dma_start3A_209 = tpu.memref_slice %arg8[%dma_start3A_206, %dma_start3A_207, %dma_start3A_208] : memref<2x128x128xf32, #tpu.memory_space<vmem>> -> memref<1x128x128xf32, #tpu.memory_space<vmem>>
        %dma_start3A_210 = tpu.memref_squeeze %dma_start3A_209 : memref<1x128x128xf32, #tpu.memory_space<vmem>> -> memref<128x128xf32, #tpu.memory_space<vmem>>
        %dma_start3A_211 = arith.constant 0 : i32
        %dma_start3A_212 = tpu.memref_slice %arg2[%add3A_205, %dma_start3A_211] : memref<323584x128xf32, #tpu.memory_space<hbm>> -> memref<128x128xf32, #tpu.memory_space<hbm>>
        %dma_start3A_213 = arith.constant 0 : i32
        %dma_start3A_214 = arith.constant 0 : i32
        %dma_start3A_215 = tpu.memref_slice %arg8[%dma_start3A_206, %dma_start3A_213, %dma_start3A_214] : memref<2x128x128xf32, #tpu.memory_space<vmem>> -> memref<1x128x128xf32, #tpu.memory_space<vmem>>
        %dma_start3A_216 = tpu.memref_squeeze %dma_start3A_215 : memref<1x128x128xf32, #tpu.memory_space<vmem>> -> memref<128x128xf32, #tpu.memory_space<vmem>>
        %dma_start3A_217 = arith.constant 0 : i32
        %dma_start3A_218 = tpu.memref_slice %arg2[%add3A_205, %dma_start3A_217] : memref<323584x128xf32, #tpu.memory_space<hbm>> -> memref<128x128xf32, #tpu.memory_space<hbm>>
        tpu.enqueue_dma source(%dma_start3A_218 : memref<128x128xf32, #tpu.memory_space<hbm>>) target(%dma_start3A_216 : memref<128x128xf32, #tpu.memory_space<vmem>>) target_semaphore(%arg9 : memref<!tpu.dma_semaphore, #tpu.memory_space<semaphore_mem>>)
      } else {
      }
      %add3A_174 = arith.constant 1 : i32
      %add3A_175 = arith.addi %mul3A_147, %add3A_174 : i32
      %mul3A_176 = arith.constant 128 : i32
      %mul3A_177 = arith.muli %add3A_175, %mul3A_176 : i32
      %add3A_178 = arith.addi %mul3A_4, %mul3A_177 : i32
      %dma_wait3A_179 = arith.constant 1 : i32
      %dma_wait3A_180 = arith.constant 0 : i32
      %dma_wait3A_181 = arith.constant 0 : i32
      %dma_wait3A_182 = tpu.memref_slice %arg8[%dma_wait3A_179, %dma_wait3A_180, %dma_wait3A_181] : memref<2x128x128xf32, #tpu.memory_space<vmem>> -> memref<1x128x128xf32, #tpu.memory_space<vmem>>
      %dma_wait3A_183 = tpu.memref_squeeze %dma_wait3A_182 : memref<1x128x128xf32, #tpu.memory_space<vmem>> -> memref<128x128xf32, #tpu.memory_space<vmem>>
      %dma_wait3A_184 = arith.constant 0 : i32
      %dma_wait3A_185 = tpu.memref_slice %arg2[%add3A_178, %dma_wait3A_184] : memref<323584x128xf32, #tpu.memory_space<hbm>> -> memref<128x128xf32, #tpu.memory_space<hbm>>
      %dma_wait3A_186 = arith.constant 0 : i32
      %dma_wait3A_187 = arith.constant 0 : i32
      %dma_wait3A_188 = tpu.memref_slice %arg8[%dma_wait3A_179, %dma_wait3A_186, %dma_wait3A_187] : memref<2x128x128xf32, #tpu.memory_space<vmem>> -> memref<1x128x128xf32, #tpu.memory_space<vmem>>
      %dma_wait3A_189 = tpu.memref_squeeze %dma_wait3A_188 : memref<1x128x128xf32, #tpu.memory_space<vmem>> -> memref<128x128xf32, #tpu.memory_space<vmem>>
      %dma_wait3A_190 = arith.constant 0 : i32
      %dma_wait3A_191 = tpu.memref_slice %arg2[%add3A_178, %dma_wait3A_190] : memref<323584x128xf32, #tpu.memory_space<hbm>> -> memref<128x128xf32, #tpu.memory_space<hbm>>
      tpu.wait_dma2 semaphore(%arg10 : memref<!tpu.dma_semaphore, #tpu.memory_space<semaphore_mem>>) src(%dma_wait3A_191 : memref<128x128xf32, #tpu.memory_space<hbm>>) dst(%dma_wait3A_189 : memref<128x128xf32, #tpu.memory_space<vmem>>)
      %run_scoped3A_192 = arith.constant 1 : i32
      "tpu.region"() ({
        %run_scoped3A_201 = tpu.sem_alloc : memref<!tpu.dma_semaphore, #tpu.memory_space<semaphore_mem>>
        %dma_start3A_202 = arith.constant 0 : i32
        %dma_start3A_203 = arith.constant 0 : i32
        %dma_start3A_204 = tpu.memref_slice %arg8[%run_scoped3A_192, %dma_start3A_202, %dma_start3A_203] : memref<2x128x128xf32, #tpu.memory_space<vmem>> -> memref<1x128x128xf32, #tpu.memory_space<vmem>>
        %dma_start3A_205 = tpu.memref_squeeze %dma_start3A_204 : memref<1x128x128xf32, #tpu.memory_space<vmem>> -> memref<128x128xf32, #tpu.memory_space<vmem>>
        %dma_start3A_206 = arith.constant 0 : i32
        %dma_start3A_207 = tpu.memref_slice %arg7[%add3A_175, %dma_start3A_206] : memref<79x128xi32, #tpu.memory_space<vmem>> -> memref<1x128xi32, #tpu.memory_space<vmem>>
        %dma_start3A_208 = tpu.memref_squeeze %dma_start3A_207 : memref<1x128xi32, #tpu.memory_space<vmem>> -> memref<128xi32, #tpu.memory_space<vmem>>
        %dma_start3A_209 = arith.constant 0 : i32
        %dma_start3A_210 = arith.constant 0 : i32
        %dma_start3A_211 = tpu.memref_slice %arg6[%dma_start3A_209, %dma_start3A_210] : memref<10112x128xf32, #tpu.memory_space<vmem_shared>> -> memref<10112x128xf32, #tpu.memory_space<vmem_shared>>
        tpu.enqueue_indirect_dma source(%dma_start3A_205 : memref<128x128xf32, #tpu.memory_space<vmem>>) target(%dma_start3A_211 : memref<10112x128xf32, #tpu.memory_space<vmem_shared>>) offsets(%dma_start3A_208 : memref<128xi32, #tpu.memory_space<vmem>>) semaphore(%run_scoped3A_201 : memref<!tpu.dma_semaphore, #tpu.memory_space<semaphore_mem>>) {add = true}
        %dma_wait3A_212 = arith.constant 0 : i32
        %dma_wait3A_213 = arith.constant 0 : i32
        %dma_wait3A_214 = tpu.memref_slice %arg8[%run_scoped3A_192, %dma_wait3A_212, %dma_wait3A_213] : memref<2x128x128xf32, #tpu.memory_space<vmem>> -> memref<1x128x128xf32, #tpu.memory_space<vmem>>
        %dma_wait3A_215 = tpu.memref_squeeze %dma_wait3A_214 : memref<1x128x128xf32, #tpu.memory_space<vmem>> -> memref<128x128xf32, #tpu.memory_space<vmem>>
        %dma_wait3A_216 = arith.constant 0 : i32
        %dma_wait3A_217 = tpu.memref_slice %arg7[%add3A_175, %dma_wait3A_216] : memref<79x128xi32, #tpu.memory_space<vmem>> -> memref<1x128xi32, #tpu.memory_space<vmem>>
        %dma_wait3A_218 = tpu.memref_squeeze %dma_wait3A_217 : memref<1x128xi32, #tpu.memory_space<vmem>> -> memref<128xi32, #tpu.memory_space<vmem>>
        %dma_wait3A_219 = arith.constant 0 : i32
        %dma_wait3A_220 = arith.constant 0 : i32
        %dma_wait3A_221 = tpu.memref_slice %arg6[%dma_wait3A_219, %dma_wait3A_220] : memref<10112x128xf32, #tpu.memory_space<vmem_shared>> -> memref<10112x128xf32, #tpu.memory_space<vmem_shared>>
        tpu.wait_indirect_dma semaphore(%run_scoped3A_201 : memref<!tpu.dma_semaphore, #tpu.memory_space<semaphore_mem>>) src(%dma_wait3A_215 : memref<128x128xf32, #tpu.memory_space<vmem>>) dst(%dma_wait3A_221 : memref<10112x128xf32, #tpu.memory_space<vmem_shared>>)
        tpu.yield
      }) : () -> ()
      %add3A_193 = arith.constant 2 : i32
      %add3A_194 = arith.addi %add3A_175, %add3A_193 : i32
      %lt3A_195 = arith.constant 79 : i32
      %lt3A_196 = arith.cmpi slt, %add3A_194, %lt3A_195 : i32
      %convert_element_type3A_197 = arith.extui %lt3A_196 : i1 to i32
      %cond3A_198 = arith.constant 0 : i32
      %cond3A_199 = arith.cmpi ne, %convert_element_type3A_197, %cond3A_198 : i32
      scf.if %cond3A_199 {
        %add3A_201 = arith.constant 2 : i32
        %add3A_202 = arith.addi %add3A_175, %add3A_201 : i32
        %mul3A_203 = arith.constant 128 : i32
        %mul3A_204 = arith.muli %add3A_202, %mul3A_203 : i32
        %add3A_205 = arith.addi %mul3A_4, %mul3A_204 : i32
        %dma_start3A_206 = arith.constant 1 : i32
        %dma_start3A_207 = arith.constant 0 : i32
        %dma_start3A_208 = arith.constant 0 : i32
        %dma_start3A_209 = tpu.memref_slice %arg8[%dma_start3A_206, %dma_start3A_207, %dma_start3A_208] : memref<2x128x128xf32, #tpu.memory_space<vmem>> -> memref<1x128x128xf32, #tpu.memory_space<vmem>>
        %dma_start3A_210 = tpu.memref_squeeze %dma_start3A_209 : memref<1x128x128xf32, #tpu.memory_space<vmem>> -> memref<128x128xf32, #tpu.memory_space<vmem>>
        %dma_start3A_211 = arith.constant 0 : i32
        %dma_start3A_212 = tpu.memref_slice %arg2[%add3A_205, %dma_start3A_211] : memref<323584x128xf32, #tpu.memory_space<hbm>> -> memref<128x128xf32, #tpu.memory_space<hbm>>
        %dma_start3A_213 = arith.constant 0 : i32
        %dma_start3A_214 = arith.constant 0 : i32
        %dma_start3A_215 = tpu.memref_slice %arg8[%dma_start3A_206, %dma_start3A_213, %dma_start3A_214] : memref<2x128x128xf32, #tpu.memory_space<vmem>> -> memref<1x128x128xf32, #tpu.memory_space<vmem>>
        %dma_start3A_216 = tpu.memref_squeeze %dma_start3A_215 : memref<1x128x128xf32, #tpu.memory_space<vmem>> -> memref<128x128xf32, #tpu.memory_space<vmem>>
        %dma_start3A_217 = arith.constant 0 : i32
        %dma_start3A_218 = tpu.memref_slice %arg2[%add3A_205, %dma_start3A_217] : memref<323584x128xf32, #tpu.memory_space<hbm>> -> memref<128x128xf32, #tpu.memory_space<hbm>>
        tpu.enqueue_dma source(%dma_start3A_218 : memref<128x128xf32, #tpu.memory_space<hbm>>) target(%dma_start3A_216 : memref<128x128xf32, #tpu.memory_space<vmem>>) target_semaphore(%arg10 : memref<!tpu.dma_semaphore, #tpu.memory_space<semaphore_mem>>)
      } else {
      }
      %scan3A_200 = arith.constant 0 : i32
      scf.yield %scan3A_200 : i32
    }
    %scan3A_81 = arith.constant 39 : i32
    %add3A_82 = arith.constant 9984 : i32
    %add3A_83 = arith.addi %mul3A_4, %add3A_82 : i32
    %dma_wait3A = arith.constant 0 : i32
    %dma_wait3A_84 = arith.constant 0 : i32
    %dma_wait3A_85 = arith.constant 0 : i32
    %dma_wait3A_86 = tpu.memref_slice %arg8[%dma_wait3A, %dma_wait3A_84, %dma_wait3A_85] : memref<2x128x128xf32, #tpu.memory_space<vmem>> -> memref<1x128x128xf32, #tpu.memory_space<vmem>>
    %dma_wait3A_87 = tpu.memref_squeeze %dma_wait3A_86 : memref<1x128x128xf32, #tpu.memory_space<vmem>> -> memref<128x128xf32, #tpu.memory_space<vmem>>
    %dma_wait3A_88 = arith.constant 0 : i32
    %dma_wait3A_89 = tpu.memref_slice %arg2[%add3A_83, %dma_wait3A_88] : memref<323584x128xf32, #tpu.memory_space<hbm>> -> memref<128x128xf32, #tpu.memory_space<hbm>>
    %dma_wait3A_90 = arith.constant 0 : i32
    %dma_wait3A_91 = arith.constant 0 : i32
    %dma_wait3A_92 = tpu.memref_slice %arg8[%dma_wait3A, %dma_wait3A_90, %dma_wait3A_91] : memref<2x128x128xf32, #tpu.memory_space<vmem>> -> memref<1x128x128xf32, #tpu.memory_space<vmem>>
    %dma_wait3A_93 = tpu.memref_squeeze %dma_wait3A_92 : memref<1x128x128xf32, #tpu.memory_space<vmem>> -> memref<128x128xf32, #tpu.memory_space<vmem>>
    %dma_wait3A_94 = arith.constant 0 : i32
    %dma_wait3A_95 = tpu.memref_slice %arg2[%add3A_83, %dma_wait3A_94] : memref<323584x128xf32, #tpu.memory_space<hbm>> -> memref<128x128xf32, #tpu.memory_space<hbm>>
    tpu.wait_dma2 semaphore(%arg9 : memref<!tpu.dma_semaphore, #tpu.memory_space<semaphore_mem>>) src(%dma_wait3A_95 : memref<128x128xf32, #tpu.memory_space<hbm>>) dst(%dma_wait3A_93 : memref<128x128xf32, #tpu.memory_space<vmem>>)
    %run_scoped3A_96 = arith.constant 0 : i32
    %run_scoped3A_97 = arith.constant 78 : i32
    "tpu.region"() ({
      %run_scoped3A_144 = tpu.sem_alloc : memref<!tpu.dma_semaphore, #tpu.memory_space<semaphore_mem>>
      %dma_start3A_145 = arith.constant 0 : i32
      %dma_start3A_146 = arith.constant 0 : i32
      %dma_start3A_147 = tpu.memref_slice %arg8[%run_scoped3A_96, %dma_start3A_145, %dma_start3A_146] : memref<2x128x128xf32, #tpu.memory_space<vmem>> -> memref<1x128x128xf32, #tpu.memory_space<vmem>>
      %dma_start3A_148 = tpu.memref_squeeze %dma_start3A_147 : memref<1x128x128xf32, #tpu.memory_space<vmem>> -> memref<128x128xf32, #tpu.memory_space<vmem>>
      %dma_start3A_149 = arith.constant 0 : i32
      %dma_start3A_150 = tpu.memref_slice %arg7[%run_scoped3A_97, %dma_start3A_149] : memref<79x128xi32, #tpu.memory_space<vmem>> -> memref<1x128xi32, #tpu.memory_space<vmem>>
      %dma_start3A_151 = tpu.memref_squeeze %dma_start3A_150 : memref<1x128xi32, #tpu.memory_space<vmem>> -> memref<128xi32, #tpu.memory_space<vmem>>
      %dma_start3A_152 = arith.constant 0 : i32
      %dma_start3A_153 = arith.constant 0 : i32
      %dma_start3A_154 = tpu.memref_slice %arg6[%dma_start3A_152, %dma_start3A_153] : memref<10112x128xf32, #tpu.memory_space<vmem_shared>> -> memref<10112x128xf32, #tpu.memory_space<vmem_shared>>
      tpu.enqueue_indirect_dma source(%dma_start3A_148 : memref<128x128xf32, #tpu.memory_space<vmem>>) target(%dma_start3A_154 : memref<10112x128xf32, #tpu.memory_space<vmem_shared>>) offsets(%dma_start3A_151 : memref<128xi32, #tpu.memory_space<vmem>>) semaphore(%run_scoped3A_144 : memref<!tpu.dma_semaphore, #tpu.memory_space<semaphore_mem>>) {add = true}
      %dma_wait3A_155 = arith.constant 0 : i32
      %dma_wait3A_156 = arith.constant 0 : i32
      %dma_wait3A_157 = tpu.memref_slice %arg8[%run_scoped3A_96, %dma_wait3A_155, %dma_wait3A_156] : memref<2x128x128xf32, #tpu.memory_space<vmem>> -> memref<1x128x128xf32, #tpu.memory_space<vmem>>
      %dma_wait3A_158 = tpu.memref_squeeze %dma_wait3A_157 : memref<1x128x128xf32, #tpu.memory_space<vmem>> -> memref<128x128xf32, #tpu.memory_space<vmem>>
      %dma_wait3A_159 = arith.constant 0 : i32
      %dma_wait3A_160 = tpu.memref_slice %arg7[%run_scoped3A_97, %dma_wait3A_159] : memref<79x128xi32, #tpu.memory_space<vmem>> -> memref<1x128xi32, #tpu.memory_space<vmem>>
      %dma_wait3A_161 = tpu.memref_squeeze %dma_wait3A_160 : memref<1x128xi32, #tpu.memory_space<vmem>> -> memref<128xi32, #tpu.memory_space<vmem>>
      %dma_wait3A_162 = arith.constant 0 : i32
      %dma_wait3A_163 = arith.constant 0 : i32
      %dma_wait3A_164 = tpu.memref_slice %arg6[%dma_wait3A_162, %dma_wait3A_163] : memref<10112x128xf32, #tpu.memory_space<vmem_shared>> -> memref<10112x128xf32, #tpu.memory_space<vmem_shared>>
      tpu.wait_indirect_dma semaphore(%run_scoped3A_144 : memref<!tpu.dma_semaphore, #tpu.memory_space<semaphore_mem>>) src(%dma_wait3A_158 : memref<128x128xf32, #tpu.memory_space<vmem>>) dst(%dma_wait3A_164 : memref<10112x128xf32, #tpu.memory_space<vmem_shared>>)
      tpu.yield
    }) : () -> ()
    %barrier3A_98 = arith.constant 0 : index
    tpu.barrier barrier_id(%barrier3A_98)
    %mul3A_99 = arith.constant 5 : i32
    %mul3A_100 = arith.muli %arg1, %mul3A_99 : i32
    %add3A_101 = arith.constant 0 : i32
    %add3A_102 = arith.addi %mul3A_100, %add3A_101 : i32
    %lt3A_103 = arith.constant 79 : i32
    %lt3A_104 = arith.cmpi slt, %add3A_102, %lt3A_103 : i32
    %convert_element_type3A_105 = arith.extui %lt3A_104 : i1 to i32
    %cond3A_106 = arith.constant 0 : i32
    %cond3A_107 = arith.cmpi ne, %convert_element_type3A_105, %cond3A_106 : i32
    scf.if %cond3A_107 {
      %mul3A_144 = arith.constant 128 : i32
      %mul3A_145 = arith.muli %add3A_102, %mul3A_144 : i32
      %run_scoped3A_146 = arith.constant 0 : i32
      "tpu.region"() ({
        %run_scoped3A_150 = tpu.sem_alloc : memref<!tpu.dma_semaphore, #tpu.memory_space<semaphore_mem>>
        %dma_start3A_151 = arith.constant 0 : i32
        %dma_start3A_152 = arith.constant 0 : i32
        %dma_start3A_153 = tpu.memref_slice %arg8[%run_scoped3A_146, %dma_start3A_151, %dma_start3A_152] : memref<2x128x128xf32, #tpu.memory_space<vmem>> -> memref<1x128x128xf32, #tpu.memory_space<vmem>>
        %dma_start3A_154 = tpu.memref_squeeze %dma_start3A_153 : memref<1x128x128xf32, #tpu.memory_space<vmem>> -> memref<128x128xf32, #tpu.memory_space<vmem>>
        %dma_start3A_155 = arith.constant 0 : i32
        %dma_start3A_156 = tpu.memref_slice %arg6[%mul3A_145, %dma_start3A_155] : memref<10112x128xf32, #tpu.memory_space<vmem_shared>> -> memref<128x128xf32, #tpu.memory_space<vmem_shared>>
        %dma_start3A_157 = arith.constant 0 : i32
        %dma_start3A_158 = arith.constant 0 : i32
        %dma_start3A_159 = tpu.memref_slice %arg8[%run_scoped3A_146, %dma_start3A_157, %dma_start3A_158] : memref<2x128x128xf32, #tpu.memory_space<vmem>> -> memref<1x128x128xf32, #tpu.memory_space<vmem>>
        %dma_start3A_160 = tpu.memref_squeeze %dma_start3A_159 : memref<1x128x128xf32, #tpu.memory_space<vmem>> -> memref<128x128xf32, #tpu.memory_space<vmem>>
        %dma_start3A_161 = arith.constant 0 : i32
        %dma_start3A_162 = tpu.memref_slice %arg6[%mul3A_145, %dma_start3A_161] : memref<10112x128xf32, #tpu.memory_space<vmem_shared>> -> memref<128x128xf32, #tpu.memory_space<vmem_shared>>
        tpu.enqueue_dma source(%dma_start3A_162 : memref<128x128xf32, #tpu.memory_space<vmem_shared>>) target(%dma_start3A_160 : memref<128x128xf32, #tpu.memory_space<vmem>>) target_semaphore(%run_scoped3A_150 : memref<!tpu.dma_semaphore, #tpu.memory_space<semaphore_mem>>)
        %dma_wait3A_163 = arith.constant 0 : i32
        %dma_wait3A_164 = arith.constant 0 : i32
        %dma_wait3A_165 = tpu.memref_slice %arg8[%run_scoped3A_146, %dma_wait3A_163, %dma_wait3A_164] : memref<2x128x128xf32, #tpu.memory_space<vmem>> -> memref<1x128x128xf32, #tpu.memory_space<vmem>>
        %dma_wait3A_166 = tpu.memref_squeeze %dma_wait3A_165 : memref<1x128x128xf32, #tpu.memory_space<vmem>> -> memref<128x128xf32, #tpu.memory_space<vmem>>
        %dma_wait3A_167 = arith.constant 0 : i32
        %dma_wait3A_168 = tpu.memref_slice %arg6[%mul3A_145, %dma_wait3A_167] : memref<10112x128xf32, #tpu.memory_space<vmem_shared>> -> memref<128x128xf32, #tpu.memory_space<vmem_shared>>
        %dma_wait3A_169 = arith.constant 0 : i32
        %dma_wait3A_170 = arith.constant 0 : i32
        %dma_wait3A_171 = tpu.memref_slice %arg8[%run_scoped3A_146, %dma_wait3A_169, %dma_wait3A_170] : memref<2x128x128xf32, #tpu.memory_space<vmem>> -> memref<1x128x128xf32, #tpu.memory_space<vmem>>
        %dma_wait3A_172 = tpu.memref_squeeze %dma_wait3A_171 : memref<1x128x128xf32, #tpu.memory_space<vmem>> -> memref<128x128xf32, #tpu.memory_space<vmem>>
        %dma_wait3A_173 = arith.constant 0 : i32
        %dma_wait3A_174 = tpu.memref_slice %arg6[%mul3A_145, %dma_wait3A_173] : memref<10112x128xf32, #tpu.memory_space<vmem_shared>> -> memref<128x128xf32, #tpu.memory_space<vmem_shared>>
        tpu.wait_dma2 semaphore(%run_scoped3A_150 : memref<!tpu.dma_semaphore, #tpu.memory_space<semaphore_mem>>) src(%dma_wait3A_174 : memref<128x128xf32, #tpu.memory_space<vmem_shared>>) dst(%dma_wait3A_172 : memref<128x128xf32, #tpu.memory_space<vmem>>)
        tpu.yield
      }) : () -> ()
      %mul3A_147 = arith.constant 128 : i32
      %mul3A_148 = arith.muli %add3A_102, %mul3A_147 : i32
      %run_scoped3A_149 = arith.constant 0 : i32
      "tpu.region"() ({
        %run_scoped3A_150 = tpu.sem_alloc : memref<!tpu.dma_semaphore, #tpu.memory_space<semaphore_mem>>
        %dma_start3A_151 = arith.constant 0 : i32
        %dma_start3A_152 = arith.constant 0 : i32
        %dma_start3A_153 = tpu.memref_slice %arg8[%run_scoped3A_149, %dma_start3A_151, %dma_start3A_152] : memref<2x128x128xf32, #tpu.memory_space<vmem>> -> memref<1x128x128xf32, #tpu.memory_space<vmem>>
        %dma_start3A_154 = tpu.memref_squeeze %dma_start3A_153 : memref<1x128x128xf32, #tpu.memory_space<vmem>> -> memref<128x128xf32, #tpu.memory_space<vmem>>
        %dma_start3A_155 = arith.constant 0 : i32
        %dma_start3A_156 = tpu.memref_slice %arg5[%arg0, %mul3A_148, %dma_start3A_155] : memref<2x10112x128xf32, #tpu.memory_space<hbm>> -> memref<1x128x128xf32, #tpu.memory_space<hbm>>
        %dma_start3A_157 = tpu.memref_squeeze %dma_start3A_156 : memref<1x128x128xf32, #tpu.memory_space<hbm>> -> memref<128x128xf32, #tpu.memory_space<hbm>>
        %dma_start3A_158 = arith.constant 0 : i32
        %dma_start3A_159 = tpu.memref_slice %arg5[%arg0, %mul3A_148, %dma_start3A_158] : memref<2x10112x128xf32, #tpu.memory_space<hbm>> -> memref<1x128x128xf32, #tpu.memory_space<hbm>>
        %dma_start3A_160 = tpu.memref_squeeze %dma_start3A_159 : memref<1x128x128xf32, #tpu.memory_space<hbm>> -> memref<128x128xf32, #tpu.memory_space<hbm>>
        %dma_start3A_161 = arith.constant 0 : i32
        %dma_start3A_162 = arith.constant 0 : i32
        %dma_start3A_163 = tpu.memref_slice %arg8[%run_scoped3A_149, %dma_start3A_161, %dma_start3A_162] : memref<2x128x128xf32, #tpu.memory_space<vmem>> -> memref<1x128x128xf32, #tpu.memory_space<vmem>>
        %dma_start3A_164 = tpu.memref_squeeze %dma_start3A_163 : memref<1x128x128xf32, #tpu.memory_space<vmem>> -> memref<128x128xf32, #tpu.memory_space<vmem>>
        tpu.enqueue_dma source(%dma_start3A_164 : memref<128x128xf32, #tpu.memory_space<vmem>>) target(%dma_start3A_160 : memref<128x128xf32, #tpu.memory_space<hbm>>) target_semaphore(%run_scoped3A_150 : memref<!tpu.dma_semaphore, #tpu.memory_space<semaphore_mem>>)
        %dma_wait3A_165 = arith.constant 0 : i32
        %dma_wait3A_166 = arith.constant 0 : i32
        %dma_wait3A_167 = tpu.memref_slice %arg8[%run_scoped3A_149, %dma_wait3A_165, %dma_wait3A_166] : memref<2x128x128xf32, #tpu.memory_space<vmem>> -> memref<1x128x128xf32, #tpu.memory_space<vmem>>
        %dma_wait3A_168 = tpu.memref_squeeze %dma_wait3A_167 : memref<1x128x128xf32, #tpu.memory_space<vmem>> -> memref<128x128xf32, #tpu.memory_space<vmem>>
        %dma_wait3A_169 = arith.constant 0 : i32
        %dma_wait3A_170 = tpu.memref_slice %arg5[%arg0, %mul3A_148, %dma_wait3A_169] : memref<2x10112x128xf32, #tpu.memory_space<hbm>> -> memref<1x128x128xf32, #tpu.memory_space<hbm>>
        %dma_wait3A_171 = tpu.memref_squeeze %dma_wait3A_170 : memref<1x128x128xf32, #tpu.memory_space<hbm>> -> memref<128x128xf32, #tpu.memory_space<hbm>>
        %dma_wait3A_172 = arith.constant 0 : i32
        %dma_wait3A_173 = tpu.memref_slice %arg5[%arg0, %mul3A_148, %dma_wait3A_172] : memref<2x10112x128xf32, #tpu.memory_space<hbm>> -> memref<1x128x128xf32, #tpu.memory_space<hbm>>
        %dma_wait3A_174 = tpu.memref_squeeze %dma_wait3A_173 : memref<1x128x128xf32, #tpu.memory_space<hbm>> -> memref<128x128xf32, #tpu.memory_space<hbm>>
        %dma_wait3A_175 = arith.constant 0 : i32
        %dma_wait3A_176 = arith.constant 0 : i32
        %dma_wait3A_177 = tpu.memref_slice %arg8[%run_scoped3A_149, %dma_wait3A_175, %dma_wait3A_176] : memref<2x128x128xf32, #tpu.memory_space<vmem>> -> memref<1x128x128xf32, #tpu.memory_space<vmem>>
        %dma_wait3A_178 = tpu.memref_squeeze %dma_wait3A_177 : memref<1x128x128xf32, #tpu.memory_space<vmem>> -> memref<128x128xf32, #tpu.memory_space<vmem>>
        tpu.wait_dma2 semaphore(%run_scoped3A_150 : memref<!tpu.dma_semaphore, #tpu.memory_space<semaphore_mem>>) src(%dma_wait3A_178 : memref<128x128xf32, #tpu.memory_space<vmem>>) dst(%dma_wait3A_174 : memref<128x128xf32, #tpu.memory_space<hbm>>)
        tpu.yield
      }) : () -> ()
    } else {
    }
    %mul3A_108 = arith.constant 5 : i32
    %mul3A_109 = arith.muli %arg1, %mul3A_108 : i32
    %add3A_110 = arith.constant 1 : i32
    %add3A_111 = arith.addi %mul3A_109, %add3A_110 : i32
    %lt3A_112 = arith.constant 79 : i32
    %lt3A_113 = arith.cmpi slt, %add3A_111, %lt3A_112 : i32
    %convert_element_type3A_114 = arith.extui %lt3A_113 : i1 to i32
    %cond3A_115 = arith.constant 0 : i32
    %cond3A_116 = arith.cmpi ne, %convert_element_type3A_114, %cond3A_115 : i32
    scf.if %cond3A_116 {
      %mul3A_144 = arith.constant 128 : i32
      %mul3A_145 = arith.muli %add3A_111, %mul3A_144 : i32
      %run_scoped3A_146 = arith.constant 0 : i32
      "tpu.region"() ({
        %run_scoped3A_150 = tpu.sem_alloc : memref<!tpu.dma_semaphore, #tpu.memory_space<semaphore_mem>>
        %dma_start3A_151 = arith.constant 0 : i32
        %dma_start3A_152 = arith.constant 0 : i32
        %dma_start3A_153 = tpu.memref_slice %arg8[%run_scoped3A_146, %dma_start3A_151, %dma_start3A_152] : memref<2x128x128xf32, #tpu.memory_space<vmem>> -> memref<1x128x128xf32, #tpu.memory_space<vmem>>
        %dma_start3A_154 = tpu.memref_squeeze %dma_start3A_153 : memref<1x128x128xf32, #tpu.memory_space<vmem>> -> memref<128x128xf32, #tpu.memory_space<vmem>>
        %dma_start3A_155 = arith.constant 0 : i32
        %dma_start3A_156 = tpu.memref_slice %arg6[%mul3A_145, %dma_start3A_155] : memref<10112x128xf32, #tpu.memory_space<vmem_shared>> -> memref<128x128xf32, #tpu.memory_space<vmem_shared>>
        %dma_start3A_157 = arith.constant 0 : i32
        %dma_start3A_158 = arith.constant 0 : i32
        %dma_start3A_159 = tpu.memref_slice %arg8[%run_scoped3A_146, %dma_start3A_157, %dma_start3A_158] : memref<2x128x128xf32, #tpu.memory_space<vmem>> -> memref<1x128x128xf32, #tpu.memory_space<vmem>>
        %dma_start3A_160 = tpu.memref_squeeze %dma_start3A_159 : memref<1x128x128xf32, #tpu.memory_space<vmem>> -> memref<128x128xf32, #tpu.memory_space<vmem>>
        %dma_start3A_161 = arith.constant 0 : i32
        %dma_start3A_162 = tpu.memref_slice %arg6[%mul3A_145, %dma_start3A_161] : memref<10112x128xf32, #tpu.memory_space<vmem_shared>> -> memref<128x128xf32, #tpu.memory_space<vmem_shared>>
        tpu.enqueue_dma source(%dma_start3A_162 : memref<128x128xf32, #tpu.memory_space<vmem_shared>>) target(%dma_start3A_160 : memref<128x128xf32, #tpu.memory_space<vmem>>) target_semaphore(%run_scoped3A_150 : memref<!tpu.dma_semaphore, #tpu.memory_space<semaphore_mem>>)
        %dma_wait3A_163 = arith.constant 0 : i32
        %dma_wait3A_164 = arith.constant 0 : i32
        %dma_wait3A_165 = tpu.memref_slice %arg8[%run_scoped3A_146, %dma_wait3A_163, %dma_wait3A_164] : memref<2x128x128xf32, #tpu.memory_space<vmem>> -> memref<1x128x128xf32, #tpu.memory_space<vmem>>
        %dma_wait3A_166 = tpu.memref_squeeze %dma_wait3A_165 : memref<1x128x128xf32, #tpu.memory_space<vmem>> -> memref<128x128xf32, #tpu.memory_space<vmem>>
        %dma_wait3A_167 = arith.constant 0 : i32
        %dma_wait3A_168 = tpu.memref_slice %arg6[%mul3A_145, %dma_wait3A_167] : memref<10112x128xf32, #tpu.memory_space<vmem_shared>> -> memref<128x128xf32, #tpu.memory_space<vmem_shared>>
        %dma_wait3A_169 = arith.constant 0 : i32
        %dma_wait3A_170 = arith.constant 0 : i32
        %dma_wait3A_171 = tpu.memref_slice %arg8[%run_scoped3A_146, %dma_wait3A_169, %dma_wait3A_170] : memref<2x128x128xf32, #tpu.memory_space<vmem>> -> memref<1x128x128xf32, #tpu.memory_space<vmem>>
        %dma_wait3A_172 = tpu.memref_squeeze %dma_wait3A_171 : memref<1x128x128xf32, #tpu.memory_space<vmem>> -> memref<128x128xf32, #tpu.memory_space<vmem>>
        %dma_wait3A_173 = arith.constant 0 : i32
        %dma_wait3A_174 = tpu.memref_slice %arg6[%mul3A_145, %dma_wait3A_173] : memref<10112x128xf32, #tpu.memory_space<vmem_shared>> -> memref<128x128xf32, #tpu.memory_space<vmem_shared>>
        tpu.wait_dma2 semaphore(%run_scoped3A_150 : memref<!tpu.dma_semaphore, #tpu.memory_space<semaphore_mem>>) src(%dma_wait3A_174 : memref<128x128xf32, #tpu.memory_space<vmem_shared>>) dst(%dma_wait3A_172 : memref<128x128xf32, #tpu.memory_space<vmem>>)
        tpu.yield
      }) : () -> ()
      %mul3A_147 = arith.constant 128 : i32
      %mul3A_148 = arith.muli %add3A_111, %mul3A_147 : i32
      %run_scoped3A_149 = arith.constant 0 : i32
      "tpu.region"() ({
        %run_scoped3A_150 = tpu.sem_alloc : memref<!tpu.dma_semaphore, #tpu.memory_space<semaphore_mem>>
        %dma_start3A_151 = arith.constant 0 : i32
        %dma_start3A_152 = arith.constant 0 : i32
        %dma_start3A_153 = tpu.memref_slice %arg8[%run_scoped3A_149, %dma_start3A_151, %dma_start3A_152] : memref<2x128x128xf32, #tpu.memory_space<vmem>> -> memref<1x128x128xf32, #tpu.memory_space<vmem>>
        %dma_start3A_154 = tpu.memref_squeeze %dma_start3A_153 : memref<1x128x128xf32, #tpu.memory_space<vmem>> -> memref<128x128xf32, #tpu.memory_space<vmem>>
        %dma_start3A_155 = arith.constant 0 : i32
        %dma_start3A_156 = tpu.memref_slice %arg5[%arg0, %mul3A_148, %dma_start3A_155] : memref<2x10112x128xf32, #tpu.memory_space<hbm>> -> memref<1x128x128xf32, #tpu.memory_space<hbm>>
        %dma_start3A_157 = tpu.memref_squeeze %dma_start3A_156 : memref<1x128x128xf32, #tpu.memory_space<hbm>> -> memref<128x128xf32, #tpu.memory_space<hbm>>
        %dma_start3A_158 = arith.constant 0 : i32
        %dma_start3A_159 = tpu.memref_slice %arg5[%arg0, %mul3A_148, %dma_start3A_158] : memref<2x10112x128xf32, #tpu.memory_space<hbm>> -> memref<1x128x128xf32, #tpu.memory_space<hbm>>
        %dma_start3A_160 = tpu.memref_squeeze %dma_start3A_159 : memref<1x128x128xf32, #tpu.memory_space<hbm>> -> memref<128x128xf32, #tpu.memory_space<hbm>>
        %dma_start3A_161 = arith.constant 0 : i32
        %dma_start3A_162 = arith.constant 0 : i32
        %dma_start3A_163 = tpu.memref_slice %arg8[%run_scoped3A_149, %dma_start3A_161, %dma_start3A_162] : memref<2x128x128xf32, #tpu.memory_space<vmem>> -> memref<1x128x128xf32, #tpu.memory_space<vmem>>
        %dma_start3A_164 = tpu.memref_squeeze %dma_start3A_163 : memref<1x128x128xf32, #tpu.memory_space<vmem>> -> memref<128x128xf32, #tpu.memory_space<vmem>>
        tpu.enqueue_dma source(%dma_start3A_164 : memref<128x128xf32, #tpu.memory_space<vmem>>) target(%dma_start3A_160 : memref<128x128xf32, #tpu.memory_space<hbm>>) target_semaphore(%run_scoped3A_150 : memref<!tpu.dma_semaphore, #tpu.memory_space<semaphore_mem>>)
        %dma_wait3A_165 = arith.constant 0 : i32
        %dma_wait3A_166 = arith.constant 0 : i32
        %dma_wait3A_167 = tpu.memref_slice %arg8[%run_scoped3A_149, %dma_wait3A_165, %dma_wait3A_166] : memref<2x128x128xf32, #tpu.memory_space<vmem>> -> memref<1x128x128xf32, #tpu.memory_space<vmem>>
        %dma_wait3A_168 = tpu.memref_squeeze %dma_wait3A_167 : memref<1x128x128xf32, #tpu.memory_space<vmem>> -> memref<128x128xf32, #tpu.memory_space<vmem>>
        %dma_wait3A_169 = arith.constant 0 : i32
        %dma_wait3A_170 = tpu.memref_slice %arg5[%arg0, %mul3A_148, %dma_wait3A_169] : memref<2x10112x128xf32, #tpu.memory_space<hbm>> -> memref<1x128x128xf32, #tpu.memory_space<hbm>>
        %dma_wait3A_171 = tpu.memref_squeeze %dma_wait3A_170 : memref<1x128x128xf32, #tpu.memory_space<hbm>> -> memref<128x128xf32, #tpu.memory_space<hbm>>
        %dma_wait3A_172 = arith.constant 0 : i32
        %dma_wait3A_173 = tpu.memref_slice %arg5[%arg0, %mul3A_148, %dma_wait3A_172] : memref<2x10112x128xf32, #tpu.memory_space<hbm>> -> memref<1x128x128xf32, #tpu.memory_space<hbm>>
        %dma_wait3A_174 = tpu.memref_squeeze %dma_wait3A_173 : memref<1x128x128xf32, #tpu.memory_space<hbm>> -> memref<128x128xf32, #tpu.memory_space<hbm>>
        %dma_wait3A_175 = arith.constant 0 : i32
        %dma_wait3A_176 = arith.constant 0 : i32
        %dma_wait3A_177 = tpu.memref_slice %arg8[%run_scoped3A_149, %dma_wait3A_175, %dma_wait3A_176] : memref<2x128x128xf32, #tpu.memory_space<vmem>> -> memref<1x128x128xf32, #tpu.memory_space<vmem>>
        %dma_wait3A_178 = tpu.memref_squeeze %dma_wait3A_177 : memref<1x128x128xf32, #tpu.memory_space<vmem>> -> memref<128x128xf32, #tpu.memory_space<vmem>>
        tpu.wait_dma2 semaphore(%run_scoped3A_150 : memref<!tpu.dma_semaphore, #tpu.memory_space<semaphore_mem>>) src(%dma_wait3A_178 : memref<128x128xf32, #tpu.memory_space<vmem>>) dst(%dma_wait3A_174 : memref<128x128xf32, #tpu.memory_space<hbm>>)
        tpu.yield
      }) : () -> ()
    } else {
    }
    %mul3A_117 = arith.constant 5 : i32
    %mul3A_118 = arith.muli %arg1, %mul3A_117 : i32
    %add3A_119 = arith.constant 2 : i32
    %add3A_120 = arith.addi %mul3A_118, %add3A_119 : i32
    %lt3A_121 = arith.constant 79 : i32
    %lt3A_122 = arith.cmpi slt, %add3A_120, %lt3A_121 : i32
    %convert_element_type3A_123 = arith.extui %lt3A_122 : i1 to i32
    %cond3A_124 = arith.constant 0 : i32
    %cond3A_125 = arith.cmpi ne, %convert_element_type3A_123, %cond3A_124 : i32
    scf.if %cond3A_125 {
      %mul3A_144 = arith.constant 128 : i32
      %mul3A_145 = arith.muli %add3A_120, %mul3A_144 : i32
      %run_scoped3A_146 = arith.constant 0 : i32
      "tpu.region"() ({
        %run_scoped3A_150 = tpu.sem_alloc : memref<!tpu.dma_semaphore, #tpu.memory_space<semaphore_mem>>
        %dma_start3A_151 = arith.constant 0 : i32
        %dma_start3A_152 = arith.constant 0 : i32
        %dma_start3A_153 = tpu.memref_slice %arg8[%run_scoped3A_146, %dma_start3A_151, %dma_start3A_152] : memref<2x128x128xf32, #tpu.memory_space<vmem>> -> memref<1x128x128xf32, #tpu.memory_space<vmem>>
        %dma_start3A_154 = tpu.memref_squeeze %dma_start3A_153 : memref<1x128x128xf32, #tpu.memory_space<vmem>> -> memref<128x128xf32, #tpu.memory_space<vmem>>
        %dma_start3A_155 = arith.constant 0 : i32
        %dma_start3A_156 = tpu.memref_slice %arg6[%mul3A_145, %dma_start3A_155] : memref<10112x128xf32, #tpu.memory_space<vmem_shared>> -> memref<128x128xf32, #tpu.memory_space<vmem_shared>>
        %dma_start3A_157 = arith.constant 0 : i32
        %dma_start3A_158 = arith.constant 0 : i32
        %dma_start3A_159 = tpu.memref_slice %arg8[%run_scoped3A_146, %dma_start3A_157, %dma_start3A_158] : memref<2x128x128xf32, #tpu.memory_space<vmem>> -> memref<1x128x128xf32, #tpu.memory_space<vmem>>
        %dma_start3A_160 = tpu.memref_squeeze %dma_start3A_159 : memref<1x128x128xf32, #tpu.memory_space<vmem>> -> memref<128x128xf32, #tpu.memory_space<vmem>>
        %dma_start3A_161 = arith.constant 0 : i32
        %dma_start3A_162 = tpu.memref_slice %arg6[%mul3A_145, %dma_start3A_161] : memref<10112x128xf32, #tpu.memory_space<vmem_shared>> -> memref<128x128xf32, #tpu.memory_space<vmem_shared>>
        tpu.enqueue_dma source(%dma_start3A_162 : memref<128x128xf32, #tpu.memory_space<vmem_shared>>) target(%dma_start3A_160 : memref<128x128xf32, #tpu.memory_space<vmem>>) target_semaphore(%run_scoped3A_150 : memref<!tpu.dma_semaphore, #tpu.memory_space<semaphore_mem>>)
        %dma_wait3A_163 = arith.constant 0 : i32
        %dma_wait3A_164 = arith.constant 0 : i32
        %dma_wait3A_165 = tpu.memref_slice %arg8[%run_scoped3A_146, %dma_wait3A_163, %dma_wait3A_164] : memref<2x128x128xf32, #tpu.memory_space<vmem>> -> memref<1x128x128xf32, #tpu.memory_space<vmem>>
        %dma_wait3A_166 = tpu.memref_squeeze %dma_wait3A_165 : memref<1x128x128xf32, #tpu.memory_space<vmem>> -> memref<128x128xf32, #tpu.memory_space<vmem>>
        %dma_wait3A_167 = arith.constant 0 : i32
        %dma_wait3A_168 = tpu.memref_slice %arg6[%mul3A_145, %dma_wait3A_167] : memref<10112x128xf32, #tpu.memory_space<vmem_shared>> -> memref<128x128xf32, #tpu.memory_space<vmem_shared>>
        %dma_wait3A_169 = arith.constant 0 : i32
        %dma_wait3A_170 = arith.constant 0 : i32
        %dma_wait3A_171 = tpu.memref_slice %arg8[%run_scoped3A_146, %dma_wait3A_169, %dma_wait3A_170] : memref<2x128x128xf32, #tpu.memory_space<vmem>> -> memref<1x128x128xf32, #tpu.memory_space<vmem>>
        %dma_wait3A_172 = tpu.memref_squeeze %dma_wait3A_171 : memref<1x128x128xf32, #tpu.memory_space<vmem>> -> memref<128x128xf32, #tpu.memory_space<vmem>>
        %dma_wait3A_173 = arith.constant 0 : i32
        %dma_wait3A_174 = tpu.memref_slice %arg6[%mul3A_145, %dma_wait3A_173] : memref<10112x128xf32, #tpu.memory_space<vmem_shared>> -> memref<128x128xf32, #tpu.memory_space<vmem_shared>>
        tpu.wait_dma2 semaphore(%run_scoped3A_150 : memref<!tpu.dma_semaphore, #tpu.memory_space<semaphore_mem>>) src(%dma_wait3A_174 : memref<128x128xf32, #tpu.memory_space<vmem_shared>>) dst(%dma_wait3A_172 : memref<128x128xf32, #tpu.memory_space<vmem>>)
        tpu.yield
      }) : () -> ()
      %mul3A_147 = arith.constant 128 : i32
      %mul3A_148 = arith.muli %add3A_120, %mul3A_147 : i32
      %run_scoped3A_149 = arith.constant 0 : i32
      "tpu.region"() ({
        %run_scoped3A_150 = tpu.sem_alloc : memref<!tpu.dma_semaphore, #tpu.memory_space<semaphore_mem>>
        %dma_start3A_151 = arith.constant 0 : i32
        %dma_start3A_152 = arith.constant 0 : i32
        %dma_start3A_153 = tpu.memref_slice %arg8[%run_scoped3A_149, %dma_start3A_151, %dma_start3A_152] : memref<2x128x128xf32, #tpu.memory_space<vmem>> -> memref<1x128x128xf32, #tpu.memory_space<vmem>>
        %dma_start3A_154 = tpu.memref_squeeze %dma_start3A_153 : memref<1x128x128xf32, #tpu.memory_space<vmem>> -> memref<128x128xf32, #tpu.memory_space<vmem>>
        %dma_start3A_155 = arith.constant 0 : i32
        %dma_start3A_156 = tpu.memref_slice %arg5[%arg0, %mul3A_148, %dma_start3A_155] : memref<2x10112x128xf32, #tpu.memory_space<hbm>> -> memref<1x128x128xf32, #tpu.memory_space<hbm>>
        %dma_start3A_157 = tpu.memref_squeeze %dma_start3A_156 : memref<1x128x128xf32, #tpu.memory_space<hbm>> -> memref<128x128xf32, #tpu.memory_space<hbm>>
        %dma_start3A_158 = arith.constant 0 : i32
        %dma_start3A_159 = tpu.memref_slice %arg5[%arg0, %mul3A_148, %dma_start3A_158] : memref<2x10112x128xf32, #tpu.memory_space<hbm>> -> memref<1x128x128xf32, #tpu.memory_space<hbm>>
        %dma_start3A_160 = tpu.memref_squeeze %dma_start3A_159 : memref<1x128x128xf32, #tpu.memory_space<hbm>> -> memref<128x128xf32, #tpu.memory_space<hbm>>
        %dma_start3A_161 = arith.constant 0 : i32
        %dma_start3A_162 = arith.constant 0 : i32
        %dma_start3A_163 = tpu.memref_slice %arg8[%run_scoped3A_149, %dma_start3A_161, %dma_start3A_162] : memref<2x128x128xf32, #tpu.memory_space<vmem>> -> memref<1x128x128xf32, #tpu.memory_space<vmem>>
        %dma_start3A_164 = tpu.memref_squeeze %dma_start3A_163 : memref<1x128x128xf32, #tpu.memory_space<vmem>> -> memref<128x128xf32, #tpu.memory_space<vmem>>
        tpu.enqueue_dma source(%dma_start3A_164 : memref<128x128xf32, #tpu.memory_space<vmem>>) target(%dma_start3A_160 : memref<128x128xf32, #tpu.memory_space<hbm>>) target_semaphore(%run_scoped3A_150 : memref<!tpu.dma_semaphore, #tpu.memory_space<semaphore_mem>>)
        %dma_wait3A_165 = arith.constant 0 : i32
        %dma_wait3A_166 = arith.constant 0 : i32
        %dma_wait3A_167 = tpu.memref_slice %arg8[%run_scoped3A_149, %dma_wait3A_165, %dma_wait3A_166] : memref<2x128x128xf32, #tpu.memory_space<vmem>> -> memref<1x128x128xf32, #tpu.memory_space<vmem>>
        %dma_wait3A_168 = tpu.memref_squeeze %dma_wait3A_167 : memref<1x128x128xf32, #tpu.memory_space<vmem>> -> memref<128x128xf32, #tpu.memory_space<vmem>>
        %dma_wait3A_169 = arith.constant 0 : i32
        %dma_wait3A_170 = tpu.memref_slice %arg5[%arg0, %mul3A_148, %dma_wait3A_169] : memref<2x10112x128xf32, #tpu.memory_space<hbm>> -> memref<1x128x128xf32, #tpu.memory_space<hbm>>
        %dma_wait3A_171 = tpu.memref_squeeze %dma_wait3A_170 : memref<1x128x128xf32, #tpu.memory_space<hbm>> -> memref<128x128xf32, #tpu.memory_space<hbm>>
        %dma_wait3A_172 = arith.constant 0 : i32
        %dma_wait3A_173 = tpu.memref_slice %arg5[%arg0, %mul3A_148, %dma_wait3A_172] : memref<2x10112x128xf32, #tpu.memory_space<hbm>> -> memref<1x128x128xf32, #tpu.memory_space<hbm>>
        %dma_wait3A_174 = tpu.memref_squeeze %dma_wait3A_173 : memref<1x128x128xf32, #tpu.memory_space<hbm>> -> memref<128x128xf32, #tpu.memory_space<hbm>>
        %dma_wait3A_175 = arith.constant 0 : i32
        %dma_wait3A_176 = arith.constant 0 : i32
        %dma_wait3A_177 = tpu.memref_slice %arg8[%run_scoped3A_149, %dma_wait3A_175, %dma_wait3A_176] : memref<2x128x128xf32, #tpu.memory_space<vmem>> -> memref<1x128x128xf32, #tpu.memory_space<vmem>>
        %dma_wait3A_178 = tpu.memref_squeeze %dma_wait3A_177 : memref<1x128x128xf32, #tpu.memory_space<vmem>> -> memref<128x128xf32, #tpu.memory_space<vmem>>
        tpu.wait_dma2 semaphore(%run_scoped3A_150 : memref<!tpu.dma_semaphore, #tpu.memory_space<semaphore_mem>>) src(%dma_wait3A_178 : memref<128x128xf32, #tpu.memory_space<vmem>>) dst(%dma_wait3A_174 : memref<128x128xf32, #tpu.memory_space<hbm>>)
        tpu.yield
      }) : () -> ()
    } else {
    }
    %mul3A_126 = arith.constant 5 : i32
    %mul3A_127 = arith.muli %arg1, %mul3A_126 : i32
    %add3A_128 = arith.constant 3 : i32
    %add3A_129 = arith.addi %mul3A_127, %add3A_128 : i32
    %lt3A_130 = arith.constant 79 : i32
    %lt3A_131 = arith.cmpi slt, %add3A_129, %lt3A_130 : i32
    %convert_element_type3A_132 = arith.extui %lt3A_131 : i1 to i32
    %cond3A_133 = arith.constant 0 : i32
    %cond3A_134 = arith.cmpi ne, %convert_element_type3A_132, %cond3A_133 : i32
    scf.if %cond3A_134 {
      %mul3A_144 = arith.constant 128 : i32
      %mul3A_145 = arith.muli %add3A_129, %mul3A_144 : i32
      %run_scoped3A_146 = arith.constant 0 : i32
      "tpu.region"() ({
        %run_scoped3A_150 = tpu.sem_alloc : memref<!tpu.dma_semaphore, #tpu.memory_space<semaphore_mem>>
        %dma_start3A_151 = arith.constant 0 : i32
        %dma_start3A_152 = arith.constant 0 : i32
        %dma_start3A_153 = tpu.memref_slice %arg8[%run_scoped3A_146, %dma_start3A_151, %dma_start3A_152] : memref<2x128x128xf32, #tpu.memory_space<vmem>> -> memref<1x128x128xf32, #tpu.memory_space<vmem>>
        %dma_start3A_154 = tpu.memref_squeeze %dma_start3A_153 : memref<1x128x128xf32, #tpu.memory_space<vmem>> -> memref<128x128xf32, #tpu.memory_space<vmem>>
        %dma_start3A_155 = arith.constant 0 : i32
        %dma_start3A_156 = tpu.memref_slice %arg6[%mul3A_145, %dma_start3A_155] : memref<10112x128xf32, #tpu.memory_space<vmem_shared>> -> memref<128x128xf32, #tpu.memory_space<vmem_shared>>
        %dma_start3A_157 = arith.constant 0 : i32
        %dma_start3A_158 = arith.constant 0 : i32
        %dma_start3A_159 = tpu.memref_slice %arg8[%run_scoped3A_146, %dma_start3A_157, %dma_start3A_158] : memref<2x128x128xf32, #tpu.memory_space<vmem>> -> memref<1x128x128xf32, #tpu.memory_space<vmem>>
        %dma_start3A_160 = tpu.memref_squeeze %dma_start3A_159 : memref<1x128x128xf32, #tpu.memory_space<vmem>> -> memref<128x128xf32, #tpu.memory_space<vmem>>
        %dma_start3A_161 = arith.constant 0 : i32
        %dma_start3A_162 = tpu.memref_slice %arg6[%mul3A_145, %dma_start3A_161] : memref<10112x128xf32, #tpu.memory_space<vmem_shared>> -> memref<128x128xf32, #tpu.memory_space<vmem_shared>>
        tpu.enqueue_dma source(%dma_start3A_162 : memref<128x128xf32, #tpu.memory_space<vmem_shared>>) target(%dma_start3A_160 : memref<128x128xf32, #tpu.memory_space<vmem>>) target_semaphore(%run_scoped3A_150 : memref<!tpu.dma_semaphore, #tpu.memory_space<semaphore_mem>>)
        %dma_wait3A_163 = arith.constant 0 : i32
        %dma_wait3A_164 = arith.constant 0 : i32
        %dma_wait3A_165 = tpu.memref_slice %arg8[%run_scoped3A_146, %dma_wait3A_163, %dma_wait3A_164] : memref<2x128x128xf32, #tpu.memory_space<vmem>> -> memref<1x128x128xf32, #tpu.memory_space<vmem>>
        %dma_wait3A_166 = tpu.memref_squeeze %dma_wait3A_165 : memref<1x128x128xf32, #tpu.memory_space<vmem>> -> memref<128x128xf32, #tpu.memory_space<vmem>>
        %dma_wait3A_167 = arith.constant 0 : i32
        %dma_wait3A_168 = tpu.memref_slice %arg6[%mul3A_145, %dma_wait3A_167] : memref<10112x128xf32, #tpu.memory_space<vmem_shared>> -> memref<128x128xf32, #tpu.memory_space<vmem_shared>>
        %dma_wait3A_169 = arith.constant 0 : i32
        %dma_wait3A_170 = arith.constant 0 : i32
        %dma_wait3A_171 = tpu.memref_slice %arg8[%run_scoped3A_146, %dma_wait3A_169, %dma_wait3A_170] : memref<2x128x128xf32, #tpu.memory_space<vmem>> -> memref<1x128x128xf32, #tpu.memory_space<vmem>>
        %dma_wait3A_172 = tpu.memref_squeeze %dma_wait3A_171 : memref<1x128x128xf32, #tpu.memory_space<vmem>> -> memref<128x128xf32, #tpu.memory_space<vmem>>
        %dma_wait3A_173 = arith.constant 0 : i32
        %dma_wait3A_174 = tpu.memref_slice %arg6[%mul3A_145, %dma_wait3A_173] : memref<10112x128xf32, #tpu.memory_space<vmem_shared>> -> memref<128x128xf32, #tpu.memory_space<vmem_shared>>
        tpu.wait_dma2 semaphore(%run_scoped3A_150 : memref<!tpu.dma_semaphore, #tpu.memory_space<semaphore_mem>>) src(%dma_wait3A_174 : memref<128x128xf32, #tpu.memory_space<vmem_shared>>) dst(%dma_wait3A_172 : memref<128x128xf32, #tpu.memory_space<vmem>>)
        tpu.yield
      }) : () -> ()
      %mul3A_147 = arith.constant 128 : i32
      %mul3A_148 = arith.muli %add3A_129, %mul3A_147 : i32
      %run_scoped3A_149 = arith.constant 0 : i32
      "tpu.region"() ({
        %run_scoped3A_150 = tpu.sem_alloc : memref<!tpu.dma_semaphore, #tpu.memory_space<semaphore_mem>>
        %dma_start3A_151 = arith.constant 0 : i32
        %dma_start3A_152 = arith.constant 0 : i32
        %dma_start3A_153 = tpu.memref_slice %arg8[%run_scoped3A_149, %dma_start3A_151, %dma_start3A_152] : memref<2x128x128xf32, #tpu.memory_space<vmem>> -> memref<1x128x128xf32, #tpu.memory_space<vmem>>
        %dma_start3A_154 = tpu.memref_squeeze %dma_start3A_153 : memref<1x128x128xf32, #tpu.memory_space<vmem>> -> memref<128x128xf32, #tpu.memory_space<vmem>>
        %dma_start3A_155 = arith.constant 0 : i32
        %dma_start3A_156 = tpu.memref_slice %arg5[%arg0, %mul3A_148, %dma_start3A_155] : memref<2x10112x128xf32, #tpu.memory_space<hbm>> -> memref<1x128x128xf32, #tpu.memory_space<hbm>>
        %dma_start3A_157 = tpu.memref_squeeze %dma_start3A_156 : memref<1x128x128xf32, #tpu.memory_space<hbm>> -> memref<128x128xf32, #tpu.memory_space<hbm>>
        %dma_start3A_158 = arith.constant 0 : i32
        %dma_start3A_159 = tpu.memref_slice %arg5[%arg0, %mul3A_148, %dma_start3A_158] : memref<2x10112x128xf32, #tpu.memory_space<hbm>> -> memref<1x128x128xf32, #tpu.memory_space<hbm>>
        %dma_start3A_160 = tpu.memref_squeeze %dma_start3A_159 : memref<1x128x128xf32, #tpu.memory_space<hbm>> -> memref<128x128xf32, #tpu.memory_space<hbm>>
        %dma_start3A_161 = arith.constant 0 : i32
        %dma_start3A_162 = arith.constant 0 : i32
        %dma_start3A_163 = tpu.memref_slice %arg8[%run_scoped3A_149, %dma_start3A_161, %dma_start3A_162] : memref<2x128x128xf32, #tpu.memory_space<vmem>> -> memref<1x128x128xf32, #tpu.memory_space<vmem>>
        %dma_start3A_164 = tpu.memref_squeeze %dma_start3A_163 : memref<1x128x128xf32, #tpu.memory_space<vmem>> -> memref<128x128xf32, #tpu.memory_space<vmem>>
        tpu.enqueue_dma source(%dma_start3A_164 : memref<128x128xf32, #tpu.memory_space<vmem>>) target(%dma_start3A_160 : memref<128x128xf32, #tpu.memory_space<hbm>>) target_semaphore(%run_scoped3A_150 : memref<!tpu.dma_semaphore, #tpu.memory_space<semaphore_mem>>)
        %dma_wait3A_165 = arith.constant 0 : i32
        %dma_wait3A_166 = arith.constant 0 : i32
        %dma_wait3A_167 = tpu.memref_slice %arg8[%run_scoped3A_149, %dma_wait3A_165, %dma_wait3A_166] : memref<2x128x128xf32, #tpu.memory_space<vmem>> -> memref<1x128x128xf32, #tpu.memory_space<vmem>>
        %dma_wait3A_168 = tpu.memref_squeeze %dma_wait3A_167 : memref<1x128x128xf32, #tpu.memory_space<vmem>> -> memref<128x128xf32, #tpu.memory_space<vmem>>
        %dma_wait3A_169 = arith.constant 0 : i32
        %dma_wait3A_170 = tpu.memref_slice %arg5[%arg0, %mul3A_148, %dma_wait3A_169] : memref<2x10112x128xf32, #tpu.memory_space<hbm>> -> memref<1x128x128xf32, #tpu.memory_space<hbm>>
        %dma_wait3A_171 = tpu.memref_squeeze %dma_wait3A_170 : memref<1x128x128xf32, #tpu.memory_space<hbm>> -> memref<128x128xf32, #tpu.memory_space<hbm>>
        %dma_wait3A_172 = arith.constant 0 : i32
        %dma_wait3A_173 = tpu.memref_slice %arg5[%arg0, %mul3A_148, %dma_wait3A_172] : memref<2x10112x128xf32, #tpu.memory_space<hbm>> -> memref<1x128x128xf32, #tpu.memory_space<hbm>>
        %dma_wait3A_174 = tpu.memref_squeeze %dma_wait3A_173 : memref<1x128x128xf32, #tpu.memory_space<hbm>> -> memref<128x128xf32, #tpu.memory_space<hbm>>
        %dma_wait3A_175 = arith.constant 0 : i32
        %dma_wait3A_176 = arith.constant 0 : i32
        %dma_wait3A_177 = tpu.memref_slice %arg8[%run_scoped3A_149, %dma_wait3A_175, %dma_wait3A_176] : memref<2x128x128xf32, #tpu.memory_space<vmem>> -> memref<1x128x128xf32, #tpu.memory_space<vmem>>
        %dma_wait3A_178 = tpu.memref_squeeze %dma_wait3A_177 : memref<1x128x128xf32, #tpu.memory_space<vmem>> -> memref<128x128xf32, #tpu.memory_space<vmem>>
        tpu.wait_dma2 semaphore(%run_scoped3A_150 : memref<!tpu.dma_semaphore, #tpu.memory_space<semaphore_mem>>) src(%dma_wait3A_178 : memref<128x128xf32, #tpu.memory_space<vmem>>) dst(%dma_wait3A_174 : memref<128x128xf32, #tpu.memory_space<hbm>>)
        tpu.yield
      }) : () -> ()
    } else {
    }
    %mul3A_135 = arith.constant 5 : i32
    %mul3A_136 = arith.muli %arg1, %mul3A_135 : i32
    %add3A_137 = arith.constant 4 : i32
    %add3A_138 = arith.addi %mul3A_136, %add3A_137 : i32
    %lt3A_139 = arith.constant 79 : i32
    %lt3A_140 = arith.cmpi slt, %add3A_138, %lt3A_139 : i32
    %convert_element_type3A_141 = arith.extui %lt3A_140 : i1 to i32
    %cond3A_142 = arith.constant 0 : i32
    %cond3A_143 = arith.cmpi ne, %convert_element_type3A_141, %cond3A_142 : i32
    scf.if %cond3A_143 {
      %mul3A_144 = arith.constant 128 : i32
      %mul3A_145 = arith.muli %add3A_138, %mul3A_144 : i32
      %run_scoped3A_146 = arith.constant 0 : i32
      "tpu.region"() ({
        %run_scoped3A_150 = tpu.sem_alloc : memref<!tpu.dma_semaphore, #tpu.memory_space<semaphore_mem>>
        %dma_start3A_151 = arith.constant 0 : i32
        %dma_start3A_152 = arith.constant 0 : i32
        %dma_start3A_153 = tpu.memref_slice %arg8[%run_scoped3A_146, %dma_start3A_151, %dma_start3A_152] : memref<2x128x128xf32, #tpu.memory_space<vmem>> -> memref<1x128x128xf32, #tpu.memory_space<vmem>>
        %dma_start3A_154 = tpu.memref_squeeze %dma_start3A_153 : memref<1x128x128xf32, #tpu.memory_space<vmem>> -> memref<128x128xf32, #tpu.memory_space<vmem>>
        %dma_start3A_155 = arith.constant 0 : i32
        %dma_start3A_156 = tpu.memref_slice %arg6[%mul3A_145, %dma_start3A_155] : memref<10112x128xf32, #tpu.memory_space<vmem_shared>> -> memref<128x128xf32, #tpu.memory_space<vmem_shared>>
        %dma_start3A_157 = arith.constant 0 : i32
        %dma_start3A_158 = arith.constant 0 : i32
        %dma_start3A_159 = tpu.memref_slice %arg8[%run_scoped3A_146, %dma_start3A_157, %dma_start3A_158] : memref<2x128x128xf32, #tpu.memory_space<vmem>> -> memref<1x128x128xf32, #tpu.memory_space<vmem>>
        %dma_start3A_160 = tpu.memref_squeeze %dma_start3A_159 : memref<1x128x128xf32, #tpu.memory_space<vmem>> -> memref<128x128xf32, #tpu.memory_space<vmem>>
        %dma_start3A_161 = arith.constant 0 : i32
        %dma_start3A_162 = tpu.memref_slice %arg6[%mul3A_145, %dma_start3A_161] : memref<10112x128xf32, #tpu.memory_space<vmem_shared>> -> memref<128x128xf32, #tpu.memory_space<vmem_shared>>
        tpu.enqueue_dma source(%dma_start3A_162 : memref<128x128xf32, #tpu.memory_space<vmem_shared>>) target(%dma_start3A_160 : memref<128x128xf32, #tpu.memory_space<vmem>>) target_semaphore(%run_scoped3A_150 : memref<!tpu.dma_semaphore, #tpu.memory_space<semaphore_mem>>)
        %dma_wait3A_163 = arith.constant 0 : i32
        %dma_wait3A_164 = arith.constant 0 : i32
        %dma_wait3A_165 = tpu.memref_slice %arg8[%run_scoped3A_146, %dma_wait3A_163, %dma_wait3A_164] : memref<2x128x128xf32, #tpu.memory_space<vmem>> -> memref<1x128x128xf32, #tpu.memory_space<vmem>>
        %dma_wait3A_166 = tpu.memref_squeeze %dma_wait3A_165 : memref<1x128x128xf32, #tpu.memory_space<vmem>> -> memref<128x128xf32, #tpu.memory_space<vmem>>
        %dma_wait3A_167 = arith.constant 0 : i32
        %dma_wait3A_168 = tpu.memref_slice %arg6[%mul3A_145, %dma_wait3A_167] : memref<10112x128xf32, #tpu.memory_space<vmem_shared>> -> memref<128x128xf32, #tpu.memory_space<vmem_shared>>
        %dma_wait3A_169 = arith.constant 0 : i32
        %dma_wait3A_170 = arith.constant 0 : i32
        %dma_wait3A_171 = tpu.memref_slice %arg8[%run_scoped3A_146, %dma_wait3A_169, %dma_wait3A_170] : memref<2x128x128xf32, #tpu.memory_space<vmem>> -> memref<1x128x128xf32, #tpu.memory_space<vmem>>
        %dma_wait3A_172 = tpu.memref_squeeze %dma_wait3A_171 : memref<1x128x128xf32, #tpu.memory_space<vmem>> -> memref<128x128xf32, #tpu.memory_space<vmem>>
        %dma_wait3A_173 = arith.constant 0 : i32
        %dma_wait3A_174 = tpu.memref_slice %arg6[%mul3A_145, %dma_wait3A_173] : memref<10112x128xf32, #tpu.memory_space<vmem_shared>> -> memref<128x128xf32, #tpu.memory_space<vmem_shared>>
        tpu.wait_dma2 semaphore(%run_scoped3A_150 : memref<!tpu.dma_semaphore, #tpu.memory_space<semaphore_mem>>) src(%dma_wait3A_174 : memref<128x128xf32, #tpu.memory_space<vmem_shared>>) dst(%dma_wait3A_172 : memref<128x128xf32, #tpu.memory_space<vmem>>)
        tpu.yield
      }) : () -> ()
      %mul3A_147 = arith.constant 128 : i32
      %mul3A_148 = arith.muli %add3A_138, %mul3A_147 : i32
      %run_scoped3A_149 = arith.constant 0 : i32
      "tpu.region"() ({
        %run_scoped3A_150 = tpu.sem_alloc : memref<!tpu.dma_semaphore, #tpu.memory_space<semaphore_mem>>
        %dma_start3A_151 = arith.constant 0 : i32
        %dma_start3A_152 = arith.constant 0 : i32
        %dma_start3A_153 = tpu.memref_slice %arg8[%run_scoped3A_149, %dma_start3A_151, %dma_start3A_152] : memref<2x128x128xf32, #tpu.memory_space<vmem>> -> memref<1x128x128xf32, #tpu.memory_space<vmem>>
        %dma_start3A_154 = tpu.memref_squeeze %dma_start3A_153 : memref<1x128x128xf32, #tpu.memory_space<vmem>> -> memref<128x128xf32, #tpu.memory_space<vmem>>
        %dma_start3A_155 = arith.constant 0 : i32
        %dma_start3A_156 = tpu.memref_slice %arg5[%arg0, %mul3A_148, %dma_start3A_155] : memref<2x10112x128xf32, #tpu.memory_space<hbm>> -> memref<1x128x128xf32, #tpu.memory_space<hbm>>
        %dma_start3A_157 = tpu.memref_squeeze %dma_start3A_156 : memref<1x128x128xf32, #tpu.memory_space<hbm>> -> memref<128x128xf32, #tpu.memory_space<hbm>>
        %dma_start3A_158 = arith.constant 0 : i32
        %dma_start3A_159 = tpu.memref_slice %arg5[%arg0, %mul3A_148, %dma_start3A_158] : memref<2x10112x128xf32, #tpu.memory_space<hbm>> -> memref<1x128x128xf32, #tpu.memory_space<hbm>>
        %dma_start3A_160 = tpu.memref_squeeze %dma_start3A_159 : memref<1x128x128xf32, #tpu.memory_space<hbm>> -> memref<128x128xf32, #tpu.memory_space<hbm>>
        %dma_start3A_161 = arith.constant 0 : i32
        %dma_start3A_162 = arith.constant 0 : i32
        %dma_start3A_163 = tpu.memref_slice %arg8[%run_scoped3A_149, %dma_start3A_161, %dma_start3A_162] : memref<2x128x128xf32, #tpu.memory_space<vmem>> -> memref<1x128x128xf32, #tpu.memory_space<vmem>>
        %dma_start3A_164 = tpu.memref_squeeze %dma_start3A_163 : memref<1x128x128xf32, #tpu.memory_space<vmem>> -> memref<128x128xf32, #tpu.memory_space<vmem>>
        tpu.enqueue_dma source(%dma_start3A_164 : memref<128x128xf32, #tpu.memory_space<vmem>>) target(%dma_start3A_160 : memref<128x128xf32, #tpu.memory_space<hbm>>) target_semaphore(%run_scoped3A_150 : memref<!tpu.dma_semaphore, #tpu.memory_space<semaphore_mem>>)
        %dma_wait3A_165 = arith.constant 0 : i32
        %dma_wait3A_166 = arith.constant 0 : i32
        %dma_wait3A_167 = tpu.memref_slice %arg8[%run_scoped3A_149, %dma_wait3A_165, %dma_wait3A_166] : memref<2x128x128xf32, #tpu.memory_space<vmem>> -> memref<1x128x128xf32, #tpu.memory_space<vmem>>
        %dma_wait3A_168 = tpu.memref_squeeze %dma_wait3A_167 : memref<1x128x128xf32, #tpu.memory_space<vmem>> -> memref<128x128xf32, #tpu.memory_space<vmem>>
        %dma_wait3A_169 = arith.constant 0 : i32
        %dma_wait3A_170 = tpu.memref_slice %arg5[%arg0, %mul3A_148, %dma_wait3A_169] : memref<2x10112x128xf32, #tpu.memory_space<hbm>> -> memref<1x128x128xf32, #tpu.memory_space<hbm>>
        %dma_wait3A_171 = tpu.memref_squeeze %dma_wait3A_170 : memref<1x128x128xf32, #tpu.memory_space<hbm>> -> memref<128x128xf32, #tpu.memory_space<hbm>>
        %dma_wait3A_172 = arith.constant 0 : i32
        %dma_wait3A_173 = tpu.memref_slice %arg5[%arg0, %mul3A_148, %dma_wait3A_172] : memref<2x10112x128xf32, #tpu.memory_space<hbm>> -> memref<1x128x128xf32, #tpu.memory_space<hbm>>
        %dma_wait3A_174 = tpu.memref_squeeze %dma_wait3A_173 : memref<1x128x128xf32, #tpu.memory_space<hbm>> -> memref<128x128xf32, #tpu.memory_space<hbm>>
        %dma_wait3A_175 = arith.constant 0 : i32
        %dma_wait3A_176 = arith.constant 0 : i32
        %dma_wait3A_177 = tpu.memref_slice %arg8[%run_scoped3A_149, %dma_wait3A_175, %dma_wait3A_176] : memref<2x128x128xf32, #tpu.memory_space<vmem>> -> memref<1x128x128xf32, #tpu.memory_space<vmem>>
        %dma_wait3A_178 = tpu.memref_squeeze %dma_wait3A_177 : memref<1x128x128xf32, #tpu.memory_space<vmem>> -> memref<128x128xf32, #tpu.memory_space<vmem>>
        tpu.wait_dma2 semaphore(%run_scoped3A_150 : memref<!tpu.dma_semaphore, #tpu.memory_space<semaphore_mem>>) src(%dma_wait3A_178 : memref<128x128xf32, #tpu.memory_space<vmem>>) dst(%dma_wait3A_174 : memref<128x128xf32, #tpu.memory_space<hbm>>)
        tpu.yield
      }) : () -> ()
    } else {
    }
    return
  }
}

module attributes {stable_mosaic.version = 14 : i64} {
  func.func @_edge_body(%arg0: i32, %arg1: memref<4096x128xf32, #tpu.memory_space<vmem>>, %arg2: memref<1x1x4096xi32, #tpu.memory_space<vmem>>, %arg3: memref<8x128xf32, #tpu.memory_space<vmem>>, %arg4: memref<128x128xf32, #tpu.memory_space<vmem>>, %arg5: memref<8x128xf32, #tpu.memory_space<vmem>>, %arg6: memref<4096x128xf32, #tpu.memory_space<vmem>>) attributes {dimension_semantics = [#tpu.dimension_semantics<arbitrary>], iteration_bounds = array<i64: 79>, scalar_prefetch = 0 : i64, scratch_operands = 0 : i64, tpu.core_type = #tpu.core_type<tc>, window_params = [{transform_indices = @transform_0, window_bounds = array<i64: 4096, 128>}, {transform_indices = @transform_1, window_bounds = array<i64: 1, 1, 4096>}, {pipeline_mode = #tpu.pipeline_mode<synchronous>, transform_indices = @transform_2, window_bounds = array<i64: 8, 128>}, {pipeline_mode = #tpu.pipeline_mode<synchronous>, transform_indices = @transform_3, window_bounds = array<i64: 128, 128>}, {pipeline_mode = #tpu.pipeline_mode<synchronous>, transform_indices = @transform_4, window_bounds = array<i64: 8, 128>}, {transform_indices = @transform_5, window_bounds = array<i64: 4096, 128>}]} {
    %get3A = arith.constant 0 : index
    %get3A_0 = arith.constant 0 : index
    %get3A_1 = arith.constant 0 : index
    %get3A_2 = vector.load %arg2[%get3A, %get3A_0, %get3A_1] : memref<1x1x4096xi32, #tpu.memory_space<vmem>>, vector<1x1x4096xi32>
    %get3A_3 = vector.shape_cast %get3A_2 : vector<1x1x4096xi32> to vector<4096xi32>
    %broadcast_in_dim3A = vector.shape_cast %get3A_3 : vector<4096xi32> to vector<4096x1xi32>
    %iota3A = tpu.iota {dimensions = array<i32: 1>} : vector<1x8xi32>
    %eq3A = vector.broadcast %broadcast_in_dim3A : vector<4096x1xi32> to vector<4096x8xi32>
    %eq3A_4 = vector.broadcast %iota3A : vector<1x8xi32> to vector<4096x8xi32>
    %eq3A_5 = arith.cmpi eq, %eq3A, %eq3A_4 : vector<4096x8xi32>
    %convert_element_type3A = arith.extui %eq3A_5 : vector<4096x8xi1> to vector<4096x8xi32>
    %convert_element_type3A_6 = arith.sitofp %convert_element_type3A : vector<4096x8xi32> to vector<4096x8xf32>
    %get3A_7 = arith.constant 0 : index
    %get3A_8 = arith.constant 0 : index
    %get3A_9 = vector.load %arg1[%get3A_7, %get3A_8] : memref<4096x128xf32, #tpu.memory_space<vmem>>, vector<4096x128xf32>
    %get3A_10 = arith.constant 0 : index
    %get3A_11 = arith.constant 0 : index
    %get3A_12 = vector.load %arg3[%get3A_10, %get3A_11] : memref<8x128xf32, #tpu.memory_space<vmem>>, vector<8x128xf32>
    %dot_general3A = arith.constant dense<0.000000e+00> : vector<4096x128xf32>
    %dot_general3A_13 = tpu.matmul %convert_element_type3A_6, %get3A_12, %dot_general3A {dimension_numbers = #tpu.dot_dimension_numbers<[1], [0], [0], [1], [0, 0, 1, 1], [], []>, transpose_lhs_hint = false} : vector<4096x8xf32>, vector<8x128xf32>, vector<4096x128xf32> -> vector<4096x128xf32>
    %add3A = arith.addf %get3A_9, %dot_general3A_13 : vector<4096x128xf32>
    %logistic3A = arith.negf %add3A : vector<4096x128xf32>
    %logistic3A_14 = math.exp %logistic3A : vector<4096x128xf32>
    %logistic3A_15 = arith.constant 1.000000e+00 : f32
    %logistic3A_16 = vector.broadcast %logistic3A_15 : f32 to vector<4096x128xf32>
    %logistic3A_17 = arith.addf %logistic3A_16, %logistic3A_14 : vector<4096x128xf32>
    %logistic3A_18 = arith.divf %logistic3A_16, %logistic3A_17 : vector<4096x128xf32>
    %mul3A = arith.mulf %add3A, %logistic3A_18 : vector<4096x128xf32>
    %get3A_19 = arith.constant 0 : index
    %get3A_20 = arith.constant 0 : index
    %get3A_21 = vector.load %arg4[%get3A_19, %get3A_20] : memref<128x128xf32, #tpu.memory_space<vmem>>, vector<128x128xf32>
    %dot_general3A_22 = arith.constant dense<0.000000e+00> : vector<4096x128xf32>
    %dot_general3A_23 = tpu.matmul %mul3A, %get3A_21, %dot_general3A_22 {dimension_numbers = #tpu.dot_dimension_numbers<[1], [0], [0], [1], [0, 0, 1, 1], [], []>, transpose_lhs_hint = false} : vector<4096x128xf32>, vector<128x128xf32>, vector<4096x128xf32> -> vector<4096x128xf32>
    %get3A_24 = arith.constant 0 : index
    %get3A_25 = arith.constant 0 : index
    %get3A_26 = vector.load %arg5[%get3A_24, %get3A_25] : memref<8x128xf32, #tpu.memory_space<vmem>>, vector<1x128xf32>
    %add3A_27 = vector.broadcast %get3A_26 : vector<1x128xf32> to vector<4096x128xf32>
    %add3A_28 = arith.addf %dot_general3A_23, %add3A_27 : vector<4096x128xf32>
    %logistic3A_29 = arith.negf %add3A_28 : vector<4096x128xf32>
    %logistic3A_30 = math.exp %logistic3A_29 : vector<4096x128xf32>
    %logistic3A_31 = arith.constant 1.000000e+00 : f32
    %logistic3A_32 = vector.broadcast %logistic3A_31 : f32 to vector<4096x128xf32>
    %logistic3A_33 = arith.addf %logistic3A_32, %logistic3A_30 : vector<4096x128xf32>
    %logistic3A_34 = arith.divf %logistic3A_32, %logistic3A_33 : vector<4096x128xf32>
    %mul3A_35 = arith.mulf %add3A_28, %logistic3A_34 : vector<4096x128xf32>
    %swap3A = arith.constant 0 : index
    %swap3A_36 = arith.constant 0 : index
    %swap3A_37 = vector.load %arg6[%swap3A, %swap3A_36] : memref<4096x128xf32, #tpu.memory_space<vmem>>, vector<4096x128xf32>
    tpu.vector_store %arg6[%swap3A, %swap3A_36], %mul3A_35 {strides = array<i32>} : memref<4096x128xf32, #tpu.memory_space<vmem>>, vector<4096x128xf32>,
    return
  }
  func.func @transform_0(%arg0: i32) -> (i32, i32) {
    %c0_i32 = arith.constant 0 : i32
    %c0_i32_0 = arith.constant 0 : i32
    return %arg0, %c0_i32 : i32, i32
  }
  func.func @transform_1(%arg0: i32) -> (i32, i32, i32) {
    %c0_i32 = arith.constant 0 : i32
    %c0_i32_0 = arith.constant 0 : i32
    %c0_i32_1 = arith.constant 0 : i32
    return %arg0, %c0_i32, %c0_i32_0 : i32, i32, i32
  }
  func.func @transform_2(%arg0: i32) -> (i32, i32) {
    %c0_i32 = arith.constant 0 : i32
    %c0_i32_0 = arith.constant 0 : i32
    %c0_i32_1 = arith.constant 0 : i32
    return %c0_i32, %c0_i32_0 : i32, i32
  }
  func.func @transform_3(%arg0: i32) -> (i32, i32) {
    %c0_i32 = arith.constant 0 : i32
    %c0_i32_0 = arith.constant 0 : i32
    %c0_i32_1 = arith.constant 0 : i32
    return %c0_i32, %c0_i32_0 : i32, i32
  }
  func.func @transform_4(%arg0: i32) -> (i32, i32) {
    %c0_i32 = arith.constant 0 : i32
    %c0_i32_0 = arith.constant 0 : i32
    %c0_i32_1 = arith.constant 0 : i32
    return %c0_i32, %c0_i32_0 : i32, i32
  }
  func.func @transform_5(%arg0: i32) -> (i32, i32) {
    %c0_i32 = arith.constant 0 : i32
    %c0_i32_0 = arith.constant 0 : i32
    return %arg0, %c0_i32 : i32, i32
  }
}

module attributes {stable_mosaic.version = 14 : i64} {
  func.func @_prep_body(%arg0: memref<10000x128xf32, #tpu.memory_space<vmem>>, %arg1: memref<10000x1xi32, #tpu.memory_space<vmem>>, %arg2: memref<10000x1xi32, #tpu.memory_space<vmem>>, %arg3: memref<8x16xf32, #tpu.memory_space<vmem>>, %arg4: memref<8x8xf32, #tpu.memory_space<vmem>>, %arg5: memref<8x8xf32, #tpu.memory_space<vmem>>, %arg6: memref<304x128xf32, #tpu.memory_space<vmem>>, %arg7: memref<1x128xf32, #tpu.memory_space<vmem>>, %arg8: memref<272x128xf32, #tpu.memory_space<vmem>>, %arg9: memref<1x128xf32, #tpu.memory_space<vmem>>, %arg10: memref<10000x128xf32, #tpu.memory_space<vmem>>, %arg11: memref<10000x128xf32, #tpu.memory_space<vmem>>, %arg12: memref<8x128xf32, #tpu.memory_space<vmem>>, %arg13: memref<10000x128xf32, #tpu.memory_space<vmem>>) attributes {dimension_semantics = [], scalar_prefetch = 0 : i64, scratch_operands = 0 : i64, tpu.core_type = #tpu.core_type<tc>} {
    %get3A = arith.constant 0 : index
    %get3A_0 = arith.constant 0 : index
    %get3A_1 = vector.load %arg0[%get3A, %get3A_0] : memref<10000x128xf32, #tpu.memory_space<vmem>>, vector<10000x128xf32>
    %iota3A = tpu.iota {dimensions = array<i32: 1>} : vector<1x8xi32>
    %get3A_2 = arith.constant 0 : index
    %get3A_3 = arith.constant 0 : index
    %get3A_4 = vector.load %arg1[%get3A_2, %get3A_3] : memref<10000x1xi32, #tpu.memory_space<vmem>>, vector<10000x1xi32>
    %eq3A = vector.broadcast %get3A_4 : vector<10000x1xi32> to vector<10000x8xi32>
    %eq3A_5 = vector.broadcast %iota3A : vector<1x8xi32> to vector<10000x8xi32>
    %eq3A_6 = arith.cmpi eq, %eq3A, %eq3A_5 : vector<10000x8xi32>
    %convert_element_type3A = arith.extui %eq3A_6 : vector<10000x8xi1> to vector<10000x8xi32>
    %convert_element_type3A_7 = arith.sitofp %convert_element_type3A : vector<10000x8xi32> to vector<10000x8xf32>
    %get3A_8 = arith.constant 0 : index
    %get3A_9 = arith.constant 0 : index
    %get3A_10 = vector.load %arg2[%get3A_8, %get3A_9] : memref<10000x1xi32, #tpu.memory_space<vmem>>, vector<10000x1xi32>
    %eq3A_11 = vector.broadcast %get3A_10 : vector<10000x1xi32> to vector<10000x8xi32>
    %eq3A_12 = vector.broadcast %iota3A : vector<1x8xi32> to vector<10000x8xi32>
    %eq3A_13 = arith.cmpi eq, %eq3A_11, %eq3A_12 : vector<10000x8xi32>
    %convert_element_type3A_14 = arith.extui %eq3A_13 : vector<10000x8xi1> to vector<10000x8xi32>
    %convert_element_type3A_15 = arith.sitofp %convert_element_type3A_14 : vector<10000x8xi32> to vector<10000x8xf32>
    %get3A_16 = arith.constant 0 : index
    %get3A_17 = arith.constant 0 : index
    %get3A_18 = vector.load %arg4[%get3A_16, %get3A_17] : memref<8x8xf32, #tpu.memory_space<vmem>>, vector<8x8xf32>
    %get3A_19 = arith.constant 0 : index
    %get3A_20 = arith.constant 0 : index
    %get3A_21 = vector.load %arg5[%get3A_19, %get3A_20] : memref<8x8xf32, #tpu.memory_space<vmem>>, vector<8x8xf32>
    %get3A_22 = arith.constant 0 : index
    %get3A_23 = arith.constant 0 : index
    %get3A_24 = vector.load %arg6[%get3A_22, %get3A_23] : memref<304x128xf32, #tpu.memory_space<vmem>>, vector<128x128xf32>
    %dot_general3A = arith.constant dense<0.000000e+00> : vector<10000x128xf32>
    %dot_general3A_25 = tpu.matmul %get3A_1, %get3A_24, %dot_general3A {dimension_numbers = #tpu.dot_dimension_numbers<[1], [0], [0], [1], [0, 0, 1, 1], [], []>, transpose_lhs_hint = false} : vector<10000x128xf32>, vector<128x128xf32>, vector<10000x128xf32> -> vector<10000x128xf32>
    %get3A_26 = arith.constant 272 : index
    %get3A_27 = arith.constant 0 : index
    %get3A_28 = vector.load %arg6[%get3A_26, %get3A_27] : memref<304x128xf32, #tpu.memory_space<vmem>>, vector<8x128xf32>
    %dot_general3A_29 = arith.constant dense<0.000000e+00> : vector<8x128xf32>
    %dot_general3A_30 = tpu.matmul %get3A_18, %get3A_28, %dot_general3A_29 {dimension_numbers = #tpu.dot_dimension_numbers<[1], [0], [0], [1], [0, 0, 1, 1], [], []>, transpose_lhs_hint = false} : vector<8x8xf32>, vector<8x128xf32>, vector<8x128xf32> -> vector<8x128xf32>
    %dot_general3A_31 = arith.constant dense<0.000000e+00> : vector<10000x128xf32>
    %dot_general3A_32 = tpu.matmul %convert_element_type3A_7, %dot_general3A_30, %dot_general3A_31 {dimension_numbers = #tpu.dot_dimension_numbers<[1], [0], [0], [1], [0, 0, 1, 1], [], []>, transpose_lhs_hint = false} : vector<10000x8xf32>, vector<8x128xf32>, vector<10000x128xf32> -> vector<10000x128xf32>
    %add3A = arith.addf %dot_general3A_25, %dot_general3A_32 : vector<10000x128xf32>
    %get3A_33 = arith.constant 288 : index
    %get3A_34 = arith.constant 0 : index
    %get3A_35 = vector.load %arg6[%get3A_33, %get3A_34] : memref<304x128xf32, #tpu.memory_space<vmem>>, vector<8x128xf32>
    %dot_general3A_36 = arith.constant dense<0.000000e+00> : vector<8x128xf32>
    %dot_general3A_37 = tpu.matmul %get3A_21, %get3A_35, %dot_general3A_36 {dimension_numbers = #tpu.dot_dimension_numbers<[1], [0], [0], [1], [0, 0, 1, 1], [], []>, transpose_lhs_hint = false} : vector<8x8xf32>, vector<8x128xf32>, vector<8x128xf32> -> vector<8x128xf32>
    %dot_general3A_38 = arith.constant dense<0.000000e+00> : vector<10000x128xf32>
    %dot_general3A_39 = tpu.matmul %convert_element_type3A_15, %dot_general3A_37, %dot_general3A_38 {dimension_numbers = #tpu.dot_dimension_numbers<[1], [0], [0], [1], [0, 0, 1, 1], [], []>, transpose_lhs_hint = false} : vector<10000x8xf32>, vector<8x128xf32>, vector<10000x128xf32> -> vector<10000x128xf32>
    %add3A_40 = arith.addf %add3A, %dot_general3A_39 : vector<10000x128xf32>
    %get3A_41 = arith.constant 128 : index
    %get3A_42 = arith.constant 0 : index
    %get3A_43 = vector.load %arg6[%get3A_41, %get3A_42] : memref<304x128xf32, #tpu.memory_space<vmem>>, vector<128x128xf32>
    %dot_general3A_44 = arith.constant dense<0.000000e+00> : vector<10000x128xf32>
    %dot_general3A_45 = tpu.matmul %get3A_1, %get3A_43, %dot_general3A_44 {dimension_numbers = #tpu.dot_dimension_numbers<[1], [0], [0], [1], [0, 0, 1, 1], [], []>, transpose_lhs_hint = false} : vector<10000x128xf32>, vector<128x128xf32>, vector<10000x128xf32> -> vector<10000x128xf32>
    %get3A_46 = arith.constant 280 : index
    %get3A_47 = arith.constant 0 : index
    %get3A_48 = vector.load %arg6[%get3A_46, %get3A_47] : memref<304x128xf32, #tpu.memory_space<vmem>>, vector<8x128xf32>
    %dot_general3A_49 = arith.constant dense<0.000000e+00> : vector<8x128xf32>
    %dot_general3A_50 = tpu.matmul %get3A_18, %get3A_48, %dot_general3A_49 {dimension_numbers = #tpu.dot_dimension_numbers<[1], [0], [0], [1], [0, 0, 1, 1], [], []>, transpose_lhs_hint = false} : vector<8x8xf32>, vector<8x128xf32>, vector<8x128xf32> -> vector<8x128xf32>
    %dot_general3A_51 = arith.constant dense<0.000000e+00> : vector<10000x128xf32>
    %dot_general3A_52 = tpu.matmul %convert_element_type3A_7, %dot_general3A_50, %dot_general3A_51 {dimension_numbers = #tpu.dot_dimension_numbers<[1], [0], [0], [1], [0, 0, 1, 1], [], []>, transpose_lhs_hint = false} : vector<10000x8xf32>, vector<8x128xf32>, vector<10000x128xf32> -> vector<10000x128xf32>
    %add3A_53 = arith.addf %dot_general3A_45, %dot_general3A_52 : vector<10000x128xf32>
    %get3A_54 = arith.constant 296 : index
    %get3A_55 = arith.constant 0 : index
    %get3A_56 = vector.load %arg6[%get3A_54, %get3A_55] : memref<304x128xf32, #tpu.memory_space<vmem>>, vector<8x128xf32>
    %dot_general3A_57 = arith.constant dense<0.000000e+00> : vector<8x128xf32>
    %dot_general3A_58 = tpu.matmul %get3A_21, %get3A_56, %dot_general3A_57 {dimension_numbers = #tpu.dot_dimension_numbers<[1], [0], [0], [1], [0, 0, 1, 1], [], []>, transpose_lhs_hint = false} : vector<8x8xf32>, vector<8x128xf32>, vector<8x128xf32> -> vector<8x128xf32>
    %dot_general3A_59 = arith.constant dense<0.000000e+00> : vector<10000x128xf32>
    %dot_general3A_60 = tpu.matmul %convert_element_type3A_15, %dot_general3A_58, %dot_general3A_59 {dimension_numbers = #tpu.dot_dimension_numbers<[1], [0], [0], [1], [0, 0, 1, 1], [], []>, transpose_lhs_hint = false} : vector<10000x8xf32>, vector<8x128xf32>, vector<10000x128xf32> -> vector<10000x128xf32>
    %add3A_61 = arith.addf %add3A_53, %dot_general3A_60 : vector<10000x128xf32>
    %swap3A = arith.constant 0 : index
    %swap3A_62 = arith.constant 0 : index
    %swap3A_63 = vector.load %arg10[%swap3A, %swap3A_62] : memref<10000x128xf32, #tpu.memory_space<vmem>>, vector<10000x128xf32>
    tpu.vector_store %arg10[%swap3A, %swap3A_62], %add3A_40 {strides = array<i32>} : memref<10000x128xf32, #tpu.memory_space<vmem>>, vector<10000x128xf32>,
    %swap3A_64 = arith.constant 0 : index
    %swap3A_65 = arith.constant 0 : index
    %swap3A_66 = vector.load %arg11[%swap3A_64, %swap3A_65] : memref<10000x128xf32, #tpu.memory_space<vmem>>, vector<10000x128xf32>
    tpu.vector_store %arg11[%swap3A_64, %swap3A_65], %add3A_61 {strides = array<i32>} : memref<10000x128xf32, #tpu.memory_space<vmem>>, vector<10000x128xf32>,
    %get3A_67 = arith.constant 0 : index
    %get3A_68 = arith.constant 0 : index
    %get3A_69 = vector.load %arg3[%get3A_67, %get3A_68] : memref<8x16xf32, #tpu.memory_space<vmem>>, vector<8x16xf32>
    %get3A_70 = arith.constant 256 : index
    %get3A_71 = arith.constant 0 : index
    %get3A_72 = vector.load %arg6[%get3A_70, %get3A_71] : memref<304x128xf32, #tpu.memory_space<vmem>>, vector<16x128xf32>
    %dot_general3A_73 = arith.constant dense<0.000000e+00> : vector<8x128xf32>
    %dot_general3A_74 = tpu.matmul %get3A_69, %get3A_72, %dot_general3A_73 {dimension_numbers = #tpu.dot_dimension_numbers<[1], [0], [0], [1], [0, 0, 1, 1], [], []>, transpose_lhs_hint = false} : vector<8x16xf32>, vector<16x128xf32>, vector<8x128xf32> -> vector<8x128xf32>
    %get3A_75 = arith.constant 0 : index
    %get3A_76 = arith.constant 0 : index
    %get3A_77 = vector.load %arg7[%get3A_75, %get3A_76] : memref<1x128xf32, #tpu.memory_space<vmem>>, vector<1x128xf32>
    %add3A_78 = vector.broadcast %get3A_77 : vector<1x128xf32> to vector<8x128xf32>
    %add3A_79 = arith.addf %dot_general3A_74, %add3A_78 : vector<8x128xf32>
    %swap3A_80 = arith.constant 0 : index
    %swap3A_81 = arith.constant 0 : index
    %swap3A_82 = vector.load %arg12[%swap3A_80, %swap3A_81] : memref<8x128xf32, #tpu.memory_space<vmem>>, vector<8x128xf32>
    tpu.vector_store %arg12[%swap3A_80, %swap3A_81], %add3A_79 {strides = array<i32>} : memref<8x128xf32, #tpu.memory_space<vmem>>, vector<8x128xf32>,
    %get3A_83 = arith.constant 256 : index
    %get3A_84 = arith.constant 0 : index
    %get3A_85 = vector.load %arg8[%get3A_83, %get3A_84] : memref<272x128xf32, #tpu.memory_space<vmem>>, vector<8x128xf32>
    %dot_general3A_86 = arith.constant dense<0.000000e+00> : vector<8x128xf32>
    %dot_general3A_87 = tpu.matmul %get3A_18, %get3A_85, %dot_general3A_86 {dimension_numbers = #tpu.dot_dimension_numbers<[1], [0], [0], [1], [0, 0, 1, 1], [], []>, transpose_lhs_hint = false} : vector<8x8xf32>, vector<8x128xf32>, vector<8x128xf32> -> vector<8x128xf32>
    %dot_general3A_88 = arith.constant dense<0.000000e+00> : vector<10000x128xf32>
    %dot_general3A_89 = tpu.matmul %convert_element_type3A_7, %dot_general3A_87, %dot_general3A_88 {dimension_numbers = #tpu.dot_dimension_numbers<[1], [0], [0], [1], [0, 0, 1, 1], [], []>, transpose_lhs_hint = false} : vector<10000x8xf32>, vector<8x128xf32>, vector<10000x128xf32> -> vector<10000x128xf32>
    %get3A_90 = arith.constant 264 : index
    %get3A_91 = arith.constant 0 : index
    %get3A_92 = vector.load %arg8[%get3A_90, %get3A_91] : memref<272x128xf32, #tpu.memory_space<vmem>>, vector<8x128xf32>
    %dot_general3A_93 = arith.constant dense<0.000000e+00> : vector<8x128xf32>
    %dot_general3A_94 = tpu.matmul %get3A_21, %get3A_92, %dot_general3A_93 {dimension_numbers = #tpu.dot_dimension_numbers<[1], [0], [0], [1], [0, 0, 1, 1], [], []>, transpose_lhs_hint = false} : vector<8x8xf32>, vector<8x128xf32>, vector<8x128xf32> -> vector<8x128xf32>
    %dot_general3A_95 = arith.constant dense<0.000000e+00> : vector<10000x128xf32>
    %dot_general3A_96 = tpu.matmul %convert_element_type3A_15, %dot_general3A_94, %dot_general3A_95 {dimension_numbers = #tpu.dot_dimension_numbers<[1], [0], [0], [1], [0, 0, 1, 1], [], []>, transpose_lhs_hint = false} : vector<10000x8xf32>, vector<8x128xf32>, vector<10000x128xf32> -> vector<10000x128xf32>
    %add3A_97 = arith.addf %dot_general3A_89, %dot_general3A_96 : vector<10000x128xf32>
    %get3A_98 = arith.constant 0 : index
    %get3A_99 = arith.constant 0 : index
    %get3A_100 = vector.load %arg9[%get3A_98, %get3A_99] : memref<1x128xf32, #tpu.memory_space<vmem>>, vector<1x128xf32>
    %add3A_101 = vector.broadcast %get3A_100 : vector<1x128xf32> to vector<10000x128xf32>
    %add3A_102 = arith.addf %add3A_97, %add3A_101 : vector<10000x128xf32>
    %swap3A_103 = arith.constant 0 : index
    %swap3A_104 = arith.constant 0 : index
    %swap3A_105 = vector.load %arg13[%swap3A_103, %swap3A_104] : memref<10000x128xf32, #tpu.memory_space<vmem>>, vector<10000x128xf32>
    tpu.vector_store %arg13[%swap3A_103, %swap3A_104], %add3A_102 {strides = array<i32>} : memref<10000x128xf32, #tpu.memory_space<vmem>>, vector<10000x128xf32>,
    return
  }
}

module attributes {stable_mosaic.version = 14 : i64} {
  func.func @_node_body(%arg0: memref<10000x128xf32, #tpu.memory_space<vmem>>, %arg1: memref<2x10112x128xf32, #tpu.memory_space<vmem>>, %arg2: memref<10000x128xf32, #tpu.memory_space<vmem>>, %arg3: memref<272x128xf32, #tpu.memory_space<vmem>>, %arg4: memref<128x128xf32, #tpu.memory_space<vmem>>, %arg5: memref<1x128xf32, #tpu.memory_space<vmem>>, %arg6: memref<1x128xf32, #tpu.memory_space<vmem>>, %arg7: memref<1x128xf32, #tpu.memory_space<vmem>>, %arg8: memref<10000x128xf32, #tpu.memory_space<vmem>>) attributes {dimension_semantics = [], scalar_prefetch = 0 : i64, scratch_operands = 0 : i64, tpu.core_type = #tpu.core_type<tc>} {
    %get3A = arith.constant 0 : index
    %get3A_0 = arith.constant 0 : index
    %get3A_1 = vector.load %arg0[%get3A, %get3A_0] : memref<10000x128xf32, #tpu.memory_space<vmem>>, vector<10000x128xf32>
    %get3A_2 = arith.constant 0 : index
    %get3A_3 = arith.constant 0 : index
    %get3A_4 = arith.constant 0 : index
    %get3A_5 = vector.load %arg1[%get3A_2, %get3A_3, %get3A_4] : memref<2x10112x128xf32, #tpu.memory_space<vmem>>, vector<1x10000x128xf32>
    %get3A_6 = vector.shape_cast %get3A_5 : vector<1x10000x128xf32> to vector<10000x128xf32>
    %get3A_7 = arith.constant 1 : index
    %get3A_8 = arith.constant 0 : index
    %get3A_9 = arith.constant 0 : index
    %get3A_10 = vector.load %arg1[%get3A_7, %get3A_8, %get3A_9] : memref<2x10112x128xf32, #tpu.memory_space<vmem>>, vector<1x10000x128xf32>
    %get3A_11 = vector.shape_cast %get3A_10 : vector<1x10000x128xf32> to vector<10000x128xf32>
    %add3A = arith.addf %get3A_6, %get3A_11 : vector<10000x128xf32>
    %get3A_12 = arith.constant 0 : index
    %get3A_13 = arith.constant 0 : index
    %get3A_14 = vector.load %arg3[%get3A_12, %get3A_13] : memref<272x128xf32, #tpu.memory_space<vmem>>, vector<128x128xf32>
    %dot_general3A = arith.constant dense<0.000000e+00> : vector<10000x128xf32>
    %dot_general3A_15 = tpu.matmul %get3A_1, %get3A_14, %dot_general3A {dimension_numbers = #tpu.dot_dimension_numbers<[1], [0], [0], [1], [0, 0, 1, 1], [], []>, transpose_lhs_hint = false} : vector<10000x128xf32>, vector<128x128xf32>, vector<10000x128xf32> -> vector<10000x128xf32>
    %get3A_16 = arith.constant 128 : index
    %get3A_17 = arith.constant 0 : index
    %get3A_18 = vector.load %arg3[%get3A_16, %get3A_17] : memref<272x128xf32, #tpu.memory_space<vmem>>, vector<128x128xf32>
    %dot_general3A_19 = arith.constant dense<0.000000e+00> : vector<10000x128xf32>
    %dot_general3A_20 = tpu.matmul %add3A, %get3A_18, %dot_general3A_19 {dimension_numbers = #tpu.dot_dimension_numbers<[1], [0], [0], [1], [0, 0, 1, 1], [], []>, transpose_lhs_hint = false} : vector<10000x128xf32>, vector<128x128xf32>, vector<10000x128xf32> -> vector<10000x128xf32>
    %add3A_21 = arith.addf %dot_general3A_15, %dot_general3A_20 : vector<10000x128xf32>
    %get3A_22 = arith.constant 0 : index
    %get3A_23 = arith.constant 0 : index
    %get3A_24 = vector.load %arg2[%get3A_22, %get3A_23] : memref<10000x128xf32, #tpu.memory_space<vmem>>, vector<10000x128xf32>
    %add3A_25 = arith.addf %add3A_21, %get3A_24 : vector<10000x128xf32>
    %logistic3A = arith.negf %add3A_25 : vector<10000x128xf32>
    %logistic3A_26 = math.exp %logistic3A : vector<10000x128xf32>
    %logistic3A_27 = arith.constant 1.000000e+00 : f32
    %logistic3A_28 = vector.broadcast %logistic3A_27 : f32 to vector<10000x128xf32>
    %logistic3A_29 = arith.addf %logistic3A_28, %logistic3A_26 : vector<10000x128xf32>
    %logistic3A_30 = arith.divf %logistic3A_28, %logistic3A_29 : vector<10000x128xf32>
    %mul3A = arith.mulf %add3A_25, %logistic3A_30 : vector<10000x128xf32>
    %get3A_31 = arith.constant 0 : index
    %get3A_32 = arith.constant 0 : index
    %get3A_33 = vector.load %arg4[%get3A_31, %get3A_32] : memref<128x128xf32, #tpu.memory_space<vmem>>, vector<128x128xf32>
    %dot_general3A_34 = arith.constant dense<0.000000e+00> : vector<10000x128xf32>
    %dot_general3A_35 = tpu.matmul %mul3A, %get3A_33, %dot_general3A_34 {dimension_numbers = #tpu.dot_dimension_numbers<[1], [0], [0], [1], [0, 0, 1, 1], [], []>, transpose_lhs_hint = false} : vector<10000x128xf32>, vector<128x128xf32>, vector<10000x128xf32> -> vector<10000x128xf32>
    %get3A_36 = arith.constant 0 : index
    %get3A_37 = arith.constant 0 : index
    %get3A_38 = vector.load %arg5[%get3A_36, %get3A_37] : memref<1x128xf32, #tpu.memory_space<vmem>>, vector<1x128xf32>
    %add3A_39 = vector.broadcast %get3A_38 : vector<1x128xf32> to vector<10000x128xf32>
    %add3A_40 = arith.addf %dot_general3A_35, %add3A_39 : vector<10000x128xf32>
    %add3A_41 = arith.addf %get3A_1, %add3A_40 : vector<10000x128xf32>
    %reduce_sum3A = arith.constant dense<0.000000e+00> : vector<10000xf32>
    %reduce_sum3A_42 = vector.multi_reduction <add>, %add3A_41, %reduce_sum3A [1] : vector<10000x128xf32> to vector<10000xf32>
    %broadcast_in_dim3A = vector.shape_cast %reduce_sum3A_42 : vector<10000xf32> to vector<10000x1xf32>
    %div3A = arith.constant 1.280000e+02 : f32
    %div3A_43 = vector.broadcast %div3A : f32 to vector<10000x1xf32>
    %div3A_44 = arith.divf %broadcast_in_dim3A, %div3A_43 : vector<10000x1xf32>
    %sub3A = vector.broadcast %div3A_44 : vector<10000x1xf32> to vector<10000x128xf32>
    %sub3A_45 = arith.subf %add3A_41, %sub3A : vector<10000x128xf32>
    %mul3A_46 = arith.mulf %sub3A_45, %sub3A_45 : vector<10000x128xf32>
    %reduce_sum3A_47 = arith.constant dense<0.000000e+00> : vector<10000xf32>
    %reduce_sum3A_48 = vector.multi_reduction <add>, %mul3A_46, %reduce_sum3A_47 [1] : vector<10000x128xf32> to vector<10000xf32>
    %broadcast_in_dim3A_49 = vector.shape_cast %reduce_sum3A_48 : vector<10000xf32> to vector<10000x1xf32>
    %div3A_50 = arith.constant 1.280000e+02 : f32
    %div3A_51 = vector.broadcast %div3A_50 : f32 to vector<10000x1xf32>
    %div3A_52 = arith.divf %broadcast_in_dim3A_49, %div3A_51 : vector<10000x1xf32>
    %add3A_53 = arith.constant 9.99999974E-6 : f32
    %add3A_54 = vector.broadcast %add3A_53 : f32 to vector<10000x1xf32>
    %add3A_55 = arith.addf %div3A_52, %add3A_54 : vector<10000x1xf32>
    %rsqrt3A = math.rsqrt %add3A_55 : vector<10000x1xf32>
    %mul3A_56 = vector.broadcast %rsqrt3A : vector<10000x1xf32> to vector<10000x128xf32>
    %mul3A_57 = arith.mulf %sub3A_45, %mul3A_56 : vector<10000x128xf32>
    %get3A_58 = arith.constant 0 : index
    %get3A_59 = arith.constant 0 : index
    %get3A_60 = vector.load %arg6[%get3A_58, %get3A_59] : memref<1x128xf32, #tpu.memory_space<vmem>>, vector<1x128xf32>
    %mul3A_61 = vector.broadcast %get3A_60 : vector<1x128xf32> to vector<10000x128xf32>
    %mul3A_62 = arith.mulf %mul3A_57, %mul3A_61 : vector<10000x128xf32>
    %get3A_63 = arith.constant 0 : index
    %get3A_64 = arith.constant 0 : index
    %get3A_65 = vector.load %arg7[%get3A_63, %get3A_64] : memref<1x128xf32, #tpu.memory_space<vmem>>, vector<1x128xf32>
    %add3A_66 = vector.broadcast %get3A_65 : vector<1x128xf32> to vector<10000x128xf32>
    %add3A_67 = arith.addf %mul3A_62, %add3A_66 : vector<10000x128xf32>
    %swap3A = arith.constant 0 : index
    %swap3A_68 = arith.constant 0 : index
    %swap3A_69 = vector.load %arg8[%swap3A, %swap3A_68] : memref<10000x128xf32, #tpu.memory_space<vmem>>, vector<10000x128xf32>
    tpu.vector_store %arg8[%swap3A, %swap3A_68], %add3A_67 {strides = array<i32>} : memref<10000x128xf32, #tpu.memory_space<vmem>>, vector<10000x128xf32>,
    return
  }
}

</mosaic_0001>

<sc_bundles>
// kernel: kernel.10.cloned.1.call-start
scs
__scs_entry_jumppad:
0x0: {  	(pc) =	sbr.rel $0x88, $3  }
0x1: {  	(tag) =	ssettag $0x0;
	lr =	simm.s32 $0x1  }
0x2: {  	[smem:$0x3F8F] =	sst lr;
	_ =	strace $0xD0000000  }
0x3: {  	_ = 	snop  }
0x4: {  	_ = 	snop  }
0x5: {  	_ = 	snop  }
0x6: {  	_ = 	snop  }
0x7: {  	_ = 	snop  }
__scs_overlays_trampoline_lowered:
0x8: {  	[smem:$0x3F9E] =	sst s0  }
0x9: {  	[smem:$0x3F9F] =	sst s1  }
0xa: {  	[smem:$0x3FA0] =	sst s2  }
0xb: {  	[smem:$0x3FA1] =	sst s3  }
0xc: {  	[smem:$0x3FA2] =	sst s4  }
0xd: {  	[smem:$0x3FA3] =	sst s5  }
0xe: {  	[smem:$0x3FA4] =	sst s6  }
0xf: {  	[smem:$0x3FA5] =	sst s7  }
0x10: {  	[smem:$0x3FA6] =	sst s8  }
0x11: {  	[smem:$0x3FA7] =	sst s9;
	s0 =	simm.s32 @!p0 $0x0  }
0x12: {  	s1 =	sld [smem:$0x3F8D];
	s0 =	simm.s32 @p0 $0x1  }
0x13: {  	[smem:$0x3FA8] =	sst s0;
	s0 =	simm.s32 @!p1 $0x0  }
0x14: {  	s2 =	sld [smem:$0x3F8C];
	s0 =	simm.s32 @p1 $0x1  }
0x15: {  	[smem:$0x3FA9] =	sst s0;
	s0 =	simm.s32 @!p2 $0x0  }
0x16: {  	s3 =	sld [smem:$0x3FDB];
	s0 =	simm.s32 @p2 $0x1  }
0x17: {  	s4 =	simm.s32 $0x1BF5;
	[smem:$0x3FAB] =	sst s0  }
0x18: {  	s0 =	sld [smem:$0x3F8E];
	_ =	swait.ge [sflag:s4], $0x0  }
0x19: {  	s7 =	sld [smem:$0x3F8F]  }
0x1a: {  	s8 =	sadd.s32 $0xFFFFE003, lr  }
0x1b: {  	s9 =	sadd.s32 $0xFFFFFEF7, lr;
	s5 =	simm.s32 $0xFFFFFFFF;
	p2 =	slt.u32 s8, $0xFFFFF086  }
0x1c: {  	p1 =	slt.u32 s9, $0xF7A;
	s5 =	simm.s32 @!p2 $0x0  }
0x1d: {  	s5 =	simm.s32 @p1 $0x1;
	p0 =	seq.s32 s7, s2  }
0x1e: {  	s7 =	smul.u32 @!p0 $0xF7A, s2;
	p2 =	seq.s32 @!p0 s5, $0x0  }
0x1f: {  	s9 =	smul.u32 $0xF7A, s1;
	s8 =	simm.s32 @!p0 $0x1BF5;
	p2 =	por !p2, p0  }
0x20: {  	[sflag:s8] =	ssyncset.s32 @!p0 $0xFFFFF086;
	s6 =	sadd.s32 @!p0 s3, s7;
	s7 =	simm.s32 @!p0 $0x108  }
0x21: {  	s3 =	sadd.s32 s3, s9;
	s6 =	sadd.s32 @!p0 $0x88, s6;
	s7 =	simm.s32 @p2 $0x1082  }
0x22: {  	[simem:s7], [sflag:s8] =	dma.local @!p0 [hbm:s6], $0xF7A  }
0x23: {  	s9 =	sor.u32 $0xD0000000, s2;
	s6 =	simm.s32 $0x108;
	_ =	swait.ge @!p0 [sflag:s8], $0x0  }
0x24: {  	s3 =	sadd.s32 $0x88, s3;
	s6 =	simm.s32 @!p1 $0x1082;
	[sflag:s4] =	ssyncset.s32 $0xFFFFF086  }
0x25: {  	[simem:s6], [sflag:s4] =	dma.local [hbm:s3], $0xF7A  }
0x26: {  	[smem:$0x3F8F] =	sst s1;
	(tag) =	ssettag s2;
	_ =	strace s9  }
0x27: {  	s1 =	sld [smem:$0x3F9F]  }
0x28: {  	s2 =	sld [smem:$0x3FA0]  }
0x29: {  	s4 =	sld [smem:$0x3FA2]  }
0x2a: {  	p0 =	seq.s32 s5, $0x0;
	s5 =	sld [smem:$0x3FA3]  }
0x2b: {  	s6 =	sld [smem:$0x3FA4]  }
0x2c: {  	s7 =	sld [smem:$0x3FA5]  }
0x2d: {  	s3 =	simm.s32 $0x108;
	s8 =	sld [smem:$0x3FA6]  }
0x2e: {  	s3 =	simm.s32 @!p0 $0x1082;
	s9 =	sld [smem:$0x3FA7]  }
0x2f: {  	lr =	sadd.s32 s0, s3;
	s0 =	sld [smem:$0x3F9E]  }
0x30: {  	s3 =	sld [smem:$0x3FA1]  }
0x31: {  	[smem:$0x3FAA] =	sst s10  }
0x32: {  	s10 =	sld [smem:$0x3FA8];
	_ =	sdelay $0x3  }
0x33: {  	p0 =	seq.s32 s10, $0x1;
	s10 =	sld [smem:$0x3FAA];
	_ =	sdelay $0x3  }
0x34: {  	[smem:$0x3FAA] =	sst s10  }
0x35: {  	s10 =	sld [smem:$0x3FA9];
	_ =	sdelay $0x3  }
0x36: {  	p1 =	seq.s32 s10, $0x1;
	s10 =	sld [smem:$0x3FAA];
	_ =	sdelay $0x3  }
0x37: {  	[smem:$0x3FAA] =	sst s10  }
0x38: {  	s10 =	sld [smem:$0x3FAB]  }
0x39: {  	_ = 	snop;
	(pc) =	sbr.ind lr, $3  }
0x3a: {  	_ = 	snop  }
0x3b: {  	_ = 	snop  }
0x3c: {  	p2 =	seq.s32 s10, $0x1;
	s10 =	sld [smem:$0x3FAA]  }
0x3d: {  	_ =	shalt  }
0x3e: {  	_ =	shalt  }
0x3f: {  	_ =	shalt  }
0x40: {  	_ =	shalt  }
0x41: {  	_ =	shalt  }
0x42: {  	_ =	shalt  }
0x43: {  	_ =	shalt  }
0x44: {  	_ =	shalt  }
0x45: {  	_ =	shalt  }
0x46: {  	_ =	shalt  }
0x47: {  	_ =	shalt  }
0x48: {  	_ =	shalt  }
0x49: {  	_ =	shalt  }
0x4a: {  	_ =	shalt  }
0x4b: {  	_ =	shalt  }
0x4c: {  	_ =	shalt  }
0x4d: {  	_ =	shalt  }
0x4e: {  	_ =	shalt  }
0x4f: {  	_ =	shalt  }
0x50: {  	_ =	shalt  }
0x51: {  	_ =	shalt  }
0x52: {  	_ =	shalt  }
0x53: {  	_ =	shalt  }
0x54: {  	_ =	shalt  }
0x55: {  	_ =	shalt  }
0x56: {  	_ =	shalt  }
0x57: {  	_ =	shalt  }
0x58: {  	_ =	shalt  }
0x59: {  	_ =	shalt  }
0x5a: {  	_ =	shalt  }
0x5b: {  	_ =	shalt  }
0x5c: {  	_ =	shalt  }
0x5d: {  	_ =	shalt  }
0x5e: {  	_ =	shalt  }
0x5f: {  	_ =	shalt  }
0x60: {  	_ =	shalt  }
0x61: {  	_ =	shalt  }
0x62: {  	_ =	shalt  }
0x63: {  	_ =	shalt  }
0x64: {  	_ =	shalt  }
0x65: {  	_ =	shalt  }
0x66: {  	_ =	shalt  }
0x67: {  	_ =	shalt  }
0x68: {  	_ =	shalt  }
0x69: {  	_ =	shalt  }
0x6a: {  	_ =	shalt  }
0x6b: {  	_ =	shalt  }
0x6c: {  	_ =	shalt  }
0x6d: {  	_ =	shalt  }
0x6e: {  	_ =	shalt  }
0x6f: {  	_ =	shalt  }
0x70: {  	_ =	shalt  }
0x71: {  	_ =	shalt  }
0x72: {  	_ =	shalt  }
0x73: {  	_ =	shalt  }
0x74: {  	_ =	shalt  }
0x75: {  	_ =	shalt  }
0x76: {  	_ =	shalt  }
0x77: {  	_ =	shalt  }
0x78: {  	_ =	shalt  }
0x79: {  	_ =	shalt  }
0x7a: {  	_ =	shalt  }
0x7b: {  	_ =	shalt  }
0x7c: {  	_ =	shalt  }
0x7d: {  	_ =	shalt  }
0x7e: {  	_ =	shalt  }
0x7f: {  	_ =	shalt  }
0x80: {  	_ =	shalt  }
0x81: {  	_ =	shalt  }
0x82: {  	_ =	shalt  }
0x83: {  	_ =	shalt  }
0x84: {  	_ =	shalt  }
0x85: {  	_ =	shalt  }
0x86: {  	_ =	shalt  }
0x87: {  	_ =	shalt  }
.Lfunc_end0:
.L_simem_size_0:
called_computation.1_lowered:
.L_overlay_start_0:
0x88: {  	s2 =	sld [smem:$0x3FD9]  }
0x89: {  	s3 =	sld [smem:$0x3FFE];
	_ =	sdelay $0x1  }
0x8a: {  	s1 =	srdreg.scid  }
0x8b: {  	s0 =	sand.u32 $0x1, s1  }
0x8c: {  	s17 =	sshll.u32 s0, $0xA;
	s2 =	sadd.s32 s3, s2  }
0x8d: {  	s2 =	sadd.s32 s2, s17  }
0x8e: {  	[smem:$0x3FB6] =	sst s2  }
0x8f: {  	_ = 	snop  }
0x90: {  	s2 =	sld [smem:$0x3FD0];
	(tm) =	ssettm $0x1  }
0x91: {  	s18 =	sld [smem:$0x3FFB];
	_ =	sdelay $0x3  }
0x92: {  	_ =	strace s18  }
0x93: {  	s3 =	sld [smem:$0x3FFC];
	_ =	sdelay $0x3  }
0x94: {  	_ =	strace s3  }
0x95: {  	s3 =	sld [smem:$0x3FFD];
	_ =	sdelay $0x3  }
0x96: {  	_ =	strace s3  }
0x97: {  	_ =	strace $0x8FFFFFFF  }
0x98: {  	s19 =	sld [smem:$0x3FDB];
	_ =	sdelay $0x1  }
0x99: {  	s4 =	simm.s32 $_scs_section_size  }
0x9a: {  	s5 =	simm.s32 $_size__tile_overlayer_lowered;
	s6 =	simm.s32 $_tile_overlayer_lowered  }
0x9b: {  	s22 =	simm.s32 $0x1BFF;
	s21 =	sshll.u32 s6, $0x1;
	s3 =	sadd.s32 s4, s19  }
0x9c: {  	s7 =	simm.s32 $0x0;
	s20 =	sshll.u32 s5, $0x1;
	s5 =	sadd.s32 s21, s3  }
0x9d: {  	[timem:s7], [sflag:s22] =	dma.local [hbm:s5], s20  }
0x9e: {  	_ =	swait.ge [sflag:s22], s20  }
0x9f: {  	s4 =	ssub.s32 $0x0, s20;
	[sflag:s22] =	ssyncset.done $0x0  }
0xa0: {  	[sflag:s22] =	ssyncadd.s32 s4;
	_ =	sdelay $0x1  }
0xa1: {  	s23 =	simm.s32 $0x1B8B  }
0xa2: {  	_ =	swait.ge [sflag:s23], $0x1  }
0xa3: {  	[sflag:s23] =	ssyncset.done $0x0  }
0xa4: {  	s25 =	simm.s32 $0x1B8E;
	s24 =	sld [smem:$0x3FFE];
	[sflag:s23] =	ssyncadd.s32 $0xFFFFFFFF  }
0xa5: {  	s26 =	simm.s32 $execute0_lowered;
	[smem:$0x3FD2] =	sst s25  }
0xa6: {  	s5 =	sshll.u32 s26, $0x1;
	_ =	strace $0x80000049;
	[dreg:$0x1] =	wrdreg $0xFFFFFFFF  }
0xa7: {  	s28 =	simm.s32 $_size_execute0_lowered;
	s3 =	sadd.s32 s3, s5;
	[dreg:$0x0] =	wrdreg $0x0  }
0xa8: {  	s5 =	sshll.u32 s28, $0x1;
	[dreg:$0x2] =	wrdreg s3  }
0xa9: {  	[dreg:$0x3] =	wrdreg s5  }
0xaa: {  	[dreg:$0x4] =	wrdreg $0xC0  }
0xab: {  	_ =	task [dreg:s7], $0x5FFFF  }
0xac: {  	[dreg:$0x1] =	wrdreg $0xFFFFFFFF  }
0xad: {  	[dreg:$0x0] =	wrdreg $0x60  }
0xae: {  	[dreg:$0x2] =	wrdreg s24  }
0xaf: {  	[dreg:$0x3] =	wrdreg s2  }
0xb0: {  	[dreg:$0x4] =	wrdreg $0x0  }
0xb1: {  	[dreg:$0x5] =	wrdreg $0x9  }
0xb2: {  	_ =	task.clear_ibuf [dreg:s7], $0x6FFFF;
	_ =	strace $0x90000049  }
0xb3: {  	s29 =	simm.s32 $0x9;
	_ =	strace $0x8000004B  }
0xb4: {  	_ =	swait.ge [sflag:s29], $0x1  }
0xb5: {  	[sflag:s29] =	ssyncadd.s32 $0xFFFFFFFF  }
0xb6: {  	_ =	strace $0x9000004B  }
0xb7: {  	_ =	sfence  }
0xb8: {  	s30 =	sld [smem:$0x0];
	_ =	sdelay $0x2  }
0xb9: {  	s31 =	sshll.u32 s1, $0xD;
	s1 =	sshrl.u32 s1, $0x2  }
0xba: {  	s3 =	sand.u32 $0x4000, s31;
	s1 =	sadd.s32 s1, s30  }
0xbb: {  	s0 =	sor.u32 s3, s0;
	s1 =	sshll.u32 s1, $0x11  }
0xbc: {  	s0 =	sor.u32 s1, s0  }
0xbd: {  	s0 =	sadd.s32 $0x8F2B, s0  }
0xbe: {  	[sflag:s0] =	ssyncadd.remote.s32 $0x1  }
0xbf: {  	_ =	sfence.sel $0xFFFF  }
0xc0: {  	[dreg:$0x0] =	wrdreg $0xFFFFFFFF;
	(pc) =	sbr.abs _section_cstart, $3  }
0xc1: {  	[dreg:$0x1] =	wrdreg $0xFFFFFFFF  }
0xc2: {  	_ =	task.clear_ibuf [dreg:s7], $0x2FFFF;
	_ =	strace $0x9FFFFFFF  }
0xc3: {  	(tm) =	ssettm $0x7FFFFFFF  }
tec
execute0_lowered:
.L_overlay_start_1:
0x0: {  	(tag) =	ssettag $0x1  }
0x1: {  	s0 =	rddreg [dreg:$0x0]  }
0x2: {  	s1 =	srdreg.scid;
	s23 =	stileid.u32  }
0x3: {  	s3 =	rddreg [dreg:$0x2];
	s4 =	simm.s32 $0x0;
	s28 =	simm.s32 $0x1  }
0x4: {  	s29 =	simm.s32 $0x80;
	s30 =	simm.s32 $0x2;
	s1 =	sand.u32 $0x1, s1  }
0x5: {  	s2 =	sshll.u32 s23, $0x1;
	[smem:$0x7FF] =	sst s4;
	s7 =	smul.u32 $0x50000, s23  }
0x6: {  	s5 =	sadd.s32 $0x56A400, s0;
	s12 =	smul.u32 $0x14000, s23;
	p0 =	seq.s32 s23, $0xF  }
0x7: {  	s2 =	sor.u32 s1, s2;
	s8 =	ssub.s32 $0x2, s1;
	s1 =	smul.u32 $0x13C000, s1  }
0x8: {  	_ =	strace $0x8000004A;
	s6 =	smul.u32 $0x500, s2;
	s19 =	sshrl.u32 s8, $0x1  }
0x9: {  	s20 =	sshrl.u32 s7, $0x2;
	s15 =	sadd.s32 $0x4000, s12;
	s16 =	sadd.s32 $0x8000, s12  }
0xa: {  	s17 =	sadd.s32 $0xC000, s12;
	s13 =	smul.u32 $0x13C000, s2;
	s18 =	sadd.s32 $0x10000, s12  }
0xb: {  	s2 =	smul.u32 $0x27800, s2;
	s19 =	ssub.s32 s8, s19;
	s7 =	sadd.s32 s15, s3  }
0xc: {  	s8 =	sadd.s32 s16, s3;
	s9 =	sadd.s32 s17, s3;
	s10 =	sadd.s32 s18, s3  }
0xd: {  	s14 =	sadd.s32 s12, s1;
	s22 =	sadd.s32 s1, s15;
	s24 =	sadd.s32 s1, s16  }
0xe: {  	s25 =	sadd.s32 s1, s17;
	s18 =	sadd.s32 s1, s18;
	s11 =	sadd.s32 s6, s0  }
0xf: {  	s0 =	sadd.s32 $0x70200, s0;
	s6 =	sadd.s32 s20, s3;
	s13 =	sshrl.u32 s13, $0x3  }
0x10: {  	s12 =	sadd.s32 s5, s2;
	s21 =	sshrl.u32 s14, $0x3;
	s2 =	sshrl.u32 s22, $0x3  }
0x11: {  	s16 =	sshrl.u32 s24, $0x3;
	s26 =	sshrl.u32 s18, $0x3;
	s19 =	smax.u32 s19, $0x1  }
0x12: {  	s24 =	simm.s32 $0x3;
	s11 =	sadd.s32 $0x560400, s11;
	s20 =	sadd.s32 s5, s13  }
0x13: {  	s14 =	sadd.s32 s0, s21;
	s21 =	smul.u32 $0x278000, s23;
	s15 =	sadd.s32 s0, s2  }
0x14: {  	s16 =	sadd.s32 s0, s16;
	s2 =	sshrl.u32 s25, $0x3;
	s18 =	sadd.s32 s0, s26  }
0x15: {  	s23 =	simm.s32 $0x16400;
	s26 =	simm.s32 $0x1A400;
	s1 =	sadd.s32 s1, s21  }
0x16: {  	[dreg:$0x4] =	wrdreg s11;
	s13 =	sadd.s32 $0x800, s20;
	s21 =	sadd.s32 $0xC000, s1  }
0x17: {  	s17 =	sadd.s32 s0, s2;
	s20 =	sadd.s32 $0x27000, s20;
	s31 =	sshrl.u32 s21, $0x3  }
0x18: {  	s2 =	simm.s32 $0x0;
	s22 =	sadd.s32 $0x8000, s1;
	s21 =	sadd.s32 s31, s5  }
.LBB2_1:
0x19: {  	s0 =	rddreg [dreg:$0x1]  }
0x1a: {  	[tilespmem:s23], [sflag:$0x3] =	stream.linear.gather [hbm4b:s0+s4], $0x4000, $0x38;
	[tilespmem:$0x1E400] =	vst v63  }
0x1b: {  	_ =	swait.ge [sflag:s24], $0x4000  }
0x1c: {  	[sflag:s24] =	ssyncset.done $0x0  }
0x1d: {  	[sflag:s24] =	ssyncadd.s32 $0xFFFFC000  }
0x1e: {  	[spmem:s6] =	stream.linear.scatter [tilespmem:s23], [sflag:$0x3], $0x4000, $0x38;
	[tilespmem:$0x1E400] =	vst v63  }
0x1f: {  	_ =	swait.ge [sflag:s24], $0x4000  }
0x20: {  	[sflag:s24] =	ssyncset.done $0x0  }
0x21: {  	[sflag:s24] =	ssyncadd.s32 $0xFFFFC000  }
0x22: {  	[spmem:s7] =	stream.linear.scatter [tilespmem:s23], [sflag:$0x3], $0x4000, $0x38;
	[tilespmem:$0x1E400] =	vst v63  }
0x23: {  	_ =	swait.ge [sflag:s24], $0x4000  }
0x24: {  	[sflag:s24] =	ssyncset.done $0x0  }
0x25: {  	[sflag:s24] =	ssyncadd.s32 $0xFFFFC000  }
0x26: {  	[spmem:s8] =	stream.linear.scatter [tilespmem:s23], [sflag:$0x3], $0x4000, $0x38;
	[tilespmem:$0x1E400] =	vst v63  }
0x27: {  	_ =	swait.ge [sflag:s24], $0x4000  }
0x28: {  	[sflag:s24] =	ssyncset.done $0x0  }
0x29: {  	[sflag:s24] =	ssyncadd.s32 $0xFFFFC000  }
0x2a: {  	[spmem:s9] =	stream.linear.scatter [tilespmem:s23], [sflag:$0x3], $0x4000, $0x38;
	[tilespmem:$0x1E400] =	vst v63  }
0x2b: {  	_ =	swait.ge [sflag:s24], $0x4000  }
0x2c: {  	[sflag:s24] =	ssyncset.done $0x0  }
0x2d: {  	s0 =	simm.s32 @!p0 $0x16400;
	[sflag:s24] =	ssyncadd.s32 $0xFFFFC000  }
0x2e: {  	[spmem:s10] =	stream.linear.scatter @!p0 [tilespmem:s0], [sflag:$0x3], $0x4000, $0x38;
	[tilespmem:$0x1E400] =	vst v63  }
0x2f: {  	s0 =	simm.s32 @!p0 $0x3  }
0x30: {  	_ =	swait.ge @!p0 [sflag:s0], $0x4000  }
0x31: {  	[sflag:s0] =	ssyncset.done @!p0 $0x0  }
0x32: {  	s1 =	simm.s32 $0x13C00;
	s25 =	rddreg [dreg:$0x4];
	[sflag:s0] =	ssyncadd.s32 @!p0 $0xFFFFC000  }
0x33: {  	[tilespmem:s1], [sflag:$0x3] =	stream.linear.gather [hbm4b:s25+s4], $0x2780, $0x38;
	[tilespmem:$0x1E400] =	vst v63  }
0x34: {  	_ =	swait.ge [sflag:s24], $0x2780  }
0x35: {  	[sflag:s24] =	ssyncset.done $0x0  }
0x36: {  	[sflag:s24] =	ssyncadd.s32 $0xFFFFD880  }
0x37: {  	[bflag:$0x0] =	sbarrier.arrive $0xFFFF  }
0x38: {  	[tilespmem:s23], [sflag:$0x1] =	stream.linear.gather [hbm4b:s12+s4], $0x4000, $0x38;
	[tilespmem:$0x1E400] =	vst v63  }
0x39: {  	_ = 	snop  }
0x3a: {  	[tilespmem:s26], [sflag:$0x2] =	stream.linear.gather [hbm4b:s13+s4], $0x4000, $0x38;
	[tilespmem:$0x1E400] =	vst v63  }
0x3b: {  	_ =	swait.ge [sflag:s28], $0x4000  }
0x3c: {  	[sflag:s28] =	ssyncset.done $0x0  }
0x3d: {  	s1 =	simm.s32 $0x13C00;
	[sflag:s28] =	ssyncadd.s32 $0xFFFFC000  }
0x3e: {  	[spmem:s3] =	stream.indirect.scatter.add.f32 [tilespmem:s23], [sflag:$0x3], $0x80, s1, s29, $0xb8;
	[tilespmem:$0x1E400] =	vst v63  }
0x3f: {  	_ =	swait.ge [sflag:s24], $0x4000  }
0x40: {  	s11 =	sshrl.u32 s22, $0x3;
	[sflag:s24] =	ssyncset.done $0x0  }
0x41: {  	s0 =	sadd.s32 s5, s11;
	[sflag:s24] =	ssyncadd.s32 $0xFFFFC000  }
0x42: {  	[tilespmem:s23], [sflag:$0x1] =	stream.linear.gather [hbm4b:s0+s4], $0x4000, $0x38;
	[tilespmem:$0x1E400] =	vst v63  }
0x43: {  	_ =	swait.ge [sflag:s30], $0x4000  }
0x44: {  	[sflag:s30] =	ssyncset.done $0x0  }
0x45: {  	s25 =	simm.s32 $0x13C80;
	[sflag:s30] =	ssyncadd.s32 $0xFFFFC000  }
0x46: {  	[spmem:s3] =	stream.indirect.scatter.add.f32 [tilespmem:s26], [sflag:$0x3], $0x80, s25, s29, $0xb8;
	[tilespmem:$0x1E400] =	vst v63  }
0x47: {  	_ =	swait.ge [sflag:s24], $0x4000  }
0x48: {  	s31 =	sadd.s32 $0x8000, s22;
	s1 =	simm.s32 $0x13D80;
	[sflag:s24] =	ssyncset.done $0x0  }
0x49: {  	s0 =	sadd.s32 $0x0, s21;
	s25 =	simm.s32 $0x1000;
	[sflag:s24] =	ssyncadd.s32 $0xFFFFC000  }
.LBB2_2:
0x4a: {  	[tilespmem:s26], [sflag:$0x2] =	stream.linear.gather [hbm4b:s0+s4], $0x4000, $0x38;
	[tilespmem:$0x1E400] =	vst v63  }
0x4b: {  	s0 =	smov.u32 s25  }
0x4c: {  	p1 =	sne.s32 s25, $0x25000;
	s25 =	sadd.s32 $0x1000, s25;
	_ =	swait.ge [sflag:s28], $0x4000  }
0x4d: {  	[sflag:s28] =	ssyncset.done $0x0  }
0x4e: {  	s11 =	sadd.s32 $0xFFFFFF80, s1;
	[sflag:s28] =	ssyncadd.s32 $0xFFFFC000  }
0x4f: {  	[spmem:s3] =	stream.indirect.scatter.add.f32 [tilespmem:s23], [sflag:$0x3], $0x80, s11, s29, $0xb8;
	[tilespmem:$0x1E400] =	vst v63  }
0x50: {  	_ =	swait.ge [sflag:s24], $0x4000  }
0x51: {  	s11 =	sshrl.u32 s31, $0x3;
	[sflag:s24] =	ssyncset.done $0x0  }
0x52: {  	s11 =	sadd.s32 s5, s11;
	[sflag:s24] =	ssyncadd.s32 $0xFFFFC000  }
0x53: {  	[tilespmem:s23], [sflag:$0x1] =	stream.linear.gather [hbm4b:s11+s4], $0x4000, $0x38;
	[tilespmem:$0x1E400] =	vst v63  }
0x54: {  	_ =	swait.ge [sflag:s30], $0x4000  }
0x55: {  	[sflag:s30] =	ssyncset.done $0x0  }
.Ltmp0:
0x56: {  	[sflag:s30] =	ssyncadd.s32 $0xFFFFC000;
	(pc) =	sbr.rel @p1 .LBB2_2-.Ltmp0, $4  }
0x57: {  	[spmem:s3] =	stream.indirect.scatter.add.f32 [tilespmem:s26], [sflag:$0x3], $0x80, s1, s29, $0xb8;
	[tilespmem:$0x1E400] =	vst v63  }
0x58: {  	_ =	swait.ge [sflag:s24], $0x4000  }
0x59: {  	s31 =	sadd.s32 $0x8000, s31;
	[sflag:s24] =	ssyncset.done $0x0  }
0x5a: {  	s0 =	sadd.s32 s0, s21;
	s1 =	sadd.s32 $0x100, s1;
	[sflag:s24] =	ssyncadd.s32 $0xFFFFC000  }
0x5b: {  	[tilespmem:s26], [sflag:$0x2] =	stream.linear.gather [hbm4b:s0+s4], $0x4000, $0x38;
	[tilespmem:$0x1E400] =	vst v63  }
0x5c: {  	_ =	swait.ge [sflag:s28], $0x4000  }
0x5d: {  	[sflag:s28] =	ssyncset.done $0x0  }
0x5e: {  	s11 =	simm.s32 $0x16200;
	[sflag:s28] =	ssyncadd.s32 $0xFFFFC000  }
0x5f: {  	[spmem:s3] =	stream.indirect.scatter.add.f32 [tilespmem:s23], [sflag:$0x3], $0x80, s11, s29, $0xb8;
	[tilespmem:$0x1E400] =	vst v63  }
0x60: {  	_ =	swait.ge [sflag:s24], $0x4000  }
0x61: {  	[sflag:s24] =	ssyncset.done $0x0  }
0x62: {  	[sflag:s24] =	ssyncadd.s32 $0xFFFFC000  }
0x63: {  	[tilespmem:s23], [sflag:$0x1] =	stream.linear.gather [hbm4b:s20+s4], $0x4000, $0x38;
	[tilespmem:$0x1E400] =	vst v63  }
0x64: {  	_ =	swait.ge [sflag:s30], $0x4000  }
0x65: {  	[sflag:s30] =	ssyncset.done $0x0  }
0x66: {  	s25 =	simm.s32 $0x16280;
	[sflag:s30] =	ssyncadd.s32 $0xFFFFC000  }
0x67: {  	[spmem:s3] =	stream.indirect.scatter.add.f32 [tilespmem:s26], [sflag:$0x3], $0x80, s25, s29, $0xb8;
	[tilespmem:$0x1E400] =	vst v63  }
0x68: {  	_ =	swait.ge [sflag:s24], $0x4000  }
0x69: {  	[sflag:s24] =	ssyncset.done $0x0  }
0x6a: {  	[sflag:s24] =	ssyncadd.s32 $0xFFFFC000  }
0x6b: {  	_ =	swait.ge [sflag:s28], $0x4000  }
0x6c: {  	[sflag:s28] =	ssyncset.done $0x0  }
0x6d: {  	s31 =	simm.s32 $0x16300;
	[sflag:s28] =	ssyncadd.s32 $0xFFFFC000  }
0x6e: {  	[spmem:s3] =	stream.indirect.scatter.add.f32 [tilespmem:s23], [sflag:$0x3], $0x80, s31, s29, $0xb8;
	[tilespmem:$0x1E400] =	vst v63  }
0x6f: {  	_ =	swait.ge [sflag:s24], $0x4000  }
0x70: {  	[sflag:s24] =	ssyncset.done $0x0  }
0x71: {  	[sflag:s24] =	ssyncadd.s32 $0xFFFFC000  }
0x72: {  	[bflag:$0x0] =	sbarrier.arrive $0xFFFF  }
0x73: {  	[tilespmem:s23], [sflag:$0x3] =	stream.linear.gather [spmem:s6], $0x4000, $0x38;
	[tilespmem:$0x1E400] =	vst v63  }
0x74: {  	_ =	swait.ge [sflag:s24], $0x4000  }
0x75: {  	[sflag:s24] =	ssyncset.done $0x0  }
0x76: {  	[sflag:s24] =	ssyncadd.s32 $0xFFFFC000  }
0x77: {  	[hbm4b:s14+s4] =	stream.linear.scatter [tilespmem:s23], [sflag:$0x3], $0x4000, $0x38;
	[tilespmem:$0x1E400] =	vst v63  }
0x78: {  	_ =	swait.ge [sflag:s24], $0x4000  }
0x79: {  	[sflag:s24] =	ssyncset.done $0x0  }
0x7a: {  	[sflag:s24] =	ssyncadd.s32 $0xFFFFC000  }
0x7b: {  	[tilespmem:s23], [sflag:$0x3] =	stream.linear.gather [spmem:s7], $0x4000, $0x38;
	[tilespmem:$0x1E400] =	vst v63  }
0x7c: {  	_ =	swait.ge [sflag:s24], $0x4000  }
0x7d: {  	[sflag:s24] =	ssyncset.done $0x0  }
0x7e: {  	[sflag:s24] =	ssyncadd.s32 $0xFFFFC000  }
0x7f: {  	[hbm4b:s15+s4] =	stream.linear.scatter [tilespmem:s23], [sflag:$0x3], $0x4000, $0x38;
	[tilespmem:$0x1E400] =	vst v63  }
0x80: {  	_ =	swait.ge [sflag:s24], $0x4000  }
0x81: {  	[sflag:s24] =	ssyncset.done $0x0  }
0x82: {  	[sflag:s24] =	ssyncadd.s32 $0xFFFFC000  }
0x83: {  	[tilespmem:s23], [sflag:$0x3] =	stream.linear.gather [spmem:s8], $0x4000, $0x38;
	[tilespmem:$0x1E400] =	vst v63  }
0x84: {  	_ =	swait.ge [sflag:s24], $0x4000  }
0x85: {  	[sflag:s24] =	ssyncset.done $0x0  }
0x86: {  	[sflag:s24] =	ssyncadd.s32 $0xFFFFC000  }
0x87: {  	[hbm4b:s16+s4] =	stream.linear.scatter [tilespmem:s23], [sflag:$0x3], $0x4000, $0x38;
	[tilespmem:$0x1E400] =	vst v63  }
0x88: {  	_ =	swait.ge [sflag:s24], $0x4000  }
0x89: {  	[sflag:s24] =	ssyncset.done $0x0  }
0x8a: {  	[sflag:s24] =	ssyncadd.s32 $0xFFFFC000  }
0x8b: {  	[tilespmem:s23], [sflag:$0x3] =	stream.linear.gather [spmem:s9], $0x4000, $0x38;
	[tilespmem:$0x1E400] =	vst v63  }
0x8c: {  	_ =	swait.ge [sflag:s24], $0x4000  }
0x8d: {  	[sflag:s24] =	ssyncset.done $0x0  }
0x8e: {  	[sflag:s24] =	ssyncadd.s32 $0xFFFFC000  }
0x8f: {  	[hbm4b:s17+s4] =	stream.linear.scatter [tilespmem:s23], [sflag:$0x3], $0x4000, $0x38;
	[tilespmem:$0x1E400] =	vst v63  }
0x90: {  	_ =	swait.ge [sflag:s24], $0x4000  }
0x91: {  	[sflag:s24] =	ssyncset.done $0x0  }
0x92: {  	s0 =	simm.s32 @!p0 $0x16400;
	s1 =	simm.s32 @!p0 $0x3;
	[sflag:s24] =	ssyncadd.s32 $0xFFFFC000  }
0x93: {  	[tilespmem:s0], [sflag:$0x3] =	stream.linear.gather @!p0 [spmem:s10], $0x4000, $0x38;
	[tilespmem:$0x1E400] =	vst v63  }
0x94: {  	s2 =	sadd.s32 $0x1, s2;
	_ =	swait.ge @!p0 [sflag:s1], $0x4000  }
0x95: {  	p1 =	sne.s32 s2, s19;
	[sflag:s1] =	ssyncset.done @!p0 $0x0  }
.Ltmp1:
0x96: {  	s11 =	simm.s32 @!p0 $0x0;
	[sflag:s1] =	ssyncadd.s32 @!p0 $0xFFFFC000;
	(pc) =	sbr.rel @p1 .LBB2_1-.Ltmp1, $4  }
0x97: {  	[hbm4b:s18+s11] =	stream.linear.scatter @!p0 [tilespmem:s0], [sflag:$0x3], $0x4000, $0x38;
	[tilespmem:$0x1E400] =	vst v63  }
0x98: {  	_ =	swait.ge @!p0 [sflag:s1], $0x4000  }
0x99: {  	[sflag:s1] =	ssyncset.done @!p0 $0x0  }
0x9a: {  	[sflag:s1] =	ssyncadd.s32 @!p0 $0xFFFFC000  }
0x9b: {  	_ =	sfence.sel $0x180000  }
0x9c: {  	[bflag:$0x0] =	sbarrier.arrive $0xFFFF  }
0x9d: {  	_ =	strace $0x9000004A  }
0x9e: {  	s0 =	stileid.u32;
	[bflag:$0x2] =	sbarrier.arrive $0xFFFF  }
0x9f: {  	p0 =	sne.s32 s0, $0x0;
	s0 =	rddreg [dreg:$0x3]  }
0xa0: {  	s0 =	sadd.s32 @!p0 $0x100000, s0  }
0xa1: {  	[sflag:s0] =	ssyncadd.tile.s32 @!p0 $0x1;
	_ =	shalt  }
.Lfunc_end2:
_tile_overlayer_lowered:
.L_overlay_start_2:
0xa2: {  	(tag) =	ssettag $0x2  }
0xa3: {  	s0 =	rddreg [dreg:$0x0];
	s2 =	stileid.u32  }
0xa4: {  	s1 =	rddreg [dreg:$0x1];
	p0 =	sne.s32 s2, $0x0  }
0xa5: {  	s3 =	rddreg [dreg:$0x2];
	[bflag:$0x3] =	sbarrier.arrive $0xFFFF;
	s2 =	simm.s32 @!p0 $0x1C03  }
0xa6: {  	[timem:s3], [sflag:s2] =	dma.local @!p0 [hbm:s0], s1  }
0xa7: {  	s0 =	simm.s32 @!p0 $0x3  }
0xa8: {  	_ =	swait.ge @!p0 [sflag:s0], s1  }
0xa9: {  	s1 =	ssub.s32 @!p0 $0x0, s1;
	[sflag:s0] =	ssyncset.done @!p0 $0x0  }
0xaa: {  	[sflag:s0] =	ssyncadd.s32 @!p0 s1  }
0xab: {  	[bflag:$0x3] =	sbarrier.arrive $0xFFFF  }
0xac: {  	_ =	shalt  }

// kernel: kernel.7.cloned.1.call-start
scs
__scs_entry_jumppad:
0x0: {  	(pc) =	sbr.rel $0x88, $3  }
0x1: {  	(tag) =	ssettag $0x0;
	lr =	simm.s32 $0x1  }
0x2: {  	[smem:$0x3F8F] =	sst lr;
	_ =	strace $0xD0000000  }
0x3: {  	_ = 	snop  }
0x4: {  	_ = 	snop  }
0x5: {  	_ = 	snop  }
0x6: {  	_ = 	snop  }
0x7: {  	_ = 	snop  }
__scs_overlays_trampoline_lowered:
0x8: {  	[smem:$0x3F9E] =	sst s0  }
0x9: {  	[smem:$0x3F9F] =	sst s1  }
0xa: {  	[smem:$0x3FA0] =	sst s2  }
0xb: {  	[smem:$0x3FA1] =	sst s3  }
0xc: {  	[smem:$0x3FA2] =	sst s4  }
0xd: {  	[smem:$0x3FA3] =	sst s5  }
0xe: {  	[smem:$0x3FA4] =	sst s6  }
0xf: {  	[smem:$0x3FA5] =	sst s7  }
0x10: {  	[smem:$0x3FA6] =	sst s8  }
0x11: {  	[smem:$0x3FA7] =	sst s9;
	s0 =	simm.s32 @!p0 $0x0  }
0x12: {  	s1 =	sld [smem:$0x3F8D];
	s0 =	simm.s32 @p0 $0x1  }
0x13: {  	[smem:$0x3FA8] =	sst s0;
	s0 =	simm.s32 @!p1 $0x0  }
0x14: {  	s2 =	sld [smem:$0x3F8C];
	s0 =	simm.s32 @p1 $0x1  }
0x15: {  	[smem:$0x3FA9] =	sst s0;
	s0 =	simm.s32 @!p2 $0x0  }
0x16: {  	s3 =	sld [smem:$0x3FDB];
	s0 =	simm.s32 @p2 $0x1  }
0x17: {  	s4 =	simm.s32 $0x1BF5;
	[smem:$0x3FAB] =	sst s0  }
0x18: {  	s0 =	sld [smem:$0x3F8E];
	_ =	swait.ge [sflag:s4], $0x0  }
0x19: {  	s7 =	sld [smem:$0x3F8F]  }
0x1a: {  	s8 =	sadd.s32 $0xFFFFE003, lr  }
0x1b: {  	s9 =	sadd.s32 $0xFFFFFEF7, lr;
	s5 =	simm.s32 $0xFFFFFFFF;
	p2 =	slt.u32 s8, $0xFFFFF086  }
0x1c: {  	p1 =	slt.u32 s9, $0xF7A;
	s5 =	simm.s32 @!p2 $0x0  }
0x1d: {  	s5 =	simm.s32 @p1 $0x1;
	p0 =	seq.s32 s7, s2  }
0x1e: {  	s7 =	smul.u32 @!p0 $0xF7A, s2;
	p2 =	seq.s32 @!p0 s5, $0x0  }
0x1f: {  	s9 =	smul.u32 $0xF7A, s1;
	s8 =	simm.s32 @!p0 $0x1BF5;
	p2 =	por !p2, p0  }
0x20: {  	[sflag:s8] =	ssyncset.s32 @!p0 $0xFFFFF086;
	s6 =	sadd.s32 @!p0 s3, s7;
	s7 =	simm.s32 @!p0 $0x108  }
0x21: {  	s3 =	sadd.s32 s3, s9;
	s6 =	sadd.s32 @!p0 $0x88, s6;
	s7 =	simm.s32 @p2 $0x1082  }
0x22: {  	[simem:s7], [sflag:s8] =	dma.local @!p0 [hbm:s6], $0xF7A  }
0x23: {  	s9 =	sor.u32 $0xD0000000, s2;
	s6 =	simm.s32 $0x108;
	_ =	swait.ge @!p0 [sflag:s8], $0x0  }
0x24: {  	s3 =	sadd.s32 $0x88, s3;
	s6 =	simm.s32 @!p1 $0x1082;
	[sflag:s4] =	ssyncset.s32 $0xFFFFF086  }
0x25: {  	[simem:s6], [sflag:s4] =	dma.local [hbm:s3], $0xF7A  }
0x26: {  	[smem:$0x3F8F] =	sst s1;
	(tag) =	ssettag s2;
	_ =	strace s9  }
0x27: {  	s1 =	sld [smem:$0x3F9F]  }
0x28: {  	s2 =	sld [smem:$0x3FA0]  }
0x29: {  	s4 =	sld [smem:$0x3FA2]  }
0x2a: {  	p0 =	seq.s32 s5, $0x0;
	s5 =	sld [smem:$0x3FA3]  }
0x2b: {  	s6 =	sld [smem:$0x3FA4]  }
0x2c: {  	s7 =	sld [smem:$0x3FA5]  }
0x2d: {  	s3 =	simm.s32 $0x108;
	s8 =	sld [smem:$0x3FA6]  }
0x2e: {  	s3 =	simm.s32 @!p0 $0x1082;
	s9 =	sld [smem:$0x3FA7]  }
0x2f: {  	lr =	sadd.s32 s0, s3;
	s0 =	sld [smem:$0x3F9E]  }
0x30: {  	s3 =	sld [smem:$0x3FA1]  }
0x31: {  	[smem:$0x3FAA] =	sst s10  }
0x32: {  	s10 =	sld [smem:$0x3FA8];
	_ =	sdelay $0x3  }
0x33: {  	p0 =	seq.s32 s10, $0x1;
	s10 =	sld [smem:$0x3FAA];
	_ =	sdelay $0x3  }
0x34: {  	[smem:$0x3FAA] =	sst s10  }
0x35: {  	s10 =	sld [smem:$0x3FA9];
	_ =	sdelay $0x3  }
0x36: {  	p1 =	seq.s32 s10, $0x1;
	s10 =	sld [smem:$0x3FAA];
	_ =	sdelay $0x3  }
0x37: {  	[smem:$0x3FAA] =	sst s10  }
0x38: {  	s10 =	sld [smem:$0x3FAB]  }
0x39: {  	_ = 	snop;
	(pc) =	sbr.ind lr, $3  }
0x3a: {  	_ = 	snop  }
0x3b: {  	_ = 	snop  }
0x3c: {  	p2 =	seq.s32 s10, $0x1;
	s10 =	sld [smem:$0x3FAA]  }
0x3d: {  	_ =	shalt  }
0x3e: {  	_ =	shalt  }
0x3f: {  	_ =	shalt  }
0x40: {  	_ =	shalt  }
0x41: {  	_ =	shalt  }
0x42: {  	_ =	shalt  }
0x43: {  	_ =	shalt  }
0x44: {  	_ =	shalt  }
0x45: {  	_ =	shalt  }
0x46: {  	_ =	shalt  }
0x47: {  	_ =	shalt  }
0x48: {  	_ =	shalt  }
0x49: {  	_ =	shalt  }
0x4a: {  	_ =	shalt  }
0x4b: {  	_ =	shalt  }
0x4c: {  	_ =	shalt  }
0x4d: {  	_ =	shalt  }
0x4e: {  	_ =	shalt  }
0x4f: {  	_ =	shalt  }
0x50: {  	_ =	shalt  }
0x51: {  	_ =	shalt  }
0x52: {  	_ =	shalt  }
0x53: {  	_ =	shalt  }
0x54: {  	_ =	shalt  }
0x55: {  	_ =	shalt  }
0x56: {  	_ =	shalt  }
0x57: {  	_ =	shalt  }
0x58: {  	_ =	shalt  }
0x59: {  	_ =	shalt  }
0x5a: {  	_ =	shalt  }
0x5b: {  	_ =	shalt  }
0x5c: {  	_ =	shalt  }
0x5d: {  	_ =	shalt  }
0x5e: {  	_ =	shalt  }
0x5f: {  	_ =	shalt  }
0x60: {  	_ =	shalt  }
0x61: {  	_ =	shalt  }
0x62: {  	_ =	shalt  }
0x63: {  	_ =	shalt  }
0x64: {  	_ =	shalt  }
0x65: {  	_ =	shalt  }
0x66: {  	_ =	shalt  }
0x67: {  	_ =	shalt  }
0x68: {  	_ =	shalt  }
0x69: {  	_ =	shalt  }
0x6a: {  	_ =	shalt  }
0x6b: {  	_ =	shalt  }
0x6c: {  	_ =	shalt  }
0x6d: {  	_ =	shalt  }
0x6e: {  	_ =	shalt  }
0x6f: {  	_ =	shalt  }
0x70: {  	_ =	shalt  }
0x71: {  	_ =	shalt  }
0x72: {  	_ =	shalt  }
0x73: {  	_ =	shalt  }
0x74: {  	_ =	shalt  }
0x75: {  	_ =	shalt  }
0x76: {  	_ =	shalt  }
0x77: {  	_ =	shalt  }
0x78: {  	_ =	shalt  }
0x79: {  	_ =	shalt  }
0x7a: {  	_ =	shalt  }
0x7b: {  	_ =	shalt  }
0x7c: {  	_ =	shalt  }
0x7d: {  	_ =	shalt  }
0x7e: {  	_ =	shalt  }
0x7f: {  	_ =	shalt  }
0x80: {  	_ =	shalt  }
0x81: {  	_ =	shalt  }
0x82: {  	_ =	shalt  }
0x83: {  	_ =	shalt  }
0x84: {  	_ =	shalt  }
0x85: {  	_ =	shalt  }
0x86: {  	_ =	shalt  }
0x87: {  	_ =	shalt  }
.Lfunc_end0:
.L_simem_size_0:
called_computation_lowered:
.L_overlay_start_0:
0x88: {  	s2 =	sld [smem:$0x3FD9]  }
0x89: {  	s3 =	sld [smem:$0x3FFE];
	_ =	sdelay $0x1  }
0x8a: {  	s1 =	srdreg.scid  }
0x8b: {  	s0 =	sand.u32 $0x1, s1  }
0x8c: {  	s17 =	sshll.u32 s0, $0xA;
	s2 =	sadd.s32 s3, s2  }
0x8d: {  	s2 =	sadd.s32 s2, s17  }
0x8e: {  	[smem:$0x3FB6] =	sst s2  }
0x8f: {  	_ = 	snop  }
0x90: {  	s2 =	sld [smem:$0x3FD0];
	(tm) =	ssettm $0x1  }
0x91: {  	s18 =	sld [smem:$0x3FFB];
	_ =	sdelay $0x3  }
0x92: {  	_ =	strace s18  }
0x93: {  	s3 =	sld [smem:$0x3FFC];
	_ =	sdelay $0x3  }
0x94: {  	_ =	strace s3  }
0x95: {  	s3 =	sld [smem:$0x3FFD];
	_ =	sdelay $0x3  }
0x96: {  	_ =	strace s3  }
0x97: {  	_ =	strace $0x8FFFFFFF  }
0x98: {  	s19 =	sld [smem:$0x3FDB];
	_ =	sdelay $0x1  }
0x99: {  	s4 =	simm.s32 $_scs_section_size  }
0x9a: {  	s5 =	simm.s32 $_size__tile_overlayer_lowered;
	s6 =	simm.s32 $_tile_overlayer_lowered  }
0x9b: {  	s22 =	simm.s32 $0x1BFF;
	s21 =	sshll.u32 s6, $0x1;
	s3 =	sadd.s32 s4, s19  }
0x9c: {  	s7 =	simm.s32 $0x0;
	s20 =	sshll.u32 s5, $0x1;
	s5 =	sadd.s32 s21, s3  }
0x9d: {  	[timem:s7], [sflag:s22] =	dma.local [hbm:s5], s20  }
0x9e: {  	_ =	swait.ge [sflag:s22], s20  }
0x9f: {  	s4 =	ssub.s32 $0x0, s20;
	[sflag:s22] =	ssyncset.done $0x0  }
0xa0: {  	[sflag:s22] =	ssyncadd.s32 s4;
	_ =	sdelay $0x1  }
0xa1: {  	s23 =	simm.s32 $0x1B8B  }
0xa2: {  	_ =	swait.ge [sflag:s23], $0x1  }
0xa3: {  	[sflag:s23] =	ssyncset.done $0x0  }
0xa4: {  	s25 =	simm.s32 $0x1B8E;
	s24 =	sld [smem:$0x3FFE];
	[sflag:s23] =	ssyncadd.s32 $0xFFFFFFFF  }
0xa5: {  	s26 =	simm.s32 $execute0_lowered;
	[smem:$0x3FD2] =	sst s25  }
0xa6: {  	s5 =	sshll.u32 s26, $0x1;
	_ =	strace $0x80000046;
	[dreg:$0x1] =	wrdreg $0xFFFFFFFF  }
0xa7: {  	s28 =	simm.s32 $_size_execute0_lowered;
	s3 =	sadd.s32 s3, s5;
	[dreg:$0x0] =	wrdreg $0x0  }
0xa8: {  	s5 =	sshll.u32 s28, $0x1;
	[dreg:$0x2] =	wrdreg s3  }
0xa9: {  	[dreg:$0x3] =	wrdreg s5  }
0xaa: {  	[dreg:$0x4] =	wrdreg $0xC0  }
0xab: {  	_ =	task [dreg:s7], $0x5FFFF  }
0xac: {  	[dreg:$0x1] =	wrdreg $0xFFFFFFFF  }
0xad: {  	[dreg:$0x0] =	wrdreg $0x60  }
0xae: {  	[dreg:$0x2] =	wrdreg s2  }
0xaf: {  	[dreg:$0x3] =	wrdreg s24  }
0xb0: {  	[dreg:$0x4] =	wrdreg $0x9  }
0xb1: {  	_ =	task.clear_ibuf [dreg:s7], $0x5FFFF;
	_ =	strace $0x90000046  }
0xb2: {  	s29 =	simm.s32 $0x9;
	_ =	strace $0x80000048  }
0xb3: {  	_ =	swait.ge [sflag:s29], $0x1  }
0xb4: {  	[sflag:s29] =	ssyncadd.s32 $0xFFFFFFFF  }
0xb5: {  	_ =	strace $0x90000048  }
0xb6: {  	_ =	sfence  }
0xb7: {  	s30 =	sld [smem:$0x0];
	_ =	sdelay $0x2  }
0xb8: {  	s31 =	sshll.u32 s1, $0xD;
	s1 =	sshrl.u32 s1, $0x2  }
0xb9: {  	s3 =	sand.u32 $0x4000, s31;
	s1 =	sadd.s32 s1, s30  }
0xba: {  	s0 =	sor.u32 s3, s0;
	s1 =	sshll.u32 s1, $0x11  }
0xbb: {  	s0 =	sor.u32 s1, s0  }
0xbc: {  	s0 =	sadd.s32 $0x8F2B, s0  }
0xbd: {  	[sflag:s0] =	ssyncadd.remote.s32 $0x1  }
0xbe: {  	_ =	sfence.sel $0xFFFF  }
0xbf: {  	[dreg:$0x0] =	wrdreg $0xFFFFFFFF;
	(pc) =	sbr.abs _section_cstart, $3  }
0xc0: {  	[dreg:$0x1] =	wrdreg $0xFFFFFFFF  }
0xc1: {  	_ =	task.clear_ibuf [dreg:s7], $0x2FFFF;
	_ =	strace $0x9FFFFFFF  }
0xc2: {  	(tm) =	ssettm $0x7FFFFFFF  }
0xc3: {  	_ =	shalt  }
tec
execute0_lowered:
.L_overlay_start_1:
0x0: {  	(tag) =	ssettag $0x1  }
0x1: {  	s2 =	rddreg [dreg:$0x0]  }
0x2: {  	s0 =	rddreg [dreg:$0x1]  }
0x3: {  	s4 =	srdreg.scid;
	s1 =	stileid.u32;
	s3 =	simm.s32 $0x0  }
0x4: {  	s12 =	simm.s32 $0x5;
	s13 =	simm.s32 $0x2800;
	s14 =	simm.s32 $0x80  }
0x5: {  	s15 =	simm.s32 $0x5000;
	s16 =	simm.s32 $0xD000;
	s17 =	simm.s32 $0x9000  }
0x6: {  	s18 =	simm.s32 $0x2880;
	s19 =	simm.s32 $0x11000;
	s20 =	simm.s32 $0x1  }
0x7: {  	s21 =	simm.s32 $0x15000;
	s22 =	simm.s32 $0x2;
	s23 =	simm.s32 $0x19000  }
0x8: {  	s24 =	simm.s32 $0x3;
	s5 =	sand.u32 $0x1, s4;
	s30 =	sshll.u32 s1, $0x1  }
0x9: {  	s25 =	simm.s32 $0x4;
	s26 =	simm.s32 $0x0;
	s7 =	sor.u32 s5, s30  }
0xa: {  	[smem:$0x7FF] =	sst s3;
	s4 =	sadd.s32 $0x4000, s0;
	s6 =	smul.u32 $0x500, s7  }
0xb: {  	_ =	strace $0x80000047;
	s8 =	ssub.s32 $0x2, s5;
	s5 =	smul.u32 $0x13C000, s7  }
0xc: {  	s31 =	sshrl.u32 s8, $0x1;
	s10 =	smul.u32 $0x2780, s7;
	s9 =	sadd.s32 s6, s0  }
0xd: {  	s6 =	sadd.s32 $0x70400, s0;
	s0 =	ssub.s32 s8, s31;
	s11 =	sshrl.u32 s5, $0x3  }
0xe: {  	s7 =	sadd.s32 $0x3F000, s9;
	s8 =	sadd.s32 $0x35000, s9;
	s11 =	sadd.s32 s6, s11  }
0xf: {  	s9 =	sadd.s32 $0x80, s10;
	s10 =	sadd.s32 $0x27000, s11;
	s11 =	smax.u32 s0, $0x1  }
.LBB2_1:
0x10: {  	[tilespmem:s3], [sflag:$0x5] =	stream.linear.gather [hbm4b:s7+s3], $0x2780, $0x38;
	[tilespmem:$0x1D000] =	vst v63  }
0x11: {  	_ =	swait.ge [sflag:s12], $0x2780  }
0x12: {  	[sflag:s12] =	ssyncset.done $0x0  }
0x13: {  	[sflag:s12] =	ssyncadd.s32 $0xFFFFD880  }
0x14: {  	[tilespmem:s13], [sflag:$0x5] =	stream.linear.gather [hbm4b:s8+s3], $0x2780, $0x38;
	[tilespmem:$0x1D000] =	vst v63  }
0x15: {  	_ =	swait.ge [sflag:s12], $0x2780  }
0x16: {  	[sflag:s12] =	ssyncset.done $0x0  }
0x17: {  	[sflag:s12] =	ssyncadd.s32 $0xFFFFD880  }
0x18: {  	[tilespmem:s15], [sflag:$0x1] =	stream.indirect.gather [hbm4b:s2+s14], $0x80, s3, s14, $0xb8;
	[tilespmem:$0x1D000] =	vst v63  }
0x19: {  	_ = 	snop  }
0x1a: {  	[tilespmem:s16], [sflag:$0x1] =	stream.indirect.gather [hbm4b:s4+s14], $0x80, s13, s14, $0xb8;
	[tilespmem:$0x1D000] =	vst v63  }
0x1b: {  	_ = 	snop  }
0x1c: {  	[tilespmem:s17], [sflag:$0x2] =	stream.indirect.gather [hbm4b:s2+s14], $0x80, s14, s14, $0xb8;
	[tilespmem:$0x1D000] =	vst v63  }
0x1d: {  	s28 =	simm.s32 $0x0  }
0x1e: {  	[tilespmem:s19], [sflag:$0x2] =	stream.indirect.gather [hbm4b:s4+s14], $0x80, s18, s14, $0xb8;
	[tilespmem:$0x1D000] =	vst v63  }
.LBB2_2:
0x1f: {  	_ =	swait.ge [sflag:s20], $0x4000  }
0x20: {  	[sflag:s20] =	ssyncset.done $0x0  }
0x21: {  	[sflag:s20] =	ssyncadd.s32 $0xFFFFC000  }
0x22: {  	_ =	swait.ge [sflag:s20], $0x4000  }
0x23: {  	p0 =	seq.s32 s28, $0x0;
	[sflag:s20] =	ssyncset.done $0x0  }
0x24: {  	s0 =	simm.s32 @!p0 $0x3;
	[sflag:s20] =	ssyncadd.s32 $0xFFFFC000  }
0x25: {  	_ =	swait.ge @!p0 [sflag:s0], $0x4000  }
0x26: {  	[sflag:s0] =	ssyncset.done @!p0 $0x0  }
0x27: {  	s30 =	simm.s32 $0x0;
	[sflag:s0] =	ssyncadd.s32 @!p0 $0xFFFFC000  }
0x28: {  	v0 =	vld [tilespmem:s30+$0x5070]  }
0x29: {  	v1 =	vld [tilespmem:s30+$0xD070]  }
0x2a: {  	v2 =	vld [tilespmem:s30+$0x5000]  }
0x2b: {  	v3 =	vld [tilespmem:s30+$0xD000]  }
0x2c: {  	v4 =	vld [tilespmem:s30+$0x5010]  }
0x2d: {  	v5 =	vld [tilespmem:s30+$0xD010]  }
0x2e: {  	v6 =	vld [tilespmem:s30+$0x5020]  }
0x2f: {  	v7 =	vld [tilespmem:s30+$0x5030]  }
0x30: {  	v0 =	vadd.f32 v1, v0;
	v1 =	vld [tilespmem:s30+$0xD020]  }
0x31: {  	v8 =	vld [tilespmem:s30+$0xD030]  }
0x32: {  	v9 =	vld [tilespmem:s30+$0xD040];
	v2 =	vadd.f32 v3, v2  }
0x33: {  	[tilespmem:s30+$0x15070] =	vst v0;
	v0 =	vadd.f32 v5, v4;
	v5 =	vld [tilespmem:s30+$0x5040]  }
0x34: {  	v3 =	vld [tilespmem:s30+$0xD050];
	[tilespmem:s30+$0x15000] =	vst v2  }
0x35: {  	v2 =	vld [tilespmem:s30+$0x5050];
	[tilespmem:s30+$0x15010] =	vst v0;
	v0 =	vadd.f32 v1, v6  }
0x36: {  	v4 =	vld [tilespmem:s30+$0xD060];
	v6 =	vadd.f32 v8, v7  }
0x37: {  	s31 =	simm.s32 $0x80;
	[tilespmem:s30+$0x15020] =	vst v0;
	v0 =	vld [tilespmem:s30+$0x5060]  }
0x38: {  	s29 =	sshll.u32 s28, $0x8;
	s0 =	simm.s32 $0x400;
	v5 =	vadd.f32 v9, v5;
	v1 =	vld [tilespmem:s31+$0x5070];
	[tilespmem:s30+$0x15030] =	vst v6  }
.LBB2_3:
0x39: {  	p1 =	sne.s32 s0, $0xFE00;
	v6 =	vld [tilespmem:s31+$0xD070]  }
0x3a: {  	v7 =	vld [tilespmem:s31+$0x5000];
	[tilespmem:s30+$0x15040] =	vst v5;
	v2 =	vadd.f32 v3, v2  }
0x3b: {  	v3 =	vld [tilespmem:s31+$0xD000]  }
0x3c: {  	v5 =	vld [tilespmem:s31+$0x5010];
	[tilespmem:s30+$0x15050] =	vst v2;
	v0 =	vadd.f32 v4, v0  }
0x3d: {  	v2 =	vld [tilespmem:s31+$0xD010]  }
0x3e: {  	v4 =	vld [tilespmem:s31+$0x5020];
	v1 =	vadd.f32 v6, v1;
	[tilespmem:s30+$0x15060] =	vst v0;
	s30 =	smov.u32 s31  }
0x3f: {  	v0 =	vld [tilespmem:s30+$0xD020]  }
0x40: {  	v3 =	vadd.f32 v3, v7;
	v6 =	vld [tilespmem:s30+$0x5030];
	[tilespmem:s30+$0x15070] =	vst v1  }
0x41: {  	v1 =	vld [tilespmem:s30+$0xD030]  }
0x42: {  	[tilespmem:s30+$0x15000] =	vst v3;
	v2 =	vadd.f32 v2, v5;
	v5 =	vld [tilespmem:s30+$0x5040]  }
0x43: {  	v7 =	vld [tilespmem:s30+$0xD040]  }
.Ltmp0:
0x44: {  	[tilespmem:s30+$0x15010] =	vst v2;
	v0 =	vadd.f32 v0, v4;
	v2 =	vld [tilespmem:s30+$0x5050];
	(pc) =	sbr.rel @p1 .LBB2_3-.Ltmp0, $4  }
0x45: {  	v3 =	vld [tilespmem:s30+$0xD050]  }
0x46: {  	[tilespmem:s30+$0x15020] =	vst v0;
	v6 =	vadd.f32 v1, v6;
	v0 =	vld [tilespmem:s30+$0x5060]  }
0x47: {  	s31 =	sshra.s32 s0, $0x2;
	v4 =	vld [tilespmem:s30+$0xD060]  }
0x48: {  	s0 =	sadd.s32 $0x200, s0;
	v1 =	vld [tilespmem:s31+$0x5070];
	[tilespmem:s30+$0x15030] =	vst v6;
	v5 =	vadd.f32 v7, v5  }
0x49: {  	v6 =	vld [tilespmem:s31+$0xD070]  }
0x4a: {  	v7 =	vld [tilespmem:s31+$0x5000];
	[tilespmem:s30+$0x15040] =	vst v5;
	v2 =	vadd.f32 v3, v2  }
0x4b: {  	v3 =	vld [tilespmem:s31+$0xD000]  }
0x4c: {  	v5 =	vld [tilespmem:s31+$0x5010];
	[tilespmem:s30+$0x15050] =	vst v2;
	v0 =	vadd.f32 v4, v0  }
0x4d: {  	v2 =	vld [tilespmem:s31+$0xD010]  }
0x4e: {  	v4 =	vld [tilespmem:s31+$0x5020];
	[tilespmem:s30+$0x15060] =	vst v0  }
0x4f: {  	v0 =	vadd.f32 v6, v1;
	v1 =	vld [tilespmem:s31+$0xD020]  }
0x50: {  	v6 =	vld [tilespmem:s31+$0x5030]  }
0x51: {  	v3 =	vadd.f32 v3, v7;
	[tilespmem:s31+$0x15070] =	vst v0;
	v0 =	vld [tilespmem:s31+$0xD030]  }
0x52: {  	v7 =	vld [tilespmem:s31+$0xD060]  }
0x53: {  	[tilespmem:s31+$0x15000] =	vst v3;
	v2 =	vadd.f32 v2, v5;
	v3 =	vld [tilespmem:s31+$0x5040]  }
0x54: {  	v5 =	vld [tilespmem:s31+$0xD040]  }
0x55: {  	[tilespmem:s31+$0x15010] =	vst v2;
	v1 =	vadd.f32 v1, v4;
	v2 =	vld [tilespmem:s31+$0x5050]  }
0x56: {  	v4 =	vld [tilespmem:s31+$0xD050]  }
0x57: {  	[tilespmem:s31+$0x15020] =	vst v1;
	v1 =	vld [tilespmem:s31+$0x5060];
	_ =	sdelay $0x1  }
0x58: {  	v0 =	vadd.f32 v0, v6  }
0x59: {  	v3 =	vadd.f32 v5, v3  }
0x5a: {  	[tilespmem:s31+$0x15030] =	vst v0;
	v0 =	vadd.f32 v4, v2  }
0x5b: {  	[tilespmem:s31+$0x15040] =	vst v3;
	v1 =	vadd.f32 v7, v1  }
0x5c: {  	[tilespmem:s31+$0x15050] =	vst v0  }
0x5d: {  	s0 =	sadd.s32 $0x100, s29;
	[tilespmem:s31+$0x15060] =	vst v1  }
0x5e: {  	[tilespmem:s15], [sflag:$0x1] =	stream.indirect.gather [hbm4b:s2+s14], $0x80, s0, s14, $0xb8;
	[tilespmem:$0x1D000] =	vst v63  }
0x5f: {  	s0 =	sadd.s32 $0x2900, s29  }
0x60: {  	[tilespmem:s16], [sflag:$0x1] =	stream.indirect.gather [hbm4b:s4+s14], $0x80, s0, s14, $0xb8;
	[tilespmem:$0x1D000] =	vst v63  }
0x61: {  	s0 =	sshll.u32 s28, $0xF  }
0x62: {  	s0 =	sadd.s32 s5, s0  }
0x63: {  	s0 =	sshrl.u32 s0, $0x3  }
0x64: {  	s0 =	sadd.s32 s6, s0  }
0x65: {  	[hbm4b:s0+s3] =	stream.linear.scatter [tilespmem:s21], [sflag:$0x3], $0x4000, $0x38;
	[tilespmem:$0x1D000] =	vst v63  }
0x66: {  	_ =	swait.ge [sflag:s22], $0x4000  }
0x67: {  	[sflag:s22] =	ssyncset.done $0x0  }
0x68: {  	[sflag:s22] =	ssyncadd.s32 $0xFFFFC000  }
0x69: {  	_ =	swait.ge [sflag:s22], $0x4000  }
0x6a: {  	[sflag:s22] =	ssyncset.done $0x0  }
0x6b: {  	s0 =	simm.s32 @!p0 $0x4;
	[sflag:s22] =	ssyncadd.s32 $0xFFFFC000  }
0x6c: {  	_ =	swait.ge @!p0 [sflag:s0], $0x4000  }
0x6d: {  	[sflag:s0] =	ssyncset.done @!p0 $0x0  }
0x6e: {  	s30 =	simm.s32 $0x0;
	[sflag:s0] =	ssyncadd.s32 @!p0 $0xFFFFC000  }
0x6f: {  	v0 =	vld [tilespmem:s30+$0x9070]  }
0x70: {  	v1 =	vld [tilespmem:s30+$0x11070]  }
0x71: {  	v2 =	vld [tilespmem:s30+$0x9000]  }
0x72: {  	v3 =	vld [tilespmem:s30+$0x11000]  }
0x73: {  	v4 =	vld [tilespmem:s30+$0x9010]  }
0x74: {  	v5 =	vld [tilespmem:s30+$0x11010]  }
0x75: {  	v6 =	vld [tilespmem:s30+$0x9020]  }
0x76: {  	v7 =	vld [tilespmem:s30+$0x9030]  }
0x77: {  	v0 =	vadd.f32 v1, v0;
	v1 =	vld [tilespmem:s30+$0x11020]  }
0x78: {  	v8 =	vld [tilespmem:s30+$0x11030]  }
0x79: {  	v9 =	vld [tilespmem:s30+$0x11040];
	v2 =	vadd.f32 v3, v2  }
0x7a: {  	[tilespmem:s30+$0x19070] =	vst v0;
	v0 =	vadd.f32 v5, v4;
	v5 =	vld [tilespmem:s30+$0x9040]  }
0x7b: {  	v3 =	vld [tilespmem:s30+$0x11050];
	[tilespmem:s30+$0x19000] =	vst v2  }
0x7c: {  	v2 =	vld [tilespmem:s30+$0x9050];
	[tilespmem:s30+$0x19010] =	vst v0;
	v0 =	vadd.f32 v1, v6  }
0x7d: {  	v4 =	vld [tilespmem:s30+$0x11060];
	v6 =	vadd.f32 v8, v7  }
0x7e: {  	s31 =	simm.s32 $0x80;
	[tilespmem:s30+$0x19020] =	vst v0;
	v0 =	vld [tilespmem:s30+$0x9060]  }
0x7f: {  	s0 =	simm.s32 $0x400;
	v5 =	vadd.f32 v9, v5;
	v1 =	vld [tilespmem:s31+$0x9070];
	[tilespmem:s30+$0x19030] =	vst v6  }
.LBB2_5:
0x80: {  	p0 =	sne.s32 s0, $0xFE00;
	v6 =	vld [tilespmem:s31+$0x11070]  }
0x81: {  	v7 =	vld [tilespmem:s31+$0x9000];
	[tilespmem:s30+$0x19040] =	vst v5;
	v2 =	vadd.f32 v3, v2  }
0x82: {  	v3 =	vld [tilespmem:s31+$0x11000]  }
0x83: {  	v5 =	vld [tilespmem:s31+$0x9010];
	[tilespmem:s30+$0x19050] =	vst v2;
	v0 =	vadd.f32 v4, v0  }
0x84: {  	v2 =	vld [tilespmem:s31+$0x11010]  }
0x85: {  	v4 =	vld [tilespmem:s31+$0x9020];
	v1 =	vadd.f32 v6, v1;
	[tilespmem:s30+$0x19060] =	vst v0;
	s30 =	smov.u32 s31  }
0x86: {  	v0 =	vld [tilespmem:s30+$0x11020]  }
0x87: {  	v3 =	vadd.f32 v3, v7;
	v6 =	vld [tilespmem:s30+$0x9030];
	[tilespmem:s30+$0x19070] =	vst v1  }
0x88: {  	v1 =	vld [tilespmem:s30+$0x11030]  }
0x89: {  	[tilespmem:s30+$0x19000] =	vst v3;
	v2 =	vadd.f32 v2, v5;
	v5 =	vld [tilespmem:s30+$0x9040]  }
0x8a: {  	v7 =	vld [tilespmem:s30+$0x11040]  }
.Ltmp1:
0x8b: {  	[tilespmem:s30+$0x19010] =	vst v2;
	v0 =	vadd.f32 v0, v4;
	v2 =	vld [tilespmem:s30+$0x9050];
	(pc) =	sbr.rel @p0 .LBB2_5-.Ltmp1, $4  }
0x8c: {  	v3 =	vld [tilespmem:s30+$0x11050]  }
0x8d: {  	[tilespmem:s30+$0x19020] =	vst v0;
	v6 =	vadd.f32 v1, v6;
	v0 =	vld [tilespmem:s30+$0x9060]  }
0x8e: {  	s31 =	sshra.s32 s0, $0x2;
	v4 =	vld [tilespmem:s30+$0x11060]  }
0x8f: {  	s0 =	sadd.s32 $0x200, s0;
	v1 =	vld [tilespmem:s31+$0x9070];
	[tilespmem:s30+$0x19030] =	vst v6;
	v5 =	vadd.f32 v7, v5  }
0x90: {  	v6 =	vld [tilespmem:s31+$0x11070]  }
0x91: {  	v7 =	vld [tilespmem:s31+$0x9000];
	[tilespmem:s30+$0x19040] =	vst v5;
	v2 =	vadd.f32 v3, v2  }
0x92: {  	v51 =	vld [tilespmem:s31+$0x11000]  }
0x93: {  	v5 =	vld [tilespmem:s31+$0x9010];
	[tilespmem:s30+$0x19050] =	vst v2;
	v0 =	vadd.f32 v4, v0  }
0x94: {  	v2 =	vld [tilespmem:s31+$0x11010]  }
0x95: {  	v52 =	vld [tilespmem:s31+$0x9020];
	[tilespmem:s30+$0x19060] =	vst v0  }
0x96: {  	v54 =	vld [tilespmem:s31+$0x11020]  }
0x97: {  	v55 =	vld [tilespmem:s31+$0x9030]  }
0x98: {  	v56 =	vld [tilespmem:s31+$0x11030]  }
0x99: {  	v57 =	vld [tilespmem:s31+$0x9040]  }
0x9a: {  	v58 =	vld [tilespmem:s31+$0x11040]  }
0x9b: {  	v59 =	vld [tilespmem:s31+$0x9050]  }
0x9c: {  	v53 =	vadd.f32 v6, v1;
	v60 =	vld [tilespmem:s31+$0x11050]  }
0x9d: {  	v61 =	vld [tilespmem:s31+$0x9060];
	v3 =	vadd.f32 v51, v7  }
0x9e: {  	v62 =	vld [tilespmem:s31+$0x11060];
	[tilespmem:s31+$0x19070] =	vst v53;
	v2 =	vadd.f32 v2, v5  }
0x9f: {  	[tilespmem:s31+$0x19000] =	vst v3;
	v1 =	vadd.f32 v54, v52  }
0xa0: {  	[tilespmem:s31+$0x19010] =	vst v2;
	v0 =	vadd.f32 v56, v55  }
0xa1: {  	v3 =	vadd.f32 v58, v57;
	[tilespmem:s31+$0x19020] =	vst v1  }
0xa2: {  	v63 =	vadd.f32 v60, v59;
	[tilespmem:s31+$0x19030] =	vst v0  }
0xa3: {  	[tilespmem:s31+$0x19040] =	vst v3;
	v1 =	vadd.f32 v62, v61  }
0xa4: {  	p0 =	seq.s32 s28, $0x26;
	[tilespmem:s31+$0x19050] =	vst v63  }
0xa5: {  	s0 =	sadd.s32 @!p0 $0x180, s29;
	s30 =	simm.s32 @!p0 $0x80;
	[tilespmem:s31+$0x19060] =	vst v1;
	s31 =	simm.s32 @!p0 $0x9000  }
0xa6: {  	[tilespmem:s31], [sflag:$0x2] =	stream.indirect.gather @!p0 [hbm4b:s2+s30], $0x80, s0, s30, $0xb8;
	[tilespmem:$0x1D000] =	vst v63  }
0xa7: {  	s28 =	sadd.s32 $0x1, s28;
	s0 =	sadd.s32 @!p0 $0x2980, s29;
	s31 =	simm.s32 @!p0 $0x11000  }
0xa8: {  	[tilespmem:s31], [sflag:$0x2] =	stream.indirect.gather @!p0 [hbm4b:s4+s30], $0x80, s0, s30, $0xb8;
	[tilespmem:$0x1D000] =	vst v63  }
0xa9: {  	p0 =	sne.s32 s28, $0x27  }
.Ltmp2:
0xaa: {  	_ = 	snop;
	(pc) =	sbr.rel @p0 .LBB2_2-.Ltmp2, $4  }
0xab: {  	s31 =	sadd.s32 s29, s9  }
0xac: {  	s0 =	sshll.u32 s31, $0x4  }
0xad: {  	s0 =	sadd.s32 s6, s0  }
0xae: {  	[hbm4b:s0+s3] =	stream.linear.scatter [tilespmem:s23], [sflag:$0x4], $0x4000, $0x38;
	[tilespmem:$0x1D000] =	vst v63  }
0xaf: {  	_ =	swait.ge [sflag:s20], $0x4000  }
0xb0: {  	[sflag:s20] =	ssyncset.done $0x0  }
0xb1: {  	[sflag:s20] =	ssyncadd.s32 $0xFFFFC000  }
0xb2: {  	_ =	swait.ge [sflag:s20], $0x4000  }
0xb3: {  	[sflag:s20] =	ssyncset.done $0x0  }
0xb4: {  	[sflag:s20] =	ssyncadd.s32 $0xFFFFC000  }
0xb5: {  	_ =	swait.ge [sflag:s24], $0x4000  }
0xb6: {  	[sflag:s24] =	ssyncset.done $0x0  }
0xb7: {  	s28 =	simm.s32 $0x0;
	[sflag:s24] =	ssyncadd.s32 $0xFFFFC000  }
0xb8: {  	v0 =	vld [tilespmem:s28+$0x5070]  }
0xb9: {  	v1 =	vld [tilespmem:s28+$0xD070]  }
0xba: {  	v2 =	vld [tilespmem:s28+$0x5000]  }
0xbb: {  	v3 =	vld [tilespmem:s28+$0xD000]  }
0xbc: {  	v4 =	vld [tilespmem:s28+$0x5010]  }
0xbd: {  	v5 =	vld [tilespmem:s28+$0xD010]  }
0xbe: {  	v6 =	vld [tilespmem:s28+$0x5020]  }
0xbf: {  	v7 =	vld [tilespmem:s28+$0x5030]  }
0xc0: {  	v0 =	vadd.f32 v1, v0;
	v1 =	vld [tilespmem:s28+$0xD020]  }
0xc1: {  	v8 =	vld [tilespmem:s28+$0xD030]  }
0xc2: {  	v9 =	vld [tilespmem:s28+$0xD040];
	v2 =	vadd.f32 v3, v2  }
0xc3: {  	[tilespmem:s28+$0x15070] =	vst v0;
	v0 =	vadd.f32 v5, v4;
	v5 =	vld [tilespmem:s28+$0x5040]  }
0xc4: {  	v3 =	vld [tilespmem:s28+$0xD050];
	[tilespmem:s28+$0x15000] =	vst v2  }
0xc5: {  	v2 =	vld [tilespmem:s28+$0x5050];
	[tilespmem:s28+$0x15010] =	vst v0;
	v0 =	vadd.f32 v1, v6  }
0xc6: {  	v4 =	vld [tilespmem:s28+$0xD060];
	v6 =	vadd.f32 v8, v7  }
0xc7: {  	s29 =	simm.s32 $0x80;
	[tilespmem:s28+$0x15020] =	vst v0;
	v0 =	vld [tilespmem:s28+$0x5060]  }
0xc8: {  	s0 =	simm.s32 $0x400;
	v5 =	vadd.f32 v9, v5;
	v1 =	vld [tilespmem:s29+$0x5070];
	[tilespmem:s28+$0x15030] =	vst v6  }
.LBB2_8:
0xc9: {  	p0 =	sne.s32 s0, $0xFE00;
	v6 =	vld [tilespmem:s29+$0xD070]  }
0xca: {  	v7 =	vld [tilespmem:s29+$0x5000];
	[tilespmem:s28+$0x15040] =	vst v5;
	v2 =	vadd.f32 v3, v2  }
0xcb: {  	v3 =	vld [tilespmem:s29+$0xD000]  }
0xcc: {  	v5 =	vld [tilespmem:s29+$0x5010];
	[tilespmem:s28+$0x15050] =	vst v2;
	v0 =	vadd.f32 v4, v0  }
0xcd: {  	v2 =	vld [tilespmem:s29+$0xD010]  }
0xce: {  	v4 =	vld [tilespmem:s29+$0x5020];
	v1 =	vadd.f32 v6, v1;
	[tilespmem:s28+$0x15060] =	vst v0;
	s28 =	smov.u32 s29  }
0xcf: {  	v0 =	vld [tilespmem:s28+$0xD020]  }
0xd0: {  	v3 =	vadd.f32 v3, v7;
	v6 =	vld [tilespmem:s28+$0x5030];
	[tilespmem:s28+$0x15070] =	vst v1  }
0xd1: {  	v1 =	vld [tilespmem:s28+$0xD030]  }
0xd2: {  	[tilespmem:s28+$0x15000] =	vst v3;
	v2 =	vadd.f32 v2, v5;
	v5 =	vld [tilespmem:s28+$0x5040]  }
0xd3: {  	v7 =	vld [tilespmem:s28+$0xD040]  }
.Ltmp3:
0xd4: {  	[tilespmem:s28+$0x15010] =	vst v2;
	v0 =	vadd.f32 v0, v4;
	v2 =	vld [tilespmem:s28+$0x5050];
	(pc) =	sbr.rel @p0 .LBB2_8-.Ltmp3, $4  }
0xd5: {  	v3 =	vld [tilespmem:s28+$0xD050]  }
0xd6: {  	[tilespmem:s28+$0x15020] =	vst v0;
	v6 =	vadd.f32 v1, v6;
	v0 =	vld [tilespmem:s28+$0x5060]  }
0xd7: {  	s29 =	sshra.s32 s0, $0x2;
	v4 =	vld [tilespmem:s28+$0xD060]  }
0xd8: {  	s0 =	sadd.s32 $0x200, s0;
	v1 =	vld [tilespmem:s29+$0x5070];
	[tilespmem:s28+$0x15030] =	vst v6;
	v5 =	vadd.f32 v7, v5  }
0xd9: {  	v6 =	vld [tilespmem:s29+$0xD070]  }
0xda: {  	v7 =	vld [tilespmem:s29+$0x5000];
	[tilespmem:s28+$0x15040] =	vst v5;
	v2 =	vadd.f32 v3, v2  }
0xdb: {  	v51 =	vld [tilespmem:s29+$0xD000]  }
0xdc: {  	v5 =	vld [tilespmem:s29+$0x5010];
	[tilespmem:s28+$0x15050] =	vst v2;
	v0 =	vadd.f32 v4, v0  }
0xdd: {  	v2 =	vld [tilespmem:s29+$0xD010]  }
0xde: {  	v52 =	vld [tilespmem:s29+$0x5020];
	[tilespmem:s28+$0x15060] =	vst v0  }
0xdf: {  	v54 =	vld [tilespmem:s29+$0xD020]  }
0xe0: {  	v55 =	vld [tilespmem:s29+$0x5030]  }
0xe1: {  	v56 =	vld [tilespmem:s29+$0xD030]  }
0xe2: {  	v57 =	vld [tilespmem:s29+$0x5040]  }
0xe3: {  	v58 =	vld [tilespmem:s29+$0xD040]  }
0xe4: {  	v59 =	vld [tilespmem:s29+$0x5050]  }
0xe5: {  	v53 =	vadd.f32 v6, v1;
	v60 =	vld [tilespmem:s29+$0xD050]  }
0xe6: {  	v61 =	vld [tilespmem:s29+$0x5060];
	v3 =	vadd.f32 v51, v7  }
0xe7: {  	v62 =	vld [tilespmem:s29+$0xD060];
	[tilespmem:s29+$0x15070] =	vst v53;
	v2 =	vadd.f32 v2, v5  }
0xe8: {  	[tilespmem:s29+$0x15000] =	vst v3;
	v1 =	vadd.f32 v54, v52  }
0xe9: {  	[tilespmem:s29+$0x15010] =	vst v2;
	v0 =	vadd.f32 v56, v55  }
0xea: {  	v3 =	vadd.f32 v58, v57;
	[tilespmem:s29+$0x15020] =	vst v1  }
0xeb: {  	v63 =	vadd.f32 v60, v59;
	[tilespmem:s29+$0x15030] =	vst v0  }
0xec: {  	[tilespmem:s29+$0x15040] =	vst v3;
	v1 =	vadd.f32 v62, v61  }
0xed: {  	[tilespmem:s29+$0x15050] =	vst v63  }
0xee: {  	s26 =	sadd.s32 $0x1, s26;
	[tilespmem:s29+$0x15060] =	vst v1  }
0xef: {  	[hbm4b:s10+s3] =	stream.linear.scatter [tilespmem:s21], [sflag:$0x3], $0x4000, $0x38;
	[tilespmem:$0x1D000] =	vst v63  }
0xf0: {  	p0 =	sne.s32 s26, s11;
	_ =	swait.ge [sflag:s24], $0x4000  }
.Ltmp4:
0xf1: {  	[sflag:s24] =	ssyncset.done $0x0;
	(pc) =	sbr.rel @p0 .LBB2_1-.Ltmp4, $4  }
0xf2: {  	[sflag:s24] =	ssyncadd.s32 $0xFFFFC000  }
0xf3: {  	_ =	swait.ge [sflag:s25], $0x4000  }
0xf4: {  	[sflag:s25] =	ssyncset.done $0x0  }
0xf5: {  	[sflag:s25] =	ssyncadd.s32 $0xFFFFC000  }
0xf6: {  	_ =	sfence.sel $0x180000  }
0xf7: {  	[bflag:$0x0] =	sbarrier.arrive $0xFFFF  }
0xf8: {  	_ =	strace $0x90000047  }
0xf9: {  	[bflag:$0x2] =	sbarrier.arrive $0xFFFF  }
0xfa: {  	p0 =	sne.s32 s1, $0x0;
	s0 =	rddreg [dreg:$0x2]  }
0xfb: {  	s0 =	sadd.s32 @!p0 $0x100000, s0  }
0xfc: {  	[sflag:s0] =	ssyncadd.tile.s32 @!p0 $0x1;
	_ =	shalt  }
.Lfunc_end2:
_tile_overlayer_lowered:
.L_overlay_start_2:
0xfd: {  	(tag) =	ssettag $0x2  }
0xfe: {  	s0 =	rddreg [dreg:$0x0];
	s2 =	stileid.u32  }
0xff: {  	s1 =	rddreg [dreg:$0x1];
	p0 =	sne.s32 s2, $0x0  }
0x100: {  	s3 =	rddreg [dreg:$0x2];
	[bflag:$0x3] =	sbarrier.arrive $0xFFFF;
	s2 =	simm.s32 @!p0 $0x1C05  }
0x101: {  	[timem:s3], [sflag:s2] =	dma.local @!p0 [hbm:s0], s1  }
0x102: {  	s0 =	simm.s32 @!p0 $0x5  }
0x103: {  	_ =	swait.ge @!p0 [sflag:s0], s1  }
0x104: {  	s1 =	ssub.s32 @!p0 $0x0, s1;
	[sflag:s0] =	ssyncset.done @!p0 $0x0  }
0x105: {  	[sflag:s0] =	ssyncadd.s32 @!p0 s1  }
0x106: {  	[bflag:$0x3] =	sbarrier.arrive $0xFFFF  }
0x107: {  	_ =	shalt  }

</sc_bundles>
